<compile_context>
chip_gen: v7x
topology: tpu7x:2x2x1
jax: 0.10.2.dev20260603
libtpu: 0.0.44.dev20260713+nightly
codegen_flags: <defaults>
</compile_context>

<pallas_src>
import functools

import jax
import jax.numpy as jnp
from jax import lax
from jax.experimental import pallas as pl
from jax.experimental.pallas import tpu as pltpu
from jax.experimental.pallas import tpu_sc as plsc

N_NODES = 10000
N_EDGES = 160000
D_IN = 256
D_OUT = 256

NC = 2
NS = 16
L = 16

H = D_IN // 2
C = 80
NB = 4
NI = 8
GD = 3
DI = 4
K = -(-(-(-N_EDGES // (NS * C))) // NI) * NI
EPT = K * C
E_PAD = EPT * NS
N_ACC = N_NODES + 8
N_CNT = 10240
CSLC = N_CNT // NS
RPT = 624
RCHUNK = 48
R_TAIL = N_NODES - RPT * NS


def _sc_body(edges_hbm, xlo, xhi,
             sum_lo, sum_hi, cnt_out,
             i0, i1, i2, i3, i4, i5, i6, i7,
             r0, r1, r2, r3, zer_v, ones_v,
             acc_sh, cnt_sh,
             sg0, sg1, sg2, sg3, ss0, ss1, ss2, ss3,
             si0, si1, si2, si3, si4, si5, si6, si7,
             sh0, sh1, sh2, sh3, sh4, sh5, sh6, sh7):
    cid = lax.axis_index("c")
    sid = lax.axis_index("s")
    idx = (i0, i1, i2, i3, i4, i5, i6, i7)
    rows = (r0, r1, r2, r3)
    sem_g = (sg0, sg1, sg2, sg3)
    sem_s = (ss0, ss1, ss2, ss3)
    sem_i = (si0, si1, si2, si3, si4, si5, si6, si7)
    sem_h = (sh0, sh1, sh2, sh3, sh4, sh5, sh6, sh7)

    def zrows(i, _):
        def zcol(j, _):
            r0[i, pl.ds(j * L, L)] = jnp.zeros((L,), jnp.float32)
            return 0

        lax.fori_loop(0, H // L, zcol, 0)
        return 0

    lax.fori_loop(0, RCHUNK, zrows, 0)

    def zbuf(i, _):
        zer_v[pl.ds(i * L, L)] = jnp.zeros((L,), jnp.float32)
        return 0

    lax.fori_loop(0, CSLC // L, zbuf, 0)

    def fones(i, _):
        ones_v[pl.ds(i * L, L)] = jnp.ones((L,), jnp.float32)
        return 0

    lax.fori_loop(0, C // L, fones, 0)

    pltpu.sync_copy(zer_v, cnt_sh.at[pl.ds(sid * CSLC, CSLC)])
    base = sid * RPT
    for j in range(RPT // RCHUNK):
        r = base + j * RCHUNK
        pltpu.sync_copy(r0.at[pl.ds(0, RCHUNK)], acc_sh.at[pl.ds(r, RCHUNK)])

    @pl.when(sid == 0)
    def _():
        nt = N_ACC - RPT * NS
        pltpu.sync_copy(r0.at[pl.ds(0, nt)], acc_sh.at[pl.ds(RPT * NS, nt)])

    plsc.subcore_barrier()

    def idx_start(g, q):
        pltpu.async_copy(edges_hbm.at[:, sid, g], idx[q], sem_i[q])

    def idx_wait(g, q):
        pltpu.make_async_copy(edges_hbm.at[:, sid, g], idx[q], sem_i[q]).wait()

    def gather_start(g, b, q):
        @pl.when(cid == 0)
        def _():
            pltpu.async_copy(xlo.at[idx[q].at[0]], rows[b], sem_g[b])

        @pl.when(cid == 1)
        def _():
            pltpu.async_copy(xhi.at[idx[q].at[0]], rows[b], sem_g[b])

    def gather_wait(g, b, q):
        @pl.when(cid == 0)
        def _():
            pltpu.make_async_copy(xlo.at[idx[q].at[0]], rows[b], sem_g[b]).wait()

        @pl.when(cid == 1)
        def _():
            pltpu.make_async_copy(xhi.at[idx[q].at[0]], rows[b], sem_g[b]).wait()

    def scatter_start(b, q):
        pltpu.async_copy(rows[b], acc_sh.at[idx[q].at[1]], sem_s[b], add=True)

    def scatter_wait(b, q):
        pltpu.make_async_copy(rows[b], acc_sh.at[idx[q].at[1]], sem_s[b]).wait()

    def hist_start(q):
        pltpu.async_copy(ones_v, cnt_sh.at[idx[q].at[1]], sem_h[q], add=True)

    def hist_wait(q):
        pltpu.make_async_copy(ones_v, cnt_sh.at[idx[q].at[1]], sem_h[q]).wait()

    for q in range(DI):
        idx_start(q, q)
    for g in range(GD):
        idx_wait(g, g)
        gather_start(g, g, g)

    def step(i, _):
        for u in range(NI):
            g = i * NI + u
            b = u % NB
            q = u % NI

            gather_wait(g, b, q)

            @pl.when(cid == 0)
            def _():
                pltpu.sync_copy(ones_v, cnt_sh.at[idx[q].at[1]], add=True)

            scatter_start(b, q)

            jx = g + DI
            qj = (u + DI) % NI

            @pl.when(jx < K)
            def _():
                idx_start(jx, qj)

            h = g + GD
            bh = (u + GD) % NB
            qh = (u + GD) % NI

            @pl.when(h < K)
            def _():
                @pl.when(h - NB >= 0)
                def _():
                    scatter_wait(bh, qh)

                idx_wait(h, qh)
                gather_start(h, bh, qh)

        return 0

    lax.fori_loop(0, K // NI, step, 0)

    for u in range(NB):
        scatter_wait((K - NB + u) % NB, (K - NB + u) % NI)

    plsc.subcore_barrier()

    @pl.when(cid == 0)
    def _():
        pltpu.sync_copy(cnt_sh.at[pl.ds(sid * CSLC, CSLC)],
                        cnt_out.at[pl.ds(sid * CSLC, CSLC)])

    def copy_out(r, nrows):
        @pl.when(cid == 0)
        def _():
            pltpu.sync_copy(acc_sh.at[pl.ds(r, nrows)], sum_lo.at[pl.ds(r, nrows)])

        @pl.when(cid == 1)
        def _():
            pltpu.sync_copy(acc_sh.at[pl.ds(r, nrows)], sum_hi.at[pl.ds(r, nrows)])

    for j in range(RPT // RCHUNK):
        copy_out(base + j * RCHUNK, RCHUNK)

    @pl.when(sid == 0)
    def _():
        copy_out(RPT * NS, R_TAIL)


_sc_segment_sum = functools.partial(
    pl.kernel,
    out_type=[
        jax.ShapeDtypeStruct((N_NODES, H), jnp.float32),
        jax.ShapeDtypeStruct((N_NODES, H), jnp.float32),
        jax.ShapeDtypeStruct((N_CNT,), jnp.float32),
    ],
    mesh=plsc.VectorSubcoreMesh(
        core_axis_name="c", subcore_axis_name="s", num_cores=NC, num_subcores=NS
    ),
    scratch_types=(
        [pltpu.VMEM((2, C), jnp.int32)] * NI
        + [pltpu.VMEM((C, H), jnp.float32)] * NB
        + [
            pltpu.VMEM((CSLC,), jnp.float32),
            pltpu.VMEM((C,), jnp.float32),
            pltpu.VMEM_SHARED((N_ACC, H), jnp.float32),
            pltpu.VMEM_SHARED((N_CNT,), jnp.float32),
        ]
        + [pltpu.SemaphoreType.DMA] * (NB + NB + NI + NI)
    ),
)(_sc_body)


R_BLK = 1024


def _tc_body(x_ref, slo_ref, shi_ref, cnt_ref, wl_ref, wr_ref, b_ref, o_ref):
    cnt_row = jnp.reshape(cnt_ref[...], (1, R_BLK))
    cnt_col = lax.dot_general(
        cnt_row, jnp.ones((1, 1), jnp.float32),
        (((0,), (0,)), ((), ())), preferred_element_type=jnp.float32,
        precision=lax.Precision.HIGHEST)
    inv = 1.0 / jnp.maximum(cnt_col, 1.0)
    ml = slo_ref[...] * inv
    mh = shi_ref[...] * inv
    acc = jnp.dot(ml, wl_ref[0:H, :], preferred_element_type=jnp.float32,
                  precision=lax.Precision.HIGHEST)
    acc += jnp.dot(mh, wl_ref[H:D_IN, :], preferred_element_type=jnp.float32,
                   precision=lax.Precision.HIGHEST)
    acc += jnp.dot(x_ref[...], wr_ref[...], preferred_element_type=jnp.float32,
                   precision=lax.Precision.HIGHEST)
    o_ref[...] = acc + b_ref[...]


def _tc_combine(x, sum_lo, sum_hi, cnt, W_l, W_r, b2):
    grid = -(-N_NODES // R_BLK)
    return pl.pallas_call(
        _tc_body,
        grid=(grid,),
        in_specs=[
            pl.BlockSpec((R_BLK, D_IN), lambda i: (i, 0)),
            pl.BlockSpec((R_BLK, H), lambda i: (i, 0)),
            pl.BlockSpec((R_BLK, H), lambda i: (i, 0)),
            pl.BlockSpec((R_BLK,), lambda i: (i,)),
            pl.BlockSpec((D_IN, D_OUT), lambda i: (0, 0)),
            pl.BlockSpec((D_IN, D_OUT), lambda i: (0, 0)),
            pl.BlockSpec((1, D_OUT), lambda i: (0, 0)),
        ],
        out_specs=pl.BlockSpec((R_BLK, D_OUT), lambda i: (i, 0)),
        out_shape=jax.ShapeDtypeStruct((N_NODES, D_OUT), jnp.float32),
    )(x, sum_lo, sum_hi, cnt, W_l, W_r, b2)


@jax.jit
def kernel(x, edge_index, W_l, W_r, b):
    ei = edge_index.astype(jnp.int32)
    pad = E_PAD - N_EDGES
    pad_blk = jnp.stack([
        jnp.zeros((pad,), jnp.int32),
        jnp.full((pad,), N_NODES, jnp.int32),
    ])
    edges = jnp.concatenate([ei, pad_blk], axis=1).reshape(2, NS, K, C)
    xlo = x[:, :H]
    xhi = x[:, H:]
    sum_lo, sum_hi, cnt = _sc_segment_sum(edges, xlo, xhi)
    return _tc_combine(x, sum_lo, sum_hi, cnt, W_l, W_r, b.reshape(1, D_OUT))

# --- scband reference (transcript-rebuilt; emitter-appended) ---
"""Pipeline reference for scband-sageconv-34007551050421 (READ-ONLY COPY).

The authoritative reference and input builder live on the scoring server;
editing this copy changes nothing except your own understanding.
"""

import jax, jax.numpy as jnp
import numpy as np

N_NODES = 10000
N_EDGES = 160000
D_IN = 256
D_OUT = 256


def setup_inputs(seed: int = 0) -> dict:
    key = jax.random.key(seed)
    k1, k2, k3, k4, k5 = jax.random.split(key, 5)
    x = jax.random.normal(k1, (N_NODES, D_IN), dtype=jnp.float32)
    edge_index = jax.random.randint(k2, (2, N_EDGES), 0, N_NODES, dtype=jnp.int64)
    # Learned params for SAGEConv: W_l applied to aggregated neighbors, W_r to self, bias
    scale = 1.0 / np.sqrt(D_IN)
    W_l = jax.random.uniform(k3, (D_IN, D_OUT), dtype=jnp.float32, minval=-scale, maxval=scale)
    W_r = jax.random.uniform(k4, (D_IN, D_OUT), dtype=jnp.float32, minval=-scale, maxval=scale)
    b = jax.random.uniform(k5, (D_OUT,), dtype=jnp.float32, minval=-scale, maxval=scale)
    return {"x": x, "edge_index": edge_index, "W_l": W_l, "W_r": W_r, "b": b}


def reference(x, edge_index, W_l, W_r, b):
    # GraphSAGE with mean aggregation (pyg.nn.SAGEConv default):
    # out_i = mean_{j in N(i)} x_j @ W_l + x_i @ W_r + b
    src = edge_index[0]
    dst = edge_index[1]
    msgs = jnp.take(x, src, axis=0)  # gather neighbor features [E, D_IN]
    summed = jax.ops.segment_sum(msgs, dst, num_segments=N_NODES)  # scatter-add
    counts = jax.ops.segment_sum(jnp.ones((src.shape[0],), dtype=x.dtype), dst, num_segments=N_NODES)
    mean = summed / jnp.clip(counts, 1.0, None)[:, None]
    out = mean @ W_l + x @ W_r + b
    return out

if __name__ == "__main__":
    import jax
    _d = setup_inputs()
    print(jax.jit(kernel)(*tuple(_d.values())))

</pallas_src>

<mosaic_0001>
#map = affine_map<(d0, d1) -> (0, 0, 0, 0)>
#map1 = affine_map<(d0, d1) -> (0, 0)>
#map2 = affine_map<(d0, d1) -> (0)>
module attributes {stable_mosaic.version = 14 : i64} {
  func.func @_sc_body(%arg0: i32, %arg1: i32, %arg2: memref<2x16x128x80xi32, #tpu.memory_space<hbm>>, %arg3: memref<10000x128xf32, #tpu.memory_space<hbm>>, %arg4: memref<10000x128xf32, #tpu.memory_space<hbm>>, %arg5: memref<10000x128xf32, #tpu.memory_space<hbm>>, %arg6: memref<10000x128xf32, #tpu.memory_space<hbm>>, %arg7: memref<10240xf32, #tpu.memory_space<hbm>>, %arg8: memref<2x80xi32, #tpu.memory_space<vmem>>, %arg9: memref<2x80xi32, #tpu.memory_space<vmem>>, %arg10: memref<2x80xi32, #tpu.memory_space<vmem>>, %arg11: memref<2x80xi32, #tpu.memory_space<vmem>>, %arg12: memref<2x80xi32, #tpu.memory_space<vmem>>, %arg13: memref<2x80xi32, #tpu.memory_space<vmem>>, %arg14: memref<2x80xi32, #tpu.memory_space<vmem>>, %arg15: memref<2x80xi32, #tpu.memory_space<vmem>>, %arg16: memref<80x128xf32, #tpu.memory_space<vmem>>, %arg17: memref<80x128xf32, #tpu.memory_space<vmem>>, %arg18: memref<80x128xf32, #tpu.memory_space<vmem>>, %arg19: memref<80x128xf32, #tpu.memory_space<vmem>>, %arg20: memref<640xf32, #tpu.memory_space<vmem>>, %arg21: memref<80xf32, #tpu.memory_space<vmem>>, %arg22: memref<10008x128xf32, #tpu.memory_space<vmem_shared>>, %arg23: memref<10240xf32, #tpu.memory_space<vmem_shared>>, %arg24: memref<!tpu.dma_semaphore, #tpu.memory_space<semaphore_mem>>, %arg25: memref<!tpu.dma_semaphore, #tpu.memory_space<semaphore_mem>>, %arg26: memref<!tpu.dma_semaphore, #tpu.memory_space<semaphore_mem>>, %arg27: memref<!tpu.dma_semaphore, #tpu.memory_space<semaphore_mem>>, %arg28: memref<!tpu.dma_semaphore, #tpu.memory_space<semaphore_mem>>, %arg29: memref<!tpu.dma_semaphore, #tpu.memory_space<semaphore_mem>>, %arg30: memref<!tpu.dma_semaphore, #tpu.memory_space<semaphore_mem>>, %arg31: memref<!tpu.dma_semaphore, #tpu.memory_space<semaphore_mem>>, %arg32: memref<!tpu.dma_semaphore, #tpu.memory_space<semaphore_mem>>, %arg33: memref<!tpu.dma_semaphore, #tpu.memory_space<semaphore_mem>>, %arg34: memref<!tpu.dma_semaphore, #tpu.memory_space<semaphore_mem>>, %arg35: memref<!tpu.dma_semaphore, #tpu.memory_space<semaphore_mem>>, %arg36: memref<!tpu.dma_semaphore, #tpu.memory_space<semaphore_mem>>, %arg37: memref<!tpu.dma_semaphore, #tpu.memory_space<semaphore_mem>>, %arg38: memref<!tpu.dma_semaphore, #tpu.memory_space<semaphore_mem>>, %arg39: memref<!tpu.dma_semaphore, #tpu.memory_space<semaphore_mem>>, %arg40: memref<!tpu.dma_semaphore, #tpu.memory_space<semaphore_mem>>, %arg41: memref<!tpu.dma_semaphore, #tpu.memory_space<semaphore_mem>>, %arg42: memref<!tpu.dma_semaphore, #tpu.memory_space<semaphore_mem>>, %arg43: memref<!tpu.dma_semaphore, #tpu.memory_space<semaphore_mem>>, %arg44: memref<!tpu.dma_semaphore, #tpu.memory_space<semaphore_mem>>, %arg45: memref<!tpu.dma_semaphore, #tpu.memory_space<semaphore_mem>>, %arg46: memref<!tpu.dma_semaphore, #tpu.memory_space<semaphore_mem>>, %arg47: memref<!tpu.dma_semaphore, #tpu.memory_space<semaphore_mem>>) attributes {dimension_semantics = [#tpu.dimension_semantics<core_parallel>, #tpu.dimension_semantics<subcore_parallel>], iteration_bounds = array<i64: 2, 16>, scalar_prefetch = 0 : i64, scratch_operands = 40 : i64, tpu.core_type = #tpu.core_type<sc_vector_subcore>, window_params = [{transform_indices = #map}, {transform_indices = #map1}, {transform_indices = #map1}, {transform_indices = #map1}, {transform_indices = #map1}, {transform_indices = #map2}]} {
    %scan3A = arith.constant 0 : i32
    %scan3A_0 = arith.constant 0 : i32
    %scan3A_1 = arith.constant 48 : i32
    %scan3A_2 = arith.addi %scan3A_0, %scan3A_1 : i32
    %scan3A_3 = arith.constant 1 : i32
    %scan3A_4 = scf.for %scan3A_343 = %scan3A_0 to %scan3A_2 step %scan3A_3 iter_args(%scan3A_344 = %scan3A) -> (i32)  : i32 {
      %scan3A_345 = arith.constant 0 : i32
      %scan3A_346 = arith.constant 0 : i32
      %scan3A_347 = arith.constant 8 : i32
      %scan3A_348 = arith.addi %scan3A_346, %scan3A_347 : i32
      %scan3A_349 = arith.constant 1 : i32
      %scan3A_350 = scf.for %scan3A_353 = %scan3A_346 to %scan3A_348 step %scan3A_349 iter_args(%scan3A_354 = %scan3A_345) -> (i32)  : i32 {
        %broadcast_in_dim3A = arith.constant 0.000000e+00 : f32
        %broadcast_in_dim3A_355 = vector.broadcast %broadcast_in_dim3A : f32 to vector<16xf32>
        %mul3A_356 = arith.constant 16 : i32
        %mul3A_357 = arith.muli %scan3A_353, %mul3A_356 : i32
        %swap3A = arith.index_cast %scan3A_343 : i32 to index
        %swap3A_358 = arith.index_cast %mul3A_357 : i32 to index
        %swap3A_359 = tpu.vector_load %arg16[%swap3A, %swap3A_358] {strides = array<i32>} : memref<80x128xf32, #tpu.memory_space<vmem>>, vector<1x16xf32>,
        %swap3A_360 = vector.shape_cast %swap3A_359 : vector<1x16xf32> to vector<16xf32>
        %swap3A_361 = vector.shape_cast %broadcast_in_dim3A_355 : vector<16xf32> to vector<1x16xf32>
        tpu.vector_store %arg16[%swap3A, %swap3A_358], %swap3A_361 {strides = array<i32>} : memref<80x128xf32, #tpu.memory_space<vmem>>, vector<1x16xf32>,
        %scan3A_362 = arith.constant 0 : i32
        scf.yield %scan3A_362 : i32
      }
      %scan3A_351 = arith.constant 8 : i32
      %scan3A_352 = arith.constant 0 : i32
      scf.yield %scan3A_352 : i32
    }
    %scan3A_5 = arith.constant 48 : i32
    %scan3A_6 = arith.constant 0 : i32
    %scan3A_7 = arith.constant 0 : i32
    %scan3A_8 = arith.constant 40 : i32
    %scan3A_9 = arith.addi %scan3A_7, %scan3A_8 : i32
    %scan3A_10 = arith.constant 1 : i32
    %scan3A_11 = scf.for %scan3A_343 = %scan3A_7 to %scan3A_9 step %scan3A_10 iter_args(%scan3A_344 = %scan3A_6) -> (i32)  : i32 {
      %broadcast_in_dim3A = arith.constant 0.000000e+00 : f32
      %broadcast_in_dim3A_345 = vector.broadcast %broadcast_in_dim3A : f32 to vector<16xf32>
      %mul3A_346 = arith.constant 16 : i32
      %mul3A_347 = arith.muli %scan3A_343, %mul3A_346 : i32
      %swap3A = arith.index_cast %mul3A_347 : i32 to index
      %swap3A_348 = tpu.vector_load %arg20[%swap3A] {strides = array<i32>} : memref<640xf32, #tpu.memory_space<vmem>>, vector<16xf32>,
      %swap3A_349 = vector.shape_cast %swap3A_348 : vector<16xf32> to vector<16xf32>
      %swap3A_350 = vector.shape_cast %broadcast_in_dim3A_345 : vector<16xf32> to vector<16xf32>
      tpu.vector_store %arg20[%swap3A], %swap3A_350 {strides = array<i32>} : memref<640xf32, #tpu.memory_space<vmem>>, vector<16xf32>,
      %scan3A_351 = arith.constant 0 : i32
      scf.yield %scan3A_351 : i32
    }
    %scan3A_12 = arith.constant 40 : i32
    %scan3A_13 = arith.constant 0 : i32
    %scan3A_14 = arith.constant 0 : i32
    %scan3A_15 = arith.constant 5 : i32
    %scan3A_16 = arith.addi %scan3A_14, %scan3A_15 : i32
    %scan3A_17 = arith.constant 1 : i32
    %scan3A_18 = scf.for %scan3A_343 = %scan3A_14 to %scan3A_16 step %scan3A_17 iter_args(%scan3A_344 = %scan3A_13) -> (i32)  : i32 {
      %broadcast_in_dim3A = arith.constant 1.000000e+00 : f32
      %broadcast_in_dim3A_345 = vector.broadcast %broadcast_in_dim3A : f32 to vector<16xf32>
      %mul3A_346 = arith.constant 16 : i32
      %mul3A_347 = arith.muli %scan3A_343, %mul3A_346 : i32
      %swap3A = arith.index_cast %mul3A_347 : i32 to index
      %swap3A_348 = tpu.vector_load %arg21[%swap3A] {strides = array<i32>} : memref<80xf32, #tpu.memory_space<vmem>>, vector<16xf32>,
      %swap3A_349 = vector.shape_cast %swap3A_348 : vector<16xf32> to vector<16xf32>
      %swap3A_350 = vector.shape_cast %broadcast_in_dim3A_345 : vector<16xf32> to vector<16xf32>
      tpu.vector_store %arg21[%swap3A], %swap3A_350 {strides = array<i32>} : memref<80xf32, #tpu.memory_space<vmem>>, vector<16xf32>,
      %scan3A_351 = arith.constant 0 : i32
      scf.yield %scan3A_351 : i32
    }
    %scan3A_19 = arith.constant 5 : i32
    %mul3A = arith.constant 640 : i32
    %mul3A_20 = arith.muli %arg1, %mul3A : i32
    "tpu.region"() ({
      %run_scoped3A = tpu.sem_alloc : memref<!tpu.dma_semaphore, #tpu.memory_space<semaphore_mem>>
      %dma_start3A_343 = tpu.memref_slice %arg23[%mul3A_20] : memref<10240xf32, #tpu.memory_space<vmem_shared>> -> memref<640xf32, #tpu.memory_space<vmem_shared>>
      %dma_start3A_344 = tpu.memref_slice %arg23[%mul3A_20] : memref<10240xf32, #tpu.memory_space<vmem_shared>> -> memref<640xf32, #tpu.memory_space<vmem_shared>>
      tpu.enqueue_dma source(%arg20 : memref<640xf32, #tpu.memory_space<vmem>>) target(%dma_start3A_344 : memref<640xf32, #tpu.memory_space<vmem_shared>>) target_semaphore(%run_scoped3A : memref<!tpu.dma_semaphore, #tpu.memory_space<semaphore_mem>>)
      %dma_wait3A_345 = tpu.memref_slice %arg23[%mul3A_20] : memref<10240xf32, #tpu.memory_space<vmem_shared>> -> memref<640xf32, #tpu.memory_space<vmem_shared>>
      %dma_wait3A_346 = tpu.memref_slice %arg23[%mul3A_20] : memref<10240xf32, #tpu.memory_space<vmem_shared>> -> memref<640xf32, #tpu.memory_space<vmem_shared>>
      tpu.wait_dma2 semaphore(%run_scoped3A : memref<!tpu.dma_semaphore, #tpu.memory_space<semaphore_mem>>) src(%arg20 : memref<640xf32, #tpu.memory_space<vmem>>) dst(%dma_wait3A_346 : memref<640xf32, #tpu.memory_space<vmem_shared>>)
      tpu.yield
    }) : () -> ()
    %mul3A_21 = arith.constant 624 : i32
    %mul3A_22 = arith.muli %arg1, %mul3A_21 : i32
    %add3A = arith.constant 0 : i32
    %add3A_23 = arith.addi %mul3A_22, %add3A : i32
    "tpu.region"() ({
      %run_scoped3A = tpu.sem_alloc : memref<!tpu.dma_semaphore, #tpu.memory_space<semaphore_mem>>
      %dma_start3A_343 = arith.constant 0 : i32
      %dma_start3A_344 = arith.constant 0 : i32
      %dma_start3A_345 = tpu.memref_slice %arg16[%dma_start3A_343, %dma_start3A_344] : memref<80x128xf32, #tpu.memory_space<vmem>> -> memref<48x128xf32, #tpu.memory_space<vmem>>
      %dma_start3A_346 = arith.constant 0 : i32
      %dma_start3A_347 = tpu.memref_slice %arg22[%add3A_23, %dma_start3A_346] : memref<10008x128xf32, #tpu.memory_space<vmem_shared>> -> memref<48x128xf32, #tpu.memory_space<vmem_shared>>
      %dma_start3A_348 = arith.constant 0 : i32
      %dma_start3A_349 = tpu.memref_slice %arg22[%add3A_23, %dma_start3A_348] : memref<10008x128xf32, #tpu.memory_space<vmem_shared>> -> memref<48x128xf32, #tpu.memory_space<vmem_shared>>
      %dma_start3A_350 = arith.constant 0 : i32
      %dma_start3A_351 = arith.constant 0 : i32
      %dma_start3A_352 = tpu.memref_slice %arg16[%dma_start3A_350, %dma_start3A_351] : memref<80x128xf32, #tpu.memory_space<vmem>> -> memref<48x128xf32, #tpu.memory_space<vmem>>
      tpu.enqueue_dma source(%dma_start3A_352 : memref<48x128xf32, #tpu.memory_space<vmem>>) target(%dma_start3A_349 : memref<48x128xf32, #tpu.memory_space<vmem_shared>>) target_semaphore(%run_scoped3A : memref<!tpu.dma_semaphore, #tpu.memory_space<semaphore_mem>>)
      %dma_wait3A_353 = arith.constant 0 : i32
      %dma_wait3A_354 = arith.constant 0 : i32
      %dma_wait3A_355 = tpu.memref_slice %arg16[%dma_wait3A_353, %dma_wait3A_354] : memref<80x128xf32, #tpu.memory_space<vmem>> -> memref<48x128xf32, #tpu.memory_space<vmem>>
      %dma_wait3A_356 = arith.constant 0 : i32
      %dma_wait3A_357 = tpu.memref_slice %arg22[%add3A_23, %dma_wait3A_356] : memref<10008x128xf32, #tpu.memory_space<vmem_shared>> -> memref<48x128xf32, #tpu.memory_space<vmem_shared>>
      %dma_wait3A_358 = arith.constant 0 : i32
      %dma_wait3A_359 = tpu.memref_slice %arg22[%add3A_23, %dma_wait3A_358] : memref<10008x128xf32, #tpu.memory_space<vmem_shared>> -> memref<48x128xf32, #tpu.memory_space<vmem_shared>>
      %dma_wait3A_360 = arith.constant 0 : i32
      %dma_wait3A_361 = arith.constant 0 : i32
      %dma_wait3A_362 = tpu.memref_slice %arg16[%dma_wait3A_360, %dma_wait3A_361] : memref<80x128xf32, #tpu.memory_space<vmem>> -> memref<48x128xf32, #tpu.memory_space<vmem>>
      tpu.wait_dma2 semaphore(%run_scoped3A : memref<!tpu.dma_semaphore, #tpu.memory_space<semaphore_mem>>) src(%dma_wait3A_362 : memref<48x128xf32, #tpu.memory_space<vmem>>) dst(%dma_wait3A_359 : memref<48x128xf32, #tpu.memory_space<vmem_shared>>)
      tpu.yield
    }) : () -> ()
    %add3A_24 = arith.constant 48 : i32
    %add3A_25 = arith.addi %mul3A_22, %add3A_24 : i32
    "tpu.region"() ({
      %run_scoped3A = tpu.sem_alloc : memref<!tpu.dma_semaphore, #tpu.memory_space<semaphore_mem>>
      %dma_start3A_343 = arith.constant 0 : i32
      %dma_start3A_344 = arith.constant 0 : i32
      %dma_start3A_345 = tpu.memref_slice %arg16[%dma_start3A_343, %dma_start3A_344] : memref<80x128xf32, #tpu.memory_space<vmem>> -> memref<48x128xf32, #tpu.memory_space<vmem>>
      %dma_start3A_346 = arith.constant 0 : i32
      %dma_start3A_347 = tpu.memref_slice %arg22[%add3A_25, %dma_start3A_346] : memref<10008x128xf32, #tpu.memory_space<vmem_shared>> -> memref<48x128xf32, #tpu.memory_space<vmem_shared>>
      %dma_start3A_348 = arith.constant 0 : i32
      %dma_start3A_349 = tpu.memref_slice %arg22[%add3A_25, %dma_start3A_348] : memref<10008x128xf32, #tpu.memory_space<vmem_shared>> -> memref<48x128xf32, #tpu.memory_space<vmem_shared>>
      %dma_start3A_350 = arith.constant 0 : i32
      %dma_start3A_351 = arith.constant 0 : i32
      %dma_start3A_352 = tpu.memref_slice %arg16[%dma_start3A_350, %dma_start3A_351] : memref<80x128xf32, #tpu.memory_space<vmem>> -> memref<48x128xf32, #tpu.memory_space<vmem>>
      tpu.enqueue_dma source(%dma_start3A_352 : memref<48x128xf32, #tpu.memory_space<vmem>>) target(%dma_start3A_349 : memref<48x128xf32, #tpu.memory_space<vmem_shared>>) target_semaphore(%run_scoped3A : memref<!tpu.dma_semaphore, #tpu.memory_space<semaphore_mem>>)
      %dma_wait3A_353 = arith.constant 0 : i32
      %dma_wait3A_354 = arith.constant 0 : i32
      %dma_wait3A_355 = tpu.memref_slice %arg16[%dma_wait3A_353, %dma_wait3A_354] : memref<80x128xf32, #tpu.memory_space<vmem>> -> memref<48x128xf32, #tpu.memory_space<vmem>>
      %dma_wait3A_356 = arith.constant 0 : i32
      %dma_wait3A_357 = tpu.memref_slice %arg22[%add3A_25, %dma_wait3A_356] : memref<10008x128xf32, #tpu.memory_space<vmem_shared>> -> memref<48x128xf32, #tpu.memory_space<vmem_shared>>
      %dma_wait3A_358 = arith.constant 0 : i32
      %dma_wait3A_359 = tpu.memref_slice %arg22[%add3A_25, %dma_wait3A_358] : memref<10008x128xf32, #tpu.memory_space<vmem_shared>> -> memref<48x128xf32, #tpu.memory_space<vmem_shared>>
      %dma_wait3A_360 = arith.constant 0 : i32
      %dma_wait3A_361 = arith.constant 0 : i32
      %dma_wait3A_362 = tpu.memref_slice %arg16[%dma_wait3A_360, %dma_wait3A_361] : memref<80x128xf32, #tpu.memory_space<vmem>> -> memref<48x128xf32, #tpu.memory_space<vmem>>
      tpu.wait_dma2 semaphore(%run_scoped3A : memref<!tpu.dma_semaphore, #tpu.memory_space<semaphore_mem>>) src(%dma_wait3A_362 : memref<48x128xf32, #tpu.memory_space<vmem>>) dst(%dma_wait3A_359 : memref<48x128xf32, #tpu.memory_space<vmem_shared>>)
      tpu.yield
    }) : () -> ()
    %add3A_26 = arith.constant 96 : i32
    %add3A_27 = arith.addi %mul3A_22, %add3A_26 : i32
    "tpu.region"() ({
      %run_scoped3A = tpu.sem_alloc : memref<!tpu.dma_semaphore, #tpu.memory_space<semaphore_mem>>
      %dma_start3A_343 = arith.constant 0 : i32
      %dma_start3A_344 = arith.constant 0 : i32
      %dma_start3A_345 = tpu.memref_slice %arg16[%dma_start3A_343, %dma_start3A_344] : memref<80x128xf32, #tpu.memory_space<vmem>> -> memref<48x128xf32, #tpu.memory_space<vmem>>
      %dma_start3A_346 = arith.constant 0 : i32
      %dma_start3A_347 = tpu.memref_slice %arg22[%add3A_27, %dma_start3A_346] : memref<10008x128xf32, #tpu.memory_space<vmem_shared>> -> memref<48x128xf32, #tpu.memory_space<vmem_shared>>
      %dma_start3A_348 = arith.constant 0 : i32
      %dma_start3A_349 = tpu.memref_slice %arg22[%add3A_27, %dma_start3A_348] : memref<10008x128xf32, #tpu.memory_space<vmem_shared>> -> memref<48x128xf32, #tpu.memory_space<vmem_shared>>
      %dma_start3A_350 = arith.constant 0 : i32
      %dma_start3A_351 = arith.constant 0 : i32
      %dma_start3A_352 = tpu.memref_slice %arg16[%dma_start3A_350, %dma_start3A_351] : memref<80x128xf32, #tpu.memory_space<vmem>> -> memref<48x128xf32, #tpu.memory_space<vmem>>
      tpu.enqueue_dma source(%dma_start3A_352 : memref<48x128xf32, #tpu.memory_space<vmem>>) target(%dma_start3A_349 : memref<48x128xf32, #tpu.memory_space<vmem_shared>>) target_semaphore(%run_scoped3A : memref<!tpu.dma_semaphore, #tpu.memory_space<semaphore_mem>>)
      %dma_wait3A_353 = arith.constant 0 : i32
      %dma_wait3A_354 = arith.constant 0 : i32
      %dma_wait3A_355 = tpu.memref_slice %arg16[%dma_wait3A_353, %dma_wait3A_354] : memref<80x128xf32, #tpu.memory_space<vmem>> -> memref<48x128xf32, #tpu.memory_space<vmem>>
      %dma_wait3A_356 = arith.constant 0 : i32
      %dma_wait3A_357 = tpu.memref_slice %arg22[%add3A_27, %dma_wait3A_356] : memref<10008x128xf32, #tpu.memory_space<vmem_shared>> -> memref<48x128xf32, #tpu.memory_space<vmem_shared>>
      %dma_wait3A_358 = arith.constant 0 : i32
      %dma_wait3A_359 = tpu.memref_slice %arg22[%add3A_27, %dma_wait3A_358] : memref<10008x128xf32, #tpu.memory_space<vmem_shared>> -> memref<48x128xf32, #tpu.memory_space<vmem_shared>>
      %dma_wait3A_360 = arith.constant 0 : i32
      %dma_wait3A_361 = arith.constant 0 : i32
      %dma_wait3A_362 = tpu.memref_slice %arg16[%dma_wait3A_360, %dma_wait3A_361] : memref<80x128xf32, #tpu.memory_space<vmem>> -> memref<48x128xf32, #tpu.memory_space<vmem>>
      tpu.wait_dma2 semaphore(%run_scoped3A : memref<!tpu.dma_semaphore, #tpu.memory_space<semaphore_mem>>) src(%dma_wait3A_362 : memref<48x128xf32, #tpu.memory_space<vmem>>) dst(%dma_wait3A_359 : memref<48x128xf32, #tpu.memory_space<vmem_shared>>)
      tpu.yield
    }) : () -> ()
    %add3A_28 = arith.constant 144 : i32
    %add3A_29 = arith.addi %mul3A_22, %add3A_28 : i32
    "tpu.region"() ({
      %run_scoped3A = tpu.sem_alloc : memref<!tpu.dma_semaphore, #tpu.memory_space<semaphore_mem>>
      %dma_start3A_343 = arith.constant 0 : i32
      %dma_start3A_344 = arith.constant 0 : i32
      %dma_start3A_345 = tpu.memref_slice %arg16[%dma_start3A_343, %dma_start3A_344] : memref<80x128xf32, #tpu.memory_space<vmem>> -> memref<48x128xf32, #tpu.memory_space<vmem>>
      %dma_start3A_346 = arith.constant 0 : i32
      %dma_start3A_347 = tpu.memref_slice %arg22[%add3A_29, %dma_start3A_346] : memref<10008x128xf32, #tpu.memory_space<vmem_shared>> -> memref<48x128xf32, #tpu.memory_space<vmem_shared>>
      %dma_start3A_348 = arith.constant 0 : i32
      %dma_start3A_349 = tpu.memref_slice %arg22[%add3A_29, %dma_start3A_348] : memref<10008x128xf32, #tpu.memory_space<vmem_shared>> -> memref<48x128xf32, #tpu.memory_space<vmem_shared>>
      %dma_start3A_350 = arith.constant 0 : i32
      %dma_start3A_351 = arith.constant 0 : i32
      %dma_start3A_352 = tpu.memref_slice %arg16[%dma_start3A_350, %dma_start3A_351] : memref<80x128xf32, #tpu.memory_space<vmem>> -> memref<48x128xf32, #tpu.memory_space<vmem>>
      tpu.enqueue_dma source(%dma_start3A_352 : memref<48x128xf32, #tpu.memory_space<vmem>>) target(%dma_start3A_349 : memref<48x128xf32, #tpu.memory_space<vmem_shared>>) target_semaphore(%run_scoped3A : memref<!tpu.dma_semaphore, #tpu.memory_space<semaphore_mem>>)
      %dma_wait3A_353 = arith.constant 0 : i32
      %dma_wait3A_354 = arith.constant 0 : i32
      %dma_wait3A_355 = tpu.memref_slice %arg16[%dma_wait3A_353, %dma_wait3A_354] : memref<80x128xf32, #tpu.memory_space<vmem>> -> memref<48x128xf32, #tpu.memory_space<vmem>>
      %dma_wait3A_356 = arith.constant 0 : i32
      %dma_wait3A_357 = tpu.memref_slice %arg22[%add3A_29, %dma_wait3A_356] : memref<10008x128xf32, #tpu.memory_space<vmem_shared>> -> memref<48x128xf32, #tpu.memory_space<vmem_shared>>
      %dma_wait3A_358 = arith.constant 0 : i32
      %dma_wait3A_359 = tpu.memref_slice %arg22[%add3A_29, %dma_wait3A_358] : memref<10008x128xf32, #tpu.memory_space<vmem_shared>> -> memref<48x128xf32, #tpu.memory_space<vmem_shared>>
      %dma_wait3A_360 = arith.constant 0 : i32
      %dma_wait3A_361 = arith.constant 0 : i32
      %dma_wait3A_362 = tpu.memref_slice %arg16[%dma_wait3A_360, %dma_wait3A_361] : memref<80x128xf32, #tpu.memory_space<vmem>> -> memref<48x128xf32, #tpu.memory_space<vmem>>
      tpu.wait_dma2 semaphore(%run_scoped3A : memref<!tpu.dma_semaphore, #tpu.memory_space<semaphore_mem>>) src(%dma_wait3A_362 : memref<48x128xf32, #tpu.memory_space<vmem>>) dst(%dma_wait3A_359 : memref<48x128xf32, #tpu.memory_space<vmem_shared>>)
      tpu.yield
    }) : () -> ()
    %add3A_30 = arith.constant 192 : i32
    %add3A_31 = arith.addi %mul3A_22, %add3A_30 : i32
    "tpu.region"() ({
      %run_scoped3A = tpu.sem_alloc : memref<!tpu.dma_semaphore, #tpu.memory_space<semaphore_mem>>
      %dma_start3A_343 = arith.constant 0 : i32
      %dma_start3A_344 = arith.constant 0 : i32
      %dma_start3A_345 = tpu.memref_slice %arg16[%dma_start3A_343, %dma_start3A_344] : memref<80x128xf32, #tpu.memory_space<vmem>> -> memref<48x128xf32, #tpu.memory_space<vmem>>
      %dma_start3A_346 = arith.constant 0 : i32
      %dma_start3A_347 = tpu.memref_slice %arg22[%add3A_31, %dma_start3A_346] : memref<10008x128xf32, #tpu.memory_space<vmem_shared>> -> memref<48x128xf32, #tpu.memory_space<vmem_shared>>
      %dma_start3A_348 = arith.constant 0 : i32
      %dma_start3A_349 = tpu.memref_slice %arg22[%add3A_31, %dma_start3A_348] : memref<10008x128xf32, #tpu.memory_space<vmem_shared>> -> memref<48x128xf32, #tpu.memory_space<vmem_shared>>
      %dma_start3A_350 = arith.constant 0 : i32
      %dma_start3A_351 = arith.constant 0 : i32
      %dma_start3A_352 = tpu.memref_slice %arg16[%dma_start3A_350, %dma_start3A_351] : memref<80x128xf32, #tpu.memory_space<vmem>> -> memref<48x128xf32, #tpu.memory_space<vmem>>
      tpu.enqueue_dma source(%dma_start3A_352 : memref<48x128xf32, #tpu.memory_space<vmem>>) target(%dma_start3A_349 : memref<48x128xf32, #tpu.memory_space<vmem_shared>>) target_semaphore(%run_scoped3A : memref<!tpu.dma_semaphore, #tpu.memory_space<semaphore_mem>>)
      %dma_wait3A_353 = arith.constant 0 : i32
      %dma_wait3A_354 = arith.constant 0 : i32
      %dma_wait3A_355 = tpu.memref_slice %arg16[%dma_wait3A_353, %dma_wait3A_354] : memref<80x128xf32, #tpu.memory_space<vmem>> -> memref<48x128xf32, #tpu.memory_space<vmem>>
      %dma_wait3A_356 = arith.constant 0 : i32
      %dma_wait3A_357 = tpu.memref_slice %arg22[%add3A_31, %dma_wait3A_356] : memref<10008x128xf32, #tpu.memory_space<vmem_shared>> -> memref<48x128xf32, #tpu.memory_space<vmem_shared>>
      %dma_wait3A_358 = arith.constant 0 : i32
      %dma_wait3A_359 = tpu.memref_slice %arg22[%add3A_31, %dma_wait3A_358] : memref<10008x128xf32, #tpu.memory_space<vmem_shared>> -> memref<48x128xf32, #tpu.memory_space<vmem_shared>>
      %dma_wait3A_360 = arith.constant 0 : i32
      %dma_wait3A_361 = arith.constant 0 : i32
      %dma_wait3A_362 = tpu.memref_slice %arg16[%dma_wait3A_360, %dma_wait3A_361] : memref<80x128xf32, #tpu.memory_space<vmem>> -> memref<48x128xf32, #tpu.memory_space<vmem>>
      tpu.wait_dma2 semaphore(%run_scoped3A : memref<!tpu.dma_semaphore, #tpu.memory_space<semaphore_mem>>) src(%dma_wait3A_362 : memref<48x128xf32, #tpu.memory_space<vmem>>) dst(%dma_wait3A_359 : memref<48x128xf32, #tpu.memory_space<vmem_shared>>)
      tpu.yield
    }) : () -> ()
    %add3A_32 = arith.constant 240 : i32
    %add3A_33 = arith.addi %mul3A_22, %add3A_32 : i32
    "tpu.region"() ({
      %run_scoped3A = tpu.sem_alloc : memref<!tpu.dma_semaphore, #tpu.memory_space<semaphore_mem>>
      %dma_start3A_343 = arith.constant 0 : i32
      %dma_start3A_344 = arith.constant 0 : i32
      %dma_start3A_345 = tpu.memref_slice %arg16[%dma_start3A_343, %dma_start3A_344] : memref<80x128xf32, #tpu.memory_space<vmem>> -> memref<48x128xf32, #tpu.memory_space<vmem>>
      %dma_start3A_346 = arith.constant 0 : i32
      %dma_start3A_347 = tpu.memref_slice %arg22[%add3A_33, %dma_start3A_346] : memref<10008x128xf32, #tpu.memory_space<vmem_shared>> -> memref<48x128xf32, #tpu.memory_space<vmem_shared>>
      %dma_start3A_348 = arith.constant 0 : i32
      %dma_start3A_349 = tpu.memref_slice %arg22[%add3A_33, %dma_start3A_348] : memref<10008x128xf32, #tpu.memory_space<vmem_shared>> -> memref<48x128xf32, #tpu.memory_space<vmem_shared>>
      %dma_start3A_350 = arith.constant 0 : i32
      %dma_start3A_351 = arith.constant 0 : i32
      %dma_start3A_352 = tpu.memref_slice %arg16[%dma_start3A_350, %dma_start3A_351] : memref<80x128xf32, #tpu.memory_space<vmem>> -> memref<48x128xf32, #tpu.memory_space<vmem>>
      tpu.enqueue_dma source(%dma_start3A_352 : memref<48x128xf32, #tpu.memory_space<vmem>>) target(%dma_start3A_349 : memref<48x128xf32, #tpu.memory_space<vmem_shared>>) target_semaphore(%run_scoped3A : memref<!tpu.dma_semaphore, #tpu.memory_space<semaphore_mem>>)
      %dma_wait3A_353 = arith.constant 0 : i32
      %dma_wait3A_354 = arith.constant 0 : i32
      %dma_wait3A_355 = tpu.memref_slice %arg16[%dma_wait3A_353, %dma_wait3A_354] : memref<80x128xf32, #tpu.memory_space<vmem>> -> memref<48x128xf32, #tpu.memory_space<vmem>>
      %dma_wait3A_356 = arith.constant 0 : i32
      %dma_wait3A_357 = tpu.memref_slice %arg22[%add3A_33, %dma_wait3A_356] : memref<10008x128xf32, #tpu.memory_space<vmem_shared>> -> memref<48x128xf32, #tpu.memory_space<vmem_shared>>
      %dma_wait3A_358 = arith.constant 0 : i32
      %dma_wait3A_359 = tpu.memref_slice %arg22[%add3A_33, %dma_wait3A_358] : memref<10008x128xf32, #tpu.memory_space<vmem_shared>> -> memref<48x128xf32, #tpu.memory_space<vmem_shared>>
      %dma_wait3A_360 = arith.constant 0 : i32
      %dma_wait3A_361 = arith.constant 0 : i32
      %dma_wait3A_362 = tpu.memref_slice %arg16[%dma_wait3A_360, %dma_wait3A_361] : memref<80x128xf32, #tpu.memory_space<vmem>> -> memref<48x128xf32, #tpu.memory_space<vmem>>
      tpu.wait_dma2 semaphore(%run_scoped3A : memref<!tpu.dma_semaphore, #tpu.memory_space<semaphore_mem>>) src(%dma_wait3A_362 : memref<48x128xf32, #tpu.memory_space<vmem>>) dst(%dma_wait3A_359 : memref<48x128xf32, #tpu.memory_space<vmem_shared>>)
      tpu.yield
    }) : () -> ()
    %add3A_34 = arith.constant 288 : i32
    %add3A_35 = arith.addi %mul3A_22, %add3A_34 : i32
    "tpu.region"() ({
      %run_scoped3A = tpu.sem_alloc : memref<!tpu.dma_semaphore, #tpu.memory_space<semaphore_mem>>
      %dma_start3A_343 = arith.constant 0 : i32
      %dma_start3A_344 = arith.constant 0 : i32
      %dma_start3A_345 = tpu.memref_slice %arg16[%dma_start3A_343, %dma_start3A_344] : memref<80x128xf32, #tpu.memory_space<vmem>> -> memref<48x128xf32, #tpu.memory_space<vmem>>
      %dma_start3A_346 = arith.constant 0 : i32
      %dma_start3A_347 = tpu.memref_slice %arg22[%add3A_35, %dma_start3A_346] : memref<10008x128xf32, #tpu.memory_space<vmem_shared>> -> memref<48x128xf32, #tpu.memory_space<vmem_shared>>
      %dma_start3A_348 = arith.constant 0 : i32
      %dma_start3A_349 = tpu.memref_slice %arg22[%add3A_35, %dma_start3A_348] : memref<10008x128xf32, #tpu.memory_space<vmem_shared>> -> memref<48x128xf32, #tpu.memory_space<vmem_shared>>
      %dma_start3A_350 = arith.constant 0 : i32
      %dma_start3A_351 = arith.constant 0 : i32
      %dma_start3A_352 = tpu.memref_slice %arg16[%dma_start3A_350, %dma_start3A_351] : memref<80x128xf32, #tpu.memory_space<vmem>> -> memref<48x128xf32, #tpu.memory_space<vmem>>
      tpu.enqueue_dma source(%dma_start3A_352 : memref<48x128xf32, #tpu.memory_space<vmem>>) target(%dma_start3A_349 : memref<48x128xf32, #tpu.memory_space<vmem_shared>>) target_semaphore(%run_scoped3A : memref<!tpu.dma_semaphore, #tpu.memory_space<semaphore_mem>>)
      %dma_wait3A_353 = arith.constant 0 : i32
      %dma_wait3A_354 = arith.constant 0 : i32
      %dma_wait3A_355 = tpu.memref_slice %arg16[%dma_wait3A_353, %dma_wait3A_354] : memref<80x128xf32, #tpu.memory_space<vmem>> -> memref<48x128xf32, #tpu.memory_space<vmem>>
      %dma_wait3A_356 = arith.constant 0 : i32
      %dma_wait3A_357 = tpu.memref_slice %arg22[%add3A_35, %dma_wait3A_356] : memref<10008x128xf32, #tpu.memory_space<vmem_shared>> -> memref<48x128xf32, #tpu.memory_space<vmem_shared>>
      %dma_wait3A_358 = arith.constant 0 : i32
      %dma_wait3A_359 = tpu.memref_slice %arg22[%add3A_35, %dma_wait3A_358] : memref<10008x128xf32, #tpu.memory_space<vmem_shared>> -> memref<48x128xf32, #tpu.memory_space<vmem_shared>>
      %dma_wait3A_360 = arith.constant 0 : i32
      %dma_wait3A_361 = arith.constant 0 : i32
      %dma_wait3A_362 = tpu.memref_slice %arg16[%dma_wait3A_360, %dma_wait3A_361] : memref<80x128xf32, #tpu.memory_space<vmem>> -> memref<48x128xf32, #tpu.memory_space<vmem>>
      tpu.wait_dma2 semaphore(%run_scoped3A : memref<!tpu.dma_semaphore, #tpu.memory_space<semaphore_mem>>) src(%dma_wait3A_362 : memref<48x128xf32, #tpu.memory_space<vmem>>) dst(%dma_wait3A_359 : memref<48x128xf32, #tpu.memory_space<vmem_shared>>)
      tpu.yield
    }) : () -> ()
    %add3A_36 = arith.constant 336 : i32
    %add3A_37 = arith.addi %mul3A_22, %add3A_36 : i32
    "tpu.region"() ({
      %run_scoped3A = tpu.sem_alloc : memref<!tpu.dma_semaphore, #tpu.memory_space<semaphore_mem>>
      %dma_start3A_343 = arith.constant 0 : i32
      %dma_start3A_344 = arith.constant 0 : i32
      %dma_start3A_345 = tpu.memref_slice %arg16[%dma_start3A_343, %dma_start3A_344] : memref<80x128xf32, #tpu.memory_space<vmem>> -> memref<48x128xf32, #tpu.memory_space<vmem>>
      %dma_start3A_346 = arith.constant 0 : i32
      %dma_start3A_347 = tpu.memref_slice %arg22[%add3A_37, %dma_start3A_346] : memref<10008x128xf32, #tpu.memory_space<vmem_shared>> -> memref<48x128xf32, #tpu.memory_space<vmem_shared>>
      %dma_start3A_348 = arith.constant 0 : i32
      %dma_start3A_349 = tpu.memref_slice %arg22[%add3A_37, %dma_start3A_348] : memref<10008x128xf32, #tpu.memory_space<vmem_shared>> -> memref<48x128xf32, #tpu.memory_space<vmem_shared>>
      %dma_start3A_350 = arith.constant 0 : i32
      %dma_start3A_351 = arith.constant 0 : i32
      %dma_start3A_352 = tpu.memref_slice %arg16[%dma_start3A_350, %dma_start3A_351] : memref<80x128xf32, #tpu.memory_space<vmem>> -> memref<48x128xf32, #tpu.memory_space<vmem>>
      tpu.enqueue_dma source(%dma_start3A_352 : memref<48x128xf32, #tpu.memory_space<vmem>>) target(%dma_start3A_349 : memref<48x128xf32, #tpu.memory_space<vmem_shared>>) target_semaphore(%run_scoped3A : memref<!tpu.dma_semaphore, #tpu.memory_space<semaphore_mem>>)
      %dma_wait3A_353 = arith.constant 0 : i32
      %dma_wait3A_354 = arith.constant 0 : i32
      %dma_wait3A_355 = tpu.memref_slice %arg16[%dma_wait3A_353, %dma_wait3A_354] : memref<80x128xf32, #tpu.memory_space<vmem>> -> memref<48x128xf32, #tpu.memory_space<vmem>>
      %dma_wait3A_356 = arith.constant 0 : i32
      %dma_wait3A_357 = tpu.memref_slice %arg22[%add3A_37, %dma_wait3A_356] : memref<10008x128xf32, #tpu.memory_space<vmem_shared>> -> memref<48x128xf32, #tpu.memory_space<vmem_shared>>
      %dma_wait3A_358 = arith.constant 0 : i32
      %dma_wait3A_359 = tpu.memref_slice %arg22[%add3A_37, %dma_wait3A_358] : memref<10008x128xf32, #tpu.memory_space<vmem_shared>> -> memref<48x128xf32, #tpu.memory_space<vmem_shared>>
      %dma_wait3A_360 = arith.constant 0 : i32
      %dma_wait3A_361 = arith.constant 0 : i32
      %dma_wait3A_362 = tpu.memref_slice %arg16[%dma_wait3A_360, %dma_wait3A_361] : memref<80x128xf32, #tpu.memory_space<vmem>> -> memref<48x128xf32, #tpu.memory_space<vmem>>
      tpu.wait_dma2 semaphore(%run_scoped3A : memref<!tpu.dma_semaphore, #tpu.memory_space<semaphore_mem>>) src(%dma_wait3A_362 : memref<48x128xf32, #tpu.memory_space<vmem>>) dst(%dma_wait3A_359 : memref<48x128xf32, #tpu.memory_space<vmem_shared>>)
      tpu.yield
    }) : () -> ()
    %add3A_38 = arith.constant 384 : i32
    %add3A_39 = arith.addi %mul3A_22, %add3A_38 : i32
    "tpu.region"() ({
      %run_scoped3A = tpu.sem_alloc : memref<!tpu.dma_semaphore, #tpu.memory_space<semaphore_mem>>
      %dma_start3A_343 = arith.constant 0 : i32
      %dma_start3A_344 = arith.constant 0 : i32
      %dma_start3A_345 = tpu.memref_slice %arg16[%dma_start3A_343, %dma_start3A_344] : memref<80x128xf32, #tpu.memory_space<vmem>> -> memref<48x128xf32, #tpu.memory_space<vmem>>
      %dma_start3A_346 = arith.constant 0 : i32
      %dma_start3A_347 = tpu.memref_slice %arg22[%add3A_39, %dma_start3A_346] : memref<10008x128xf32, #tpu.memory_space<vmem_shared>> -> memref<48x128xf32, #tpu.memory_space<vmem_shared>>
      %dma_start3A_348 = arith.constant 0 : i32
      %dma_start3A_349 = tpu.memref_slice %arg22[%add3A_39, %dma_start3A_348] : memref<10008x128xf32, #tpu.memory_space<vmem_shared>> -> memref<48x128xf32, #tpu.memory_space<vmem_shared>>
      %dma_start3A_350 = arith.constant 0 : i32
      %dma_start3A_351 = arith.constant 0 : i32
      %dma_start3A_352 = tpu.memref_slice %arg16[%dma_start3A_350, %dma_start3A_351] : memref<80x128xf32, #tpu.memory_space<vmem>> -> memref<48x128xf32, #tpu.memory_space<vmem>>
      tpu.enqueue_dma source(%dma_start3A_352 : memref<48x128xf32, #tpu.memory_space<vmem>>) target(%dma_start3A_349 : memref<48x128xf32, #tpu.memory_space<vmem_shared>>) target_semaphore(%run_scoped3A : memref<!tpu.dma_semaphore, #tpu.memory_space<semaphore_mem>>)
      %dma_wait3A_353 = arith.constant 0 : i32
      %dma_wait3A_354 = arith.constant 0 : i32
      %dma_wait3A_355 = tpu.memref_slice %arg16[%dma_wait3A_353, %dma_wait3A_354] : memref<80x128xf32, #tpu.memory_space<vmem>> -> memref<48x128xf32, #tpu.memory_space<vmem>>
      %dma_wait3A_356 = arith.constant 0 : i32
      %dma_wait3A_357 = tpu.memref_slice %arg22[%add3A_39, %dma_wait3A_356] : memref<10008x128xf32, #tpu.memory_space<vmem_shared>> -> memref<48x128xf32, #tpu.memory_space<vmem_shared>>
      %dma_wait3A_358 = arith.constant 0 : i32
      %dma_wait3A_359 = tpu.memref_slice %arg22[%add3A_39, %dma_wait3A_358] : memref<10008x128xf32, #tpu.memory_space<vmem_shared>> -> memref<48x128xf32, #tpu.memory_space<vmem_shared>>
      %dma_wait3A_360 = arith.constant 0 : i32
      %dma_wait3A_361 = arith.constant 0 : i32
      %dma_wait3A_362 = tpu.memref_slice %arg16[%dma_wait3A_360, %dma_wait3A_361] : memref<80x128xf32, #tpu.memory_space<vmem>> -> memref<48x128xf32, #tpu.memory_space<vmem>>
      tpu.wait_dma2 semaphore(%run_scoped3A : memref<!tpu.dma_semaphore, #tpu.memory_space<semaphore_mem>>) src(%dma_wait3A_362 : memref<48x128xf32, #tpu.memory_space<vmem>>) dst(%dma_wait3A_359 : memref<48x128xf32, #tpu.memory_space<vmem_shared>>)
      tpu.yield
    }) : () -> ()
    %add3A_40 = arith.constant 432 : i32
    %add3A_41 = arith.addi %mul3A_22, %add3A_40 : i32
    "tpu.region"() ({
      %run_scoped3A = tpu.sem_alloc : memref<!tpu.dma_semaphore, #tpu.memory_space<semaphore_mem>>
      %dma_start3A_343 = arith.constant 0 : i32
      %dma_start3A_344 = arith.constant 0 : i32
      %dma_start3A_345 = tpu.memref_slice %arg16[%dma_start3A_343, %dma_start3A_344] : memref<80x128xf32, #tpu.memory_space<vmem>> -> memref<48x128xf32, #tpu.memory_space<vmem>>
      %dma_start3A_346 = arith.constant 0 : i32
      %dma_start3A_347 = tpu.memref_slice %arg22[%add3A_41, %dma_start3A_346] : memref<10008x128xf32, #tpu.memory_space<vmem_shared>> -> memref<48x128xf32, #tpu.memory_space<vmem_shared>>
      %dma_start3A_348 = arith.constant 0 : i32
      %dma_start3A_349 = tpu.memref_slice %arg22[%add3A_41, %dma_start3A_348] : memref<10008x128xf32, #tpu.memory_space<vmem_shared>> -> memref<48x128xf32, #tpu.memory_space<vmem_shared>>
      %dma_start3A_350 = arith.constant 0 : i32
      %dma_start3A_351 = arith.constant 0 : i32
      %dma_start3A_352 = tpu.memref_slice %arg16[%dma_start3A_350, %dma_start3A_351] : memref<80x128xf32, #tpu.memory_space<vmem>> -> memref<48x128xf32, #tpu.memory_space<vmem>>
      tpu.enqueue_dma source(%dma_start3A_352 : memref<48x128xf32, #tpu.memory_space<vmem>>) target(%dma_start3A_349 : memref<48x128xf32, #tpu.memory_space<vmem_shared>>) target_semaphore(%run_scoped3A : memref<!tpu.dma_semaphore, #tpu.memory_space<semaphore_mem>>)
      %dma_wait3A_353 = arith.constant 0 : i32
      %dma_wait3A_354 = arith.constant 0 : i32
      %dma_wait3A_355 = tpu.memref_slice %arg16[%dma_wait3A_353, %dma_wait3A_354] : memref<80x128xf32, #tpu.memory_space<vmem>> -> memref<48x128xf32, #tpu.memory_space<vmem>>
      %dma_wait3A_356 = arith.constant 0 : i32
      %dma_wait3A_357 = tpu.memref_slice %arg22[%add3A_41, %dma_wait3A_356] : memref<10008x128xf32, #tpu.memory_space<vmem_shared>> -> memref<48x128xf32, #tpu.memory_space<vmem_shared>>
      %dma_wait3A_358 = arith.constant 0 : i32
      %dma_wait3A_359 = tpu.memref_slice %arg22[%add3A_41, %dma_wait3A_358] : memref<10008x128xf32, #tpu.memory_space<vmem_shared>> -> memref<48x128xf32, #tpu.memory_space<vmem_shared>>
      %dma_wait3A_360 = arith.constant 0 : i32
      %dma_wait3A_361 = arith.constant 0 : i32
      %dma_wait3A_362 = tpu.memref_slice %arg16[%dma_wait3A_360, %dma_wait3A_361] : memref<80x128xf32, #tpu.memory_space<vmem>> -> memref<48x128xf32, #tpu.memory_space<vmem>>
      tpu.wait_dma2 semaphore(%run_scoped3A : memref<!tpu.dma_semaphore, #tpu.memory_space<semaphore_mem>>) src(%dma_wait3A_362 : memref<48x128xf32, #tpu.memory_space<vmem>>) dst(%dma_wait3A_359 : memref<48x128xf32, #tpu.memory_space<vmem_shared>>)
      tpu.yield
    }) : () -> ()
    %add3A_42 = arith.constant 480 : i32
    %add3A_43 = arith.addi %mul3A_22, %add3A_42 : i32
    "tpu.region"() ({
      %run_scoped3A = tpu.sem_alloc : memref<!tpu.dma_semaphore, #tpu.memory_space<semaphore_mem>>
      %dma_start3A_343 = arith.constant 0 : i32
      %dma_start3A_344 = arith.constant 0 : i32
      %dma_start3A_345 = tpu.memref_slice %arg16[%dma_start3A_343, %dma_start3A_344] : memref<80x128xf32, #tpu.memory_space<vmem>> -> memref<48x128xf32, #tpu.memory_space<vmem>>
      %dma_start3A_346 = arith.constant 0 : i32
      %dma_start3A_347 = tpu.memref_slice %arg22[%add3A_43, %dma_start3A_346] : memref<10008x128xf32, #tpu.memory_space<vmem_shared>> -> memref<48x128xf32, #tpu.memory_space<vmem_shared>>
      %dma_start3A_348 = arith.constant 0 : i32
      %dma_start3A_349 = tpu.memref_slice %arg22[%add3A_43, %dma_start3A_348] : memref<10008x128xf32, #tpu.memory_space<vmem_shared>> -> memref<48x128xf32, #tpu.memory_space<vmem_shared>>
      %dma_start3A_350 = arith.constant 0 : i32
      %dma_start3A_351 = arith.constant 0 : i32
      %dma_start3A_352 = tpu.memref_slice %arg16[%dma_start3A_350, %dma_start3A_351] : memref<80x128xf32, #tpu.memory_space<vmem>> -> memref<48x128xf32, #tpu.memory_space<vmem>>
      tpu.enqueue_dma source(%dma_start3A_352 : memref<48x128xf32, #tpu.memory_space<vmem>>) target(%dma_start3A_349 : memref<48x128xf32, #tpu.memory_space<vmem_shared>>) target_semaphore(%run_scoped3A : memref<!tpu.dma_semaphore, #tpu.memory_space<semaphore_mem>>)
      %dma_wait3A_353 = arith.constant 0 : i32
      %dma_wait3A_354 = arith.constant 0 : i32
      %dma_wait3A_355 = tpu.memref_slice %arg16[%dma_wait3A_353, %dma_wait3A_354] : memref<80x128xf32, #tpu.memory_space<vmem>> -> memref<48x128xf32, #tpu.memory_space<vmem>>
      %dma_wait3A_356 = arith.constant 0 : i32
      %dma_wait3A_357 = tpu.memref_slice %arg22[%add3A_43, %dma_wait3A_356] : memref<10008x128xf32, #tpu.memory_space<vmem_shared>> -> memref<48x128xf32, #tpu.memory_space<vmem_shared>>
      %dma_wait3A_358 = arith.constant 0 : i32
      %dma_wait3A_359 = tpu.memref_slice %arg22[%add3A_43, %dma_wait3A_358] : memref<10008x128xf32, #tpu.memory_space<vmem_shared>> -> memref<48x128xf32, #tpu.memory_space<vmem_shared>>
      %dma_wait3A_360 = arith.constant 0 : i32
      %dma_wait3A_361 = arith.constant 0 : i32
      %dma_wait3A_362 = tpu.memref_slice %arg16[%dma_wait3A_360, %dma_wait3A_361] : memref<80x128xf32, #tpu.memory_space<vmem>> -> memref<48x128xf32, #tpu.memory_space<vmem>>
      tpu.wait_dma2 semaphore(%run_scoped3A : memref<!tpu.dma_semaphore, #tpu.memory_space<semaphore_mem>>) src(%dma_wait3A_362 : memref<48x128xf32, #tpu.memory_space<vmem>>) dst(%dma_wait3A_359 : memref<48x128xf32, #tpu.memory_space<vmem_shared>>)
      tpu.yield
    }) : () -> ()
    %add3A_44 = arith.constant 528 : i32
    %add3A_45 = arith.addi %mul3A_22, %add3A_44 : i32
    "tpu.region"() ({
      %run_scoped3A = tpu.sem_alloc : memref<!tpu.dma_semaphore, #tpu.memory_space<semaphore_mem>>
      %dma_start3A_343 = arith.constant 0 : i32
      %dma_start3A_344 = arith.constant 0 : i32
      %dma_start3A_345 = tpu.memref_slice %arg16[%dma_start3A_343, %dma_start3A_344] : memref<80x128xf32, #tpu.memory_space<vmem>> -> memref<48x128xf32, #tpu.memory_space<vmem>>
      %dma_start3A_346 = arith.constant 0 : i32
      %dma_start3A_347 = tpu.memref_slice %arg22[%add3A_45, %dma_start3A_346] : memref<10008x128xf32, #tpu.memory_space<vmem_shared>> -> memref<48x128xf32, #tpu.memory_space<vmem_shared>>
      %dma_start3A_348 = arith.constant 0 : i32
      %dma_start3A_349 = tpu.memref_slice %arg22[%add3A_45, %dma_start3A_348] : memref<10008x128xf32, #tpu.memory_space<vmem_shared>> -> memref<48x128xf32, #tpu.memory_space<vmem_shared>>
      %dma_start3A_350 = arith.constant 0 : i32
      %dma_start3A_351 = arith.constant 0 : i32
      %dma_start3A_352 = tpu.memref_slice %arg16[%dma_start3A_350, %dma_start3A_351] : memref<80x128xf32, #tpu.memory_space<vmem>> -> memref<48x128xf32, #tpu.memory_space<vmem>>
      tpu.enqueue_dma source(%dma_start3A_352 : memref<48x128xf32, #tpu.memory_space<vmem>>) target(%dma_start3A_349 : memref<48x128xf32, #tpu.memory_space<vmem_shared>>) target_semaphore(%run_scoped3A : memref<!tpu.dma_semaphore, #tpu.memory_space<semaphore_mem>>)
      %dma_wait3A_353 = arith.constant 0 : i32
      %dma_wait3A_354 = arith.constant 0 : i32
      %dma_wait3A_355 = tpu.memref_slice %arg16[%dma_wait3A_353, %dma_wait3A_354] : memref<80x128xf32, #tpu.memory_space<vmem>> -> memref<48x128xf32, #tpu.memory_space<vmem>>
      %dma_wait3A_356 = arith.constant 0 : i32
      %dma_wait3A_357 = tpu.memref_slice %arg22[%add3A_45, %dma_wait3A_356] : memref<10008x128xf32, #tpu.memory_space<vmem_shared>> -> memref<48x128xf32, #tpu.memory_space<vmem_shared>>
      %dma_wait3A_358 = arith.constant 0 : i32
      %dma_wait3A_359 = tpu.memref_slice %arg22[%add3A_45, %dma_wait3A_358] : memref<10008x128xf32, #tpu.memory_space<vmem_shared>> -> memref<48x128xf32, #tpu.memory_space<vmem_shared>>
      %dma_wait3A_360 = arith.constant 0 : i32
      %dma_wait3A_361 = arith.constant 0 : i32
      %dma_wait3A_362 = tpu.memref_slice %arg16[%dma_wait3A_360, %dma_wait3A_361] : memref<80x128xf32, #tpu.memory_space<vmem>> -> memref<48x128xf32, #tpu.memory_space<vmem>>
      tpu.wait_dma2 semaphore(%run_scoped3A : memref<!tpu.dma_semaphore, #tpu.memory_space<semaphore_mem>>) src(%dma_wait3A_362 : memref<48x128xf32, #tpu.memory_space<vmem>>) dst(%dma_wait3A_359 : memref<48x128xf32, #tpu.memory_space<vmem_shared>>)
      tpu.yield
    }) : () -> ()
    %add3A_46 = arith.constant 576 : i32
    %add3A_47 = arith.addi %mul3A_22, %add3A_46 : i32
    "tpu.region"() ({
      %run_scoped3A = tpu.sem_alloc : memref<!tpu.dma_semaphore, #tpu.memory_space<semaphore_mem>>
      %dma_start3A_343 = arith.constant 0 : i32
      %dma_start3A_344 = arith.constant 0 : i32
      %dma_start3A_345 = tpu.memref_slice %arg16[%dma_start3A_343, %dma_start3A_344] : memref<80x128xf32, #tpu.memory_space<vmem>> -> memref<48x128xf32, #tpu.memory_space<vmem>>
      %dma_start3A_346 = arith.constant 0 : i32
      %dma_start3A_347 = tpu.memref_slice %arg22[%add3A_47, %dma_start3A_346] : memref<10008x128xf32, #tpu.memory_space<vmem_shared>> -> memref<48x128xf32, #tpu.memory_space<vmem_shared>>
      %dma_start3A_348 = arith.constant 0 : i32
      %dma_start3A_349 = tpu.memref_slice %arg22[%add3A_47, %dma_start3A_348] : memref<10008x128xf32, #tpu.memory_space<vmem_shared>> -> memref<48x128xf32, #tpu.memory_space<vmem_shared>>
      %dma_start3A_350 = arith.constant 0 : i32
      %dma_start3A_351 = arith.constant 0 : i32
      %dma_start3A_352 = tpu.memref_slice %arg16[%dma_start3A_350, %dma_start3A_351] : memref<80x128xf32, #tpu.memory_space<vmem>> -> memref<48x128xf32, #tpu.memory_space<vmem>>
      tpu.enqueue_dma source(%dma_start3A_352 : memref<48x128xf32, #tpu.memory_space<vmem>>) target(%dma_start3A_349 : memref<48x128xf32, #tpu.memory_space<vmem_shared>>) target_semaphore(%run_scoped3A : memref<!tpu.dma_semaphore, #tpu.memory_space<semaphore_mem>>)
      %dma_wait3A_353 = arith.constant 0 : i32
      %dma_wait3A_354 = arith.constant 0 : i32
      %dma_wait3A_355 = tpu.memref_slice %arg16[%dma_wait3A_353, %dma_wait3A_354] : memref<80x128xf32, #tpu.memory_space<vmem>> -> memref<48x128xf32, #tpu.memory_space<vmem>>
      %dma_wait3A_356 = arith.constant 0 : i32
      %dma_wait3A_357 = tpu.memref_slice %arg22[%add3A_47, %dma_wait3A_356] : memref<10008x128xf32, #tpu.memory_space<vmem_shared>> -> memref<48x128xf32, #tpu.memory_space<vmem_shared>>
      %dma_wait3A_358 = arith.constant 0 : i32
      %dma_wait3A_359 = tpu.memref_slice %arg22[%add3A_47, %dma_wait3A_358] : memref<10008x128xf32, #tpu.memory_space<vmem_shared>> -> memref<48x128xf32, #tpu.memory_space<vmem_shared>>
      %dma_wait3A_360 = arith.constant 0 : i32
      %dma_wait3A_361 = arith.constant 0 : i32
      %dma_wait3A_362 = tpu.memref_slice %arg16[%dma_wait3A_360, %dma_wait3A_361] : memref<80x128xf32, #tpu.memory_space<vmem>> -> memref<48x128xf32, #tpu.memory_space<vmem>>
      tpu.wait_dma2 semaphore(%run_scoped3A : memref<!tpu.dma_semaphore, #tpu.memory_space<semaphore_mem>>) src(%dma_wait3A_362 : memref<48x128xf32, #tpu.memory_space<vmem>>) dst(%dma_wait3A_359 : memref<48x128xf32, #tpu.memory_space<vmem_shared>>)
      tpu.yield
    }) : () -> ()
    %eq3A = arith.constant 0 : i32
    %eq3A_48 = arith.cmpi eq, %arg1, %eq3A : i32
    %convert_element_type3A = arith.extui %eq3A_48 : i1 to i32
    %cond3A = arith.constant 0 : i32
    %cond3A_49 = arith.cmpi ne, %convert_element_type3A, %cond3A : i32
    scf.if %cond3A_49 {
      "tpu.region"() ({
        %run_scoped3A = tpu.sem_alloc : memref<!tpu.dma_semaphore, #tpu.memory_space<semaphore_mem>>
        %dma_start3A_343 = arith.constant 0 : i32
        %dma_start3A_344 = arith.constant 0 : i32
        %dma_start3A_345 = tpu.memref_slice %arg16[%dma_start3A_343, %dma_start3A_344] : memref<80x128xf32, #tpu.memory_space<vmem>> -> memref<24x128xf32, #tpu.memory_space<vmem>>
        %dma_start3A_346 = arith.constant 9984 : i32
        %dma_start3A_347 = arith.constant 0 : i32
        %dma_start3A_348 = tpu.memref_slice %arg22[%dma_start3A_346, %dma_start3A_347] : memref<10008x128xf32, #tpu.memory_space<vmem_shared>> -> memref<24x128xf32, #tpu.memory_space<vmem_shared>>
        %dma_start3A_349 = arith.constant 9984 : i32
        %dma_start3A_350 = arith.constant 0 : i32
        %dma_start3A_351 = tpu.memref_slice %arg22[%dma_start3A_349, %dma_start3A_350] : memref<10008x128xf32, #tpu.memory_space<vmem_shared>> -> memref<24x128xf32, #tpu.memory_space<vmem_shared>>
        %dma_start3A_352 = arith.constant 0 : i32
        %dma_start3A_353 = arith.constant 0 : i32
        %dma_start3A_354 = tpu.memref_slice %arg16[%dma_start3A_352, %dma_start3A_353] : memref<80x128xf32, #tpu.memory_space<vmem>> -> memref<24x128xf32, #tpu.memory_space<vmem>>
        tpu.enqueue_dma source(%dma_start3A_354 : memref<24x128xf32, #tpu.memory_space<vmem>>) target(%dma_start3A_351 : memref<24x128xf32, #tpu.memory_space<vmem_shared>>) target_semaphore(%run_scoped3A : memref<!tpu.dma_semaphore, #tpu.memory_space<semaphore_mem>>)
        %dma_wait3A_355 = arith.constant 0 : i32
        %dma_wait3A_356 = arith.constant 0 : i32
        %dma_wait3A_357 = tpu.memref_slice %arg16[%dma_wait3A_355, %dma_wait3A_356] : memref<80x128xf32, #tpu.memory_space<vmem>> -> memref<24x128xf32, #tpu.memory_space<vmem>>
        %dma_wait3A_358 = arith.constant 9984 : i32
        %dma_wait3A_359 = arith.constant 0 : i32
        %dma_wait3A_360 = tpu.memref_slice %arg22[%dma_wait3A_358, %dma_wait3A_359] : memref<10008x128xf32, #tpu.memory_space<vmem_shared>> -> memref<24x128xf32, #tpu.memory_space<vmem_shared>>
        %dma_wait3A_361 = arith.constant 9984 : i32
        %dma_wait3A_362 = arith.constant 0 : i32
        %dma_wait3A_363 = tpu.memref_slice %arg22[%dma_wait3A_361, %dma_wait3A_362] : memref<10008x128xf32, #tpu.memory_space<vmem_shared>> -> memref<24x128xf32, #tpu.memory_space<vmem_shared>>
        %dma_wait3A_364 = arith.constant 0 : i32
        %dma_wait3A_365 = arith.constant 0 : i32
        %dma_wait3A_366 = tpu.memref_slice %arg16[%dma_wait3A_364, %dma_wait3A_365] : memref<80x128xf32, #tpu.memory_space<vmem>> -> memref<24x128xf32, #tpu.memory_space<vmem>>
        tpu.wait_dma2 semaphore(%run_scoped3A : memref<!tpu.dma_semaphore, #tpu.memory_space<semaphore_mem>>) src(%dma_wait3A_366 : memref<24x128xf32, #tpu.memory_space<vmem>>) dst(%dma_wait3A_363 : memref<24x128xf32, #tpu.memory_space<vmem_shared>>)
        tpu.yield
      }) : () -> ()
    } else {
    }
    %barrier3A = arith.constant 0 : index
    tpu.barrier barrier_id(%barrier3A)
    %dma_start3A = arith.constant 0 : i32
    %dma_start3A_50 = arith.constant 0 : i32
    %dma_start3A_51 = arith.constant 0 : i32
    %dma_start3A_52 = tpu.memref_slice %arg2[%dma_start3A_50, %arg1, %dma_start3A, %dma_start3A_51] : memref<2x16x128x80xi32, #tpu.memory_space<hbm>> -> memref<2x1x1x80xi32, #tpu.memory_space<hbm>>
    %dma_start3A_53 = tpu.memref_squeeze %dma_start3A_52 : memref<2x1x1x80xi32, #tpu.memory_space<hbm>> -> memref<2x80xi32, #tpu.memory_space<hbm>>
    %dma_start3A_54 = arith.constant 0 : i32
    %dma_start3A_55 = arith.constant 0 : i32
    %dma_start3A_56 = tpu.memref_slice %arg2[%dma_start3A_54, %arg1, %dma_start3A, %dma_start3A_55] : memref<2x16x128x80xi32, #tpu.memory_space<hbm>> -> memref<2x1x1x80xi32, #tpu.memory_space<hbm>>
    %dma_start3A_57 = tpu.memref_squeeze %dma_start3A_56 : memref<2x1x1x80xi32, #tpu.memory_space<hbm>> -> memref<2x80xi32, #tpu.memory_space<hbm>>
    tpu.enqueue_dma source(%dma_start3A_57 : memref<2x80xi32, #tpu.memory_space<hbm>>) target(%arg8 : memref<2x80xi32, #tpu.memory_space<vmem>>) target_semaphore(%arg32 : memref<!tpu.dma_semaphore, #tpu.memory_space<semaphore_mem>>)
    %dma_start3A_58 = arith.constant 1 : i32
    %dma_start3A_59 = arith.constant 0 : i32
    %dma_start3A_60 = arith.constant 0 : i32
    %dma_start3A_61 = tpu.memref_slice %arg2[%dma_start3A_59, %arg1, %dma_start3A_58, %dma_start3A_60] : memref<2x16x128x80xi32, #tpu.memory_space<hbm>> -> memref<2x1x1x80xi32, #tpu.memory_space<hbm>>
    %dma_start3A_62 = tpu.memref_squeeze %dma_start3A_61 : memref<2x1x1x80xi32, #tpu.memory_space<hbm>> -> memref<2x80xi32, #tpu.memory_space<hbm>>
    %dma_start3A_63 = arith.constant 0 : i32
    %dma_start3A_64 = arith.constant 0 : i32
    %dma_start3A_65 = tpu.memref_slice %arg2[%dma_start3A_63, %arg1, %dma_start3A_58, %dma_start3A_64] : memref<2x16x128x80xi32, #tpu.memory_space<hbm>> -> memref<2x1x1x80xi32, #tpu.memory_space<hbm>>
    %dma_start3A_66 = tpu.memref_squeeze %dma_start3A_65 : memref<2x1x1x80xi32, #tpu.memory_space<hbm>> -> memref<2x80xi32, #tpu.memory_space<hbm>>
    tpu.enqueue_dma source(%dma_start3A_66 : memref<2x80xi32, #tpu.memory_space<hbm>>) target(%arg9 : memref<2x80xi32, #tpu.memory_space<vmem>>) target_semaphore(%arg33 : memref<!tpu.dma_semaphore, #tpu.memory_space<semaphore_mem>>)
    %dma_start3A_67 = arith.constant 2 : i32
    %dma_start3A_68 = arith.constant 0 : i32
    %dma_start3A_69 = arith.constant 0 : i32
    %dma_start3A_70 = tpu.memref_slice %arg2[%dma_start3A_68, %arg1, %dma_start3A_67, %dma_start3A_69] : memref<2x16x128x80xi32, #tpu.memory_space<hbm>> -> memref<2x1x1x80xi32, #tpu.memory_space<hbm>>
    %dma_start3A_71 = tpu.memref_squeeze %dma_start3A_70 : memref<2x1x1x80xi32, #tpu.memory_space<hbm>> -> memref<2x80xi32, #tpu.memory_space<hbm>>
    %dma_start3A_72 = arith.constant 0 : i32
    %dma_start3A_73 = arith.constant 0 : i32
    %dma_start3A_74 = tpu.memref_slice %arg2[%dma_start3A_72, %arg1, %dma_start3A_67, %dma_start3A_73] : memref<2x16x128x80xi32, #tpu.memory_space<hbm>> -> memref<2x1x1x80xi32, #tpu.memory_space<hbm>>
    %dma_start3A_75 = tpu.memref_squeeze %dma_start3A_74 : memref<2x1x1x80xi32, #tpu.memory_space<hbm>> -> memref<2x80xi32, #tpu.memory_space<hbm>>
    tpu.enqueue_dma source(%dma_start3A_75 : memref<2x80xi32, #tpu.memory_space<hbm>>) target(%arg10 : memref<2x80xi32, #tpu.memory_space<vmem>>) target_semaphore(%arg34 : memref<!tpu.dma_semaphore, #tpu.memory_space<semaphore_mem>>)
    %dma_start3A_76 = arith.constant 3 : i32
    %dma_start3A_77 = arith.constant 0 : i32
    %dma_start3A_78 = arith.constant 0 : i32
    %dma_start3A_79 = tpu.memref_slice %arg2[%dma_start3A_77, %arg1, %dma_start3A_76, %dma_start3A_78] : memref<2x16x128x80xi32, #tpu.memory_space<hbm>> -> memref<2x1x1x80xi32, #tpu.memory_space<hbm>>
    %dma_start3A_80 = tpu.memref_squeeze %dma_start3A_79 : memref<2x1x1x80xi32, #tpu.memory_space<hbm>> -> memref<2x80xi32, #tpu.memory_space<hbm>>
    %dma_start3A_81 = arith.constant 0 : i32
    %dma_start3A_82 = arith.constant 0 : i32
    %dma_start3A_83 = tpu.memref_slice %arg2[%dma_start3A_81, %arg1, %dma_start3A_76, %dma_start3A_82] : memref<2x16x128x80xi32, #tpu.memory_space<hbm>> -> memref<2x1x1x80xi32, #tpu.memory_space<hbm>>
    %dma_start3A_84 = tpu.memref_squeeze %dma_start3A_83 : memref<2x1x1x80xi32, #tpu.memory_space<hbm>> -> memref<2x80xi32, #tpu.memory_space<hbm>>
    tpu.enqueue_dma source(%dma_start3A_84 : memref<2x80xi32, #tpu.memory_space<hbm>>) target(%arg11 : memref<2x80xi32, #tpu.memory_space<vmem>>) target_semaphore(%arg35 : memref<!tpu.dma_semaphore, #tpu.memory_space<semaphore_mem>>)
    %dma_wait3A = arith.constant 0 : i32
    %dma_wait3A_85 = arith.constant 0 : i32
    %dma_wait3A_86 = arith.constant 0 : i32
    %dma_wait3A_87 = tpu.memref_slice %arg2[%dma_wait3A_85, %arg1, %dma_wait3A, %dma_wait3A_86] : memref<2x16x128x80xi32, #tpu.memory_space<hbm>> -> memref<2x1x1x80xi32, #tpu.memory_space<hbm>>
    %dma_wait3A_88 = tpu.memref_squeeze %dma_wait3A_87 : memref<2x1x1x80xi32, #tpu.memory_space<hbm>> -> memref<2x80xi32, #tpu.memory_space<hbm>>
    %dma_wait3A_89 = arith.constant 0 : i32
    %dma_wait3A_90 = arith.constant 0 : i32
    %dma_wait3A_91 = tpu.memref_slice %arg2[%dma_wait3A_89, %arg1, %dma_wait3A, %dma_wait3A_90] : memref<2x16x128x80xi32, #tpu.memory_space<hbm>> -> memref<2x1x1x80xi32, #tpu.memory_space<hbm>>
    %dma_wait3A_92 = tpu.memref_squeeze %dma_wait3A_91 : memref<2x1x1x80xi32, #tpu.memory_space<hbm>> -> memref<2x80xi32, #tpu.memory_space<hbm>>
    tpu.wait_dma2 semaphore(%arg32 : memref<!tpu.dma_semaphore, #tpu.memory_space<semaphore_mem>>) src(%dma_wait3A_92 : memref<2x80xi32, #tpu.memory_space<hbm>>) dst(%arg8 : memref<2x80xi32, #tpu.memory_space<vmem>>)
    %eq3A_93 = arith.constant 0 : i32
    %eq3A_94 = arith.cmpi eq, %arg0, %eq3A_93 : i32
    %convert_element_type3A_95 = arith.extui %eq3A_94 : i1 to i32
    %cond3A_96 = arith.constant 0 : i32
    %cond3A_97 = arith.cmpi ne, %convert_element_type3A_95, %cond3A_96 : i32
    scf.if %cond3A_97 {
      %dma_start3A_343 = arith.constant 0 : i32
      %dma_start3A_344 = arith.constant 0 : i32
      %dma_start3A_345 = tpu.memref_slice %arg8[%dma_start3A_343, %dma_start3A_344] : memref<2x80xi32, #tpu.memory_space<vmem>> -> memref<1x80xi32, #tpu.memory_space<vmem>>
      %dma_start3A_346 = tpu.memref_squeeze %dma_start3A_345 : memref<1x80xi32, #tpu.memory_space<vmem>> -> memref<80xi32, #tpu.memory_space<vmem>>
      %dma_start3A_347 = arith.constant 0 : i32
      %dma_start3A_348 = arith.constant 0 : i32
      %dma_start3A_349 = tpu.memref_slice %arg3[%dma_start3A_347, %dma_start3A_348] : memref<10000x128xf32, #tpu.memory_space<hbm>> -> memref<10000x128xf32, #tpu.memory_space<hbm>>
      tpu.enqueue_indirect_dma source(%dma_start3A_349 : memref<10000x128xf32, #tpu.memory_space<hbm>>) target(%arg16 : memref<80x128xf32, #tpu.memory_space<vmem>>) offsets(%dma_start3A_346 : memref<80xi32, #tpu.memory_space<vmem>>) semaphore(%arg24 : memref<!tpu.dma_semaphore, #tpu.memory_space<semaphore_mem>>)
    } else {
    }
    %eq3A_98 = arith.constant 1 : i32
    %eq3A_99 = arith.cmpi eq, %arg0, %eq3A_98 : i32
    %convert_element_type3A_100 = arith.extui %eq3A_99 : i1 to i32
    %cond3A_101 = arith.constant 0 : i32
    %cond3A_102 = arith.cmpi ne, %convert_element_type3A_100, %cond3A_101 : i32
    scf.if %cond3A_102 {
      %dma_start3A_343 = arith.constant 0 : i32
      %dma_start3A_344 = arith.constant 0 : i32
      %dma_start3A_345 = tpu.memref_slice %arg8[%dma_start3A_343, %dma_start3A_344] : memref<2x80xi32, #tpu.memory_space<vmem>> -> memref<1x80xi32, #tpu.memory_space<vmem>>
      %dma_start3A_346 = tpu.memref_squeeze %dma_start3A_345 : memref<1x80xi32, #tpu.memory_space<vmem>> -> memref<80xi32, #tpu.memory_space<vmem>>
      %dma_start3A_347 = arith.constant 0 : i32
      %dma_start3A_348 = arith.constant 0 : i32
      %dma_start3A_349 = tpu.memref_slice %arg4[%dma_start3A_347, %dma_start3A_348] : memref<10000x128xf32, #tpu.memory_space<hbm>> -> memref<10000x128xf32, #tpu.memory_space<hbm>>
      tpu.enqueue_indirect_dma source(%dma_start3A_349 : memref<10000x128xf32, #tpu.memory_space<hbm>>) target(%arg16 : memref<80x128xf32, #tpu.memory_space<vmem>>) offsets(%dma_start3A_346 : memref<80xi32, #tpu.memory_space<vmem>>) semaphore(%arg24 : memref<!tpu.dma_semaphore, #tpu.memory_space<semaphore_mem>>)
    } else {
    }
    %dma_wait3A_103 = arith.constant 1 : i32
    %dma_wait3A_104 = arith.constant 0 : i32
    %dma_wait3A_105 = arith.constant 0 : i32
    %dma_wait3A_106 = tpu.memref_slice %arg2[%dma_wait3A_104, %arg1, %dma_wait3A_103, %dma_wait3A_105] : memref<2x16x128x80xi32, #tpu.memory_space<hbm>> -> memref<2x1x1x80xi32, #tpu.memory_space<hbm>>
    %dma_wait3A_107 = tpu.memref_squeeze %dma_wait3A_106 : memref<2x1x1x80xi32, #tpu.memory_space<hbm>> -> memref<2x80xi32, #tpu.memory_space<hbm>>
    %dma_wait3A_108 = arith.constant 0 : i32
    %dma_wait3A_109 = arith.constant 0 : i32
    %dma_wait3A_110 = tpu.memref_slice %arg2[%dma_wait3A_108, %arg1, %dma_wait3A_103, %dma_wait3A_109] : memref<2x16x128x80xi32, #tpu.memory_space<hbm>> -> memref<2x1x1x80xi32, #tpu.memory_space<hbm>>
    %dma_wait3A_111 = tpu.memref_squeeze %dma_wait3A_110 : memref<2x1x1x80xi32, #tpu.memory_space<hbm>> -> memref<2x80xi32, #tpu.memory_space<hbm>>
    tpu.wait_dma2 semaphore(%arg33 : memref<!tpu.dma_semaphore, #tpu.memory_space<semaphore_mem>>) src(%dma_wait3A_111 : memref<2x80xi32, #tpu.memory_space<hbm>>) dst(%arg9 : memref<2x80xi32, #tpu.memory_space<vmem>>)
    %eq3A_112 = arith.constant 0 : i32
    %eq3A_113 = arith.cmpi eq, %arg0, %eq3A_112 : i32
    %convert_element_type3A_114 = arith.extui %eq3A_113 : i1 to i32
    %cond3A_115 = arith.constant 0 : i32
    %cond3A_116 = arith.cmpi ne, %convert_element_type3A_114, %cond3A_115 : i32
    scf.if %cond3A_116 {
      %dma_start3A_343 = arith.constant 0 : i32
      %dma_start3A_344 = arith.constant 0 : i32
      %dma_start3A_345 = tpu.memref_slice %arg9[%dma_start3A_343, %dma_start3A_344] : memref<2x80xi32, #tpu.memory_space<vmem>> -> memref<1x80xi32, #tpu.memory_space<vmem>>
      %dma_start3A_346 = tpu.memref_squeeze %dma_start3A_345 : memref<1x80xi32, #tpu.memory_space<vmem>> -> memref<80xi32, #tpu.memory_space<vmem>>
      %dma_start3A_347 = arith.constant 0 : i32
      %dma_start3A_348 = arith.constant 0 : i32
      %dma_start3A_349 = tpu.memref_slice %arg3[%dma_start3A_347, %dma_start3A_348] : memref<10000x128xf32, #tpu.memory_space<hbm>> -> memref<10000x128xf32, #tpu.memory_space<hbm>>
      tpu.enqueue_indirect_dma source(%dma_start3A_349 : memref<10000x128xf32, #tpu.memory_space<hbm>>) target(%arg17 : memref<80x128xf32, #tpu.memory_space<vmem>>) offsets(%dma_start3A_346 : memref<80xi32, #tpu.memory_space<vmem>>) semaphore(%arg25 : memref<!tpu.dma_semaphore, #tpu.memory_space<semaphore_mem>>)
    } else {
    }
    %eq3A_117 = arith.constant 1 : i32
    %eq3A_118 = arith.cmpi eq, %arg0, %eq3A_117 : i32
    %convert_element_type3A_119 = arith.extui %eq3A_118 : i1 to i32
    %cond3A_120 = arith.constant 0 : i32
    %cond3A_121 = arith.cmpi ne, %convert_element_type3A_119, %cond3A_120 : i32
    scf.if %cond3A_121 {
      %dma_start3A_343 = arith.constant 0 : i32
      %dma_start3A_344 = arith.constant 0 : i32
      %dma_start3A_345 = tpu.memref_slice %arg9[%dma_start3A_343, %dma_start3A_344] : memref<2x80xi32, #tpu.memory_space<vmem>> -> memref<1x80xi32, #tpu.memory_space<vmem>>
      %dma_start3A_346 = tpu.memref_squeeze %dma_start3A_345 : memref<1x80xi32, #tpu.memory_space<vmem>> -> memref<80xi32, #tpu.memory_space<vmem>>
      %dma_start3A_347 = arith.constant 0 : i32
      %dma_start3A_348 = arith.constant 0 : i32
      %dma_start3A_349 = tpu.memref_slice %arg4[%dma_start3A_347, %dma_start3A_348] : memref<10000x128xf32, #tpu.memory_space<hbm>> -> memref<10000x128xf32, #tpu.memory_space<hbm>>
      tpu.enqueue_indirect_dma source(%dma_start3A_349 : memref<10000x128xf32, #tpu.memory_space<hbm>>) target(%arg17 : memref<80x128xf32, #tpu.memory_space<vmem>>) offsets(%dma_start3A_346 : memref<80xi32, #tpu.memory_space<vmem>>) semaphore(%arg25 : memref<!tpu.dma_semaphore, #tpu.memory_space<semaphore_mem>>)
    } else {
    }
    %dma_wait3A_122 = arith.constant 2 : i32
    %dma_wait3A_123 = arith.constant 0 : i32
    %dma_wait3A_124 = arith.constant 0 : i32
    %dma_wait3A_125 = tpu.memref_slice %arg2[%dma_wait3A_123, %arg1, %dma_wait3A_122, %dma_wait3A_124] : memref<2x16x128x80xi32, #tpu.memory_space<hbm>> -> memref<2x1x1x80xi32, #tpu.memory_space<hbm>>
    %dma_wait3A_126 = tpu.memref_squeeze %dma_wait3A_125 : memref<2x1x1x80xi32, #tpu.memory_space<hbm>> -> memref<2x80xi32, #tpu.memory_space<hbm>>
    %dma_wait3A_127 = arith.constant 0 : i32
    %dma_wait3A_128 = arith.constant 0 : i32
    %dma_wait3A_129 = tpu.memref_slice %arg2[%dma_wait3A_127, %arg1, %dma_wait3A_122, %dma_wait3A_128] : memref<2x16x128x80xi32, #tpu.memory_space<hbm>> -> memref<2x1x1x80xi32, #tpu.memory_space<hbm>>
    %dma_wait3A_130 = tpu.memref_squeeze %dma_wait3A_129 : memref<2x1x1x80xi32, #tpu.memory_space<hbm>> -> memref<2x80xi32, #tpu.memory_space<hbm>>
    tpu.wait_dma2 semaphore(%arg34 : memref<!tpu.dma_semaphore, #tpu.memory_space<semaphore_mem>>) src(%dma_wait3A_130 : memref<2x80xi32, #tpu.memory_space<hbm>>) dst(%arg10 : memref<2x80xi32, #tpu.memory_space<vmem>>)
    %eq3A_131 = arith.constant 0 : i32
    %eq3A_132 = arith.cmpi eq, %arg0, %eq3A_131 : i32
    %convert_element_type3A_133 = arith.extui %eq3A_132 : i1 to i32
    %cond3A_134 = arith.constant 0 : i32
    %cond3A_135 = arith.cmpi ne, %convert_element_type3A_133, %cond3A_134 : i32
    scf.if %cond3A_135 {
      %dma_start3A_343 = arith.constant 0 : i32
      %dma_start3A_344 = arith.constant 0 : i32
      %dma_start3A_345 = tpu.memref_slice %arg10[%dma_start3A_343, %dma_start3A_344] : memref<2x80xi32, #tpu.memory_space<vmem>> -> memref<1x80xi32, #tpu.memory_space<vmem>>
      %dma_start3A_346 = tpu.memref_squeeze %dma_start3A_345 : memref<1x80xi32, #tpu.memory_space<vmem>> -> memref<80xi32, #tpu.memory_space<vmem>>
      %dma_start3A_347 = arith.constant 0 : i32
      %dma_start3A_348 = arith.constant 0 : i32
      %dma_start3A_349 = tpu.memref_slice %arg3[%dma_start3A_347, %dma_start3A_348] : memref<10000x128xf32, #tpu.memory_space<hbm>> -> memref<10000x128xf32, #tpu.memory_space<hbm>>
      tpu.enqueue_indirect_dma source(%dma_start3A_349 : memref<10000x128xf32, #tpu.memory_space<hbm>>) target(%arg18 : memref<80x128xf32, #tpu.memory_space<vmem>>) offsets(%dma_start3A_346 : memref<80xi32, #tpu.memory_space<vmem>>) semaphore(%arg26 : memref<!tpu.dma_semaphore, #tpu.memory_space<semaphore_mem>>)
    } else {
    }
    %eq3A_136 = arith.constant 1 : i32
    %eq3A_137 = arith.cmpi eq, %arg0, %eq3A_136 : i32
    %convert_element_type3A_138 = arith.extui %eq3A_137 : i1 to i32
    %cond3A_139 = arith.constant 0 : i32
    %cond3A_140 = arith.cmpi ne, %convert_element_type3A_138, %cond3A_139 : i32
    scf.if %cond3A_140 {
      %dma_start3A_343 = arith.constant 0 : i32
      %dma_start3A_344 = arith.constant 0 : i32
      %dma_start3A_345 = tpu.memref_slice %arg10[%dma_start3A_343, %dma_start3A_344] : memref<2x80xi32, #tpu.memory_space<vmem>> -> memref<1x80xi32, #tpu.memory_space<vmem>>
      %dma_start3A_346 = tpu.memref_squeeze %dma_start3A_345 : memref<1x80xi32, #tpu.memory_space<vmem>> -> memref<80xi32, #tpu.memory_space<vmem>>
      %dma_start3A_347 = arith.constant 0 : i32
      %dma_start3A_348 = arith.constant 0 : i32
      %dma_start3A_349 = tpu.memref_slice %arg4[%dma_start3A_347, %dma_start3A_348] : memref<10000x128xf32, #tpu.memory_space<hbm>> -> memref<10000x128xf32, #tpu.memory_space<hbm>>
      tpu.enqueue_indirect_dma source(%dma_start3A_349 : memref<10000x128xf32, #tpu.memory_space<hbm>>) target(%arg18 : memref<80x128xf32, #tpu.memory_space<vmem>>) offsets(%dma_start3A_346 : memref<80xi32, #tpu.memory_space<vmem>>) semaphore(%arg26 : memref<!tpu.dma_semaphore, #tpu.memory_space<semaphore_mem>>)
    } else {
    }
    %scan3A_141 = arith.constant 0 : i32
    %scan3A_142 = arith.constant 0 : i32
    %scan3A_143 = arith.constant 16 : i32
    %scan3A_144 = arith.addi %scan3A_142, %scan3A_143 : i32
    %scan3A_145 = arith.constant 1 : i32
    %scan3A_146 = scf.for %scan3A_343 = %scan3A_142 to %scan3A_144 step %scan3A_145 iter_args(%scan3A_344 = %scan3A_141) -> (i32)  : i32 {
      %mul3A_345 = arith.constant 8 : i32
      %mul3A_346 = arith.muli %scan3A_343, %mul3A_345 : i32
      %add3A_347 = arith.constant 0 : i32
      %add3A_348 = arith.addi %mul3A_346, %add3A_347 : i32
      %eq3A_349 = arith.constant 0 : i32
      %eq3A_350 = arith.cmpi eq, %arg0, %eq3A_349 : i32
      %convert_element_type3A_351 = arith.extui %eq3A_350 : i1 to i32
      %cond3A_352 = arith.constant 0 : i32
      %cond3A_353 = arith.cmpi ne, %convert_element_type3A_351, %cond3A_352 : i32
      scf.if %cond3A_353 {
        %dma_wait3A_665 = arith.constant 0 : i32
        %dma_wait3A_666 = arith.constant 0 : i32
        %dma_wait3A_667 = tpu.memref_slice %arg8[%dma_wait3A_665, %dma_wait3A_666] : memref<2x80xi32, #tpu.memory_space<vmem>> -> memref<1x80xi32, #tpu.memory_space<vmem>>
        %dma_wait3A_668 = tpu.memref_squeeze %dma_wait3A_667 : memref<1x80xi32, #tpu.memory_space<vmem>> -> memref<80xi32, #tpu.memory_space<vmem>>
        %dma_wait3A_669 = arith.constant 0 : i32
        %dma_wait3A_670 = arith.constant 0 : i32
        %dma_wait3A_671 = tpu.memref_slice %arg3[%dma_wait3A_669, %dma_wait3A_670] : memref<10000x128xf32, #tpu.memory_space<hbm>> -> memref<10000x128xf32, #tpu.memory_space<hbm>>
        tpu.wait_indirect_dma semaphore(%arg24 : memref<!tpu.dma_semaphore, #tpu.memory_space<semaphore_mem>>) src(%dma_wait3A_671 : memref<10000x128xf32, #tpu.memory_space<hbm>>) dst(%arg16 : memref<80x128xf32, #tpu.memory_space<vmem>>)
      } else {
      }
      %eq3A_354 = arith.constant 1 : i32
      %eq3A_355 = arith.cmpi eq, %arg0, %eq3A_354 : i32
      %convert_element_type3A_356 = arith.extui %eq3A_355 : i1 to i32
      %cond3A_357 = arith.constant 0 : i32
      %cond3A_358 = arith.cmpi ne, %convert_element_type3A_356, %cond3A_357 : i32
      scf.if %cond3A_358 {
        %dma_wait3A_665 = arith.constant 0 : i32
        %dma_wait3A_666 = arith.constant 0 : i32
        %dma_wait3A_667 = tpu.memref_slice %arg8[%dma_wait3A_665, %dma_wait3A_666] : memref<2x80xi32, #tpu.memory_space<vmem>> -> memref<1x80xi32, #tpu.memory_space<vmem>>
        %dma_wait3A_668 = tpu.memref_squeeze %dma_wait3A_667 : memref<1x80xi32, #tpu.memory_space<vmem>> -> memref<80xi32, #tpu.memory_space<vmem>>
        %dma_wait3A_669 = arith.constant 0 : i32
        %dma_wait3A_670 = arith.constant 0 : i32
        %dma_wait3A_671 = tpu.memref_slice %arg4[%dma_wait3A_669, %dma_wait3A_670] : memref<10000x128xf32, #tpu.memory_space<hbm>> -> memref<10000x128xf32, #tpu.memory_space<hbm>>
        tpu.wait_indirect_dma semaphore(%arg24 : memref<!tpu.dma_semaphore, #tpu.memory_space<semaphore_mem>>) src(%dma_wait3A_671 : memref<10000x128xf32, #tpu.memory_space<hbm>>) dst(%arg16 : memref<80x128xf32, #tpu.memory_space<vmem>>)
      } else {
      }
      %eq3A_359 = arith.constant 0 : i32
      %eq3A_360 = arith.cmpi eq, %arg0, %eq3A_359 : i32
      %convert_element_type3A_361 = arith.extui %eq3A_360 : i1 to i32
      %cond3A_362 = arith.constant 0 : i32
      %cond3A_363 = arith.cmpi ne, %convert_element_type3A_361, %cond3A_362 : i32
      scf.if %cond3A_363 {
        %run_scoped3A = arith.constant 1 : i32
        "tpu.region"() ({
          %run_scoped3A_665 = tpu.sem_alloc : memref<!tpu.dma_semaphore, #tpu.memory_space<semaphore_mem>>
          %dma_start3A_666 = arith.constant 0 : i32
          %dma_start3A_667 = tpu.memref_slice %arg8[%run_scoped3A, %dma_start3A_666] : memref<2x80xi32, #tpu.memory_space<vmem>> -> memref<1x80xi32, #tpu.memory_space<vmem>>
          %dma_start3A_668 = tpu.memref_squeeze %dma_start3A_667 : memref<1x80xi32, #tpu.memory_space<vmem>> -> memref<80xi32, #tpu.memory_space<vmem>>
          %dma_start3A_669 = arith.constant 0 : i32
          %dma_start3A_670 = tpu.memref_slice %arg23[%dma_start3A_669] : memref<10240xf32, #tpu.memory_space<vmem_shared>> -> memref<10240xf32, #tpu.memory_space<vmem_shared>>
          tpu.enqueue_indirect_dma source(%arg21 : memref<80xf32, #tpu.memory_space<vmem>>) target(%dma_start3A_670 : memref<10240xf32, #tpu.memory_space<vmem_shared>>) offsets(%dma_start3A_668 : memref<80xi32, #tpu.memory_space<vmem>>) semaphore(%run_scoped3A_665 : memref<!tpu.dma_semaphore, #tpu.memory_space<semaphore_mem>>) {add = true}
          %dma_wait3A_671 = arith.constant 0 : i32
          %dma_wait3A_672 = tpu.memref_slice %arg8[%run_scoped3A, %dma_wait3A_671] : memref<2x80xi32, #tpu.memory_space<vmem>> -> memref<1x80xi32, #tpu.memory_space<vmem>>
          %dma_wait3A_673 = tpu.memref_squeeze %dma_wait3A_672 : memref<1x80xi32, #tpu.memory_space<vmem>> -> memref<80xi32, #tpu.memory_space<vmem>>
          %dma_wait3A_674 = arith.constant 0 : i32
          %dma_wait3A_675 = tpu.memref_slice %arg23[%dma_wait3A_674] : memref<10240xf32, #tpu.memory_space<vmem_shared>> -> memref<10240xf32, #tpu.memory_space<vmem_shared>>
          tpu.wait_indirect_dma semaphore(%run_scoped3A_665 : memref<!tpu.dma_semaphore, #tpu.memory_space<semaphore_mem>>) src(%arg21 : memref<80xf32, #tpu.memory_space<vmem>>) dst(%dma_wait3A_675 : memref<10240xf32, #tpu.memory_space<vmem_shared>>)
          tpu.yield
        }) : () -> ()
      } else {
      }
      %dma_start3A_364 = arith.constant 1 : i32
      %dma_start3A_365 = arith.constant 0 : i32
      %dma_start3A_366 = tpu.memref_slice %arg8[%dma_start3A_364, %dma_start3A_365] : memref<2x80xi32, #tpu.memory_space<vmem>> -> memref<1x80xi32, #tpu.memory_space<vmem>>
      %dma_start3A_367 = tpu.memref_squeeze %dma_start3A_366 : memref<1x80xi32, #tpu.memory_space<vmem>> -> memref<80xi32, #tpu.memory_space<vmem>>
      %dma_start3A_368 = arith.constant 0 : i32
      %dma_start3A_369 = arith.constant 0 : i32
      %dma_start3A_370 = tpu.memref_slice %arg22[%dma_start3A_368, %dma_start3A_369] : memref<10008x128xf32, #tpu.memory_space<vmem_shared>> -> memref<10008x128xf32, #tpu.memory_space<vmem_shared>>
      tpu.enqueue_indirect_dma source(%arg16 : memref<80x128xf32, #tpu.memory_space<vmem>>) target(%dma_start3A_370 : memref<10008x128xf32, #tpu.memory_space<vmem_shared>>) offsets(%dma_start3A_367 : memref<80xi32, #tpu.memory_space<vmem>>) semaphore(%arg28 : memref<!tpu.dma_semaphore, #tpu.memory_space<semaphore_mem>>) {add = true}
      %add3A_371 = arith.constant 4 : i32
      %add3A_372 = arith.addi %add3A_348, %add3A_371 : i32
      %lt3A = arith.constant 128 : i32
      %lt3A_373 = arith.cmpi slt, %add3A_372, %lt3A : i32
      %convert_element_type3A_374 = arith.extui %lt3A_373 : i1 to i32
      %cond3A_375 = arith.constant 0 : i32
      %cond3A_376 = arith.cmpi ne, %convert_element_type3A_374, %cond3A_375 : i32
      scf.if %cond3A_376 {
        %dma_start3A_665 = arith.constant 0 : i32
        %dma_start3A_666 = arith.constant 0 : i32
        %dma_start3A_667 = tpu.memref_slice %arg2[%dma_start3A_665, %arg1, %add3A_372, %dma_start3A_666] : memref<2x16x128x80xi32, #tpu.memory_space<hbm>> -> memref<2x1x1x80xi32, #tpu.memory_space<hbm>>
        %dma_start3A_668 = tpu.memref_squeeze %dma_start3A_667 : memref<2x1x1x80xi32, #tpu.memory_space<hbm>> -> memref<2x80xi32, #tpu.memory_space<hbm>>
        %dma_start3A_669 = arith.constant 0 : i32
        %dma_start3A_670 = arith.constant 0 : i32
        %dma_start3A_671 = tpu.memref_slice %arg2[%dma_start3A_669, %arg1, %add3A_372, %dma_start3A_670] : memref<2x16x128x80xi32, #tpu.memory_space<hbm>> -> memref<2x1x1x80xi32, #tpu.memory_space<hbm>>
        %dma_start3A_672 = tpu.memref_squeeze %dma_start3A_671 : memref<2x1x1x80xi32, #tpu.memory_space<hbm>> -> memref<2x80xi32, #tpu.memory_space<hbm>>
        tpu.enqueue_dma source(%dma_start3A_672 : memref<2x80xi32, #tpu.memory_space<hbm>>) target(%arg12 : memref<2x80xi32, #tpu.memory_space<vmem>>) target_semaphore(%arg36 : memref<!tpu.dma_semaphore, #tpu.memory_space<semaphore_mem>>)
      } else {
      }
      %add3A_377 = arith.constant 3 : i32
      %add3A_378 = arith.addi %add3A_348, %add3A_377 : i32
      %lt3A_379 = arith.constant 128 : i32
      %lt3A_380 = arith.cmpi slt, %add3A_378, %lt3A_379 : i32
      %convert_element_type3A_381 = arith.extui %lt3A_380 : i1 to i32
      %cond3A_382 = arith.constant 0 : i32
      %cond3A_383 = arith.cmpi ne, %convert_element_type3A_381, %cond3A_382 : i32
      scf.if %cond3A_383 {
        %sub3A = arith.constant 4 : i32
        %sub3A_665 = arith.subi %add3A_378, %sub3A : i32
        %ge3A = arith.constant 0 : i32
        %ge3A_666 = arith.cmpi sge, %sub3A_665, %ge3A : i32
        %convert_element_type3A_667 = arith.extui %ge3A_666 : i1 to i32
        %cond3A_668 = arith.constant 0 : i32
        %cond3A_669 = arith.cmpi ne, %convert_element_type3A_667, %cond3A_668 : i32
        scf.if %cond3A_669 {
          %dma_wait3A_688 = arith.constant 1 : i32
          %dma_wait3A_689 = arith.constant 0 : i32
          %dma_wait3A_690 = tpu.memref_slice %arg11[%dma_wait3A_688, %dma_wait3A_689] : memref<2x80xi32, #tpu.memory_space<vmem>> -> memref<1x80xi32, #tpu.memory_space<vmem>>
          %dma_wait3A_691 = tpu.memref_squeeze %dma_wait3A_690 : memref<1x80xi32, #tpu.memory_space<vmem>> -> memref<80xi32, #tpu.memory_space<vmem>>
          %dma_wait3A_692 = arith.constant 0 : i32
          %dma_wait3A_693 = arith.constant 0 : i32
          %dma_wait3A_694 = tpu.memref_slice %arg22[%dma_wait3A_692, %dma_wait3A_693] : memref<10008x128xf32, #tpu.memory_space<vmem_shared>> -> memref<10008x128xf32, #tpu.memory_space<vmem_shared>>
          tpu.wait_indirect_dma semaphore(%arg31 : memref<!tpu.dma_semaphore, #tpu.memory_space<semaphore_mem>>) src(%arg19 : memref<80x128xf32, #tpu.memory_space<vmem>>) dst(%dma_wait3A_694 : memref<10008x128xf32, #tpu.memory_space<vmem_shared>>)
        } else {
        }
        %dma_wait3A_670 = arith.constant 0 : i32
        %dma_wait3A_671 = arith.constant 0 : i32
        %dma_wait3A_672 = tpu.memref_slice %arg2[%dma_wait3A_670, %arg1, %add3A_378, %dma_wait3A_671] : memref<2x16x128x80xi32, #tpu.memory_space<hbm>> -> memref<2x1x1x80xi32, #tpu.memory_space<hbm>>
        %dma_wait3A_673 = tpu.memref_squeeze %dma_wait3A_672 : memref<2x1x1x80xi32, #tpu.memory_space<hbm>> -> memref<2x80xi32, #tpu.memory_space<hbm>>
        %dma_wait3A_674 = arith.constant 0 : i32
        %dma_wait3A_675 = arith.constant 0 : i32
        %dma_wait3A_676 = tpu.memref_slice %arg2[%dma_wait3A_674, %arg1, %add3A_378, %dma_wait3A_675] : memref<2x16x128x80xi32, #tpu.memory_space<hbm>> -> memref<2x1x1x80xi32, #tpu.memory_space<hbm>>
        %dma_wait3A_677 = tpu.memref_squeeze %dma_wait3A_676 : memref<2x1x1x80xi32, #tpu.memory_space<hbm>> -> memref<2x80xi32, #tpu.memory_space<hbm>>
        tpu.wait_dma2 semaphore(%arg35 : memref<!tpu.dma_semaphore, #tpu.memory_space<semaphore_mem>>) src(%dma_wait3A_677 : memref<2x80xi32, #tpu.memory_space<hbm>>) dst(%arg11 : memref<2x80xi32, #tpu.memory_space<vmem>>)
        %eq3A_678 = arith.constant 0 : i32
        %eq3A_679 = arith.cmpi eq, %arg0, %eq3A_678 : i32
        %convert_element_type3A_680 = arith.extui %eq3A_679 : i1 to i32
        %cond3A_681 = arith.constant 0 : i32
        %cond3A_682 = arith.cmpi ne, %convert_element_type3A_680, %cond3A_681 : i32
        scf.if %cond3A_682 {
          %dma_start3A_688 = arith.constant 0 : i32
          %dma_start3A_689 = arith.constant 0 : i32
          %dma_start3A_690 = tpu.memref_slice %arg11[%dma_start3A_688, %dma_start3A_689] : memref<2x80xi32, #tpu.memory_space<vmem>> -> memref<1x80xi32, #tpu.memory_space<vmem>>
          %dma_start3A_691 = tpu.memref_squeeze %dma_start3A_690 : memref<1x80xi32, #tpu.memory_space<vmem>> -> memref<80xi32, #tpu.memory_space<vmem>>
          %dma_start3A_692 = arith.constant 0 : i32
          %dma_start3A_693 = arith.constant 0 : i32
          %dma_start3A_694 = tpu.memref_slice %arg3[%dma_start3A_692, %dma_start3A_693] : memref<10000x128xf32, #tpu.memory_space<hbm>> -> memref<10000x128xf32, #tpu.memory_space<hbm>>
          tpu.enqueue_indirect_dma source(%dma_start3A_694 : memref<10000x128xf32, #tpu.memory_space<hbm>>) target(%arg19 : memref<80x128xf32, #tpu.memory_space<vmem>>) offsets(%dma_start3A_691 : memref<80xi32, #tpu.memory_space<vmem>>) semaphore(%arg27 : memref<!tpu.dma_semaphore, #tpu.memory_space<semaphore_mem>>)
        } else {
        }
        %eq3A_683 = arith.constant 1 : i32
        %eq3A_684 = arith.cmpi eq, %arg0, %eq3A_683 : i32
        %convert_element_type3A_685 = arith.extui %eq3A_684 : i1 to i32
        %cond3A_686 = arith.constant 0 : i32
        %cond3A_687 = arith.cmpi ne, %convert_element_type3A_685, %cond3A_686 : i32
        scf.if %cond3A_687 {
          %dma_start3A_688 = arith.constant 0 : i32
          %dma_start3A_689 = arith.constant 0 : i32
          %dma_start3A_690 = tpu.memref_slice %arg11[%dma_start3A_688, %dma_start3A_689] : memref<2x80xi32, #tpu.memory_space<vmem>> -> memref<1x80xi32, #tpu.memory_space<vmem>>
          %dma_start3A_691 = tpu.memref_squeeze %dma_start3A_690 : memref<1x80xi32, #tpu.memory_space<vmem>> -> memref<80xi32, #tpu.memory_space<vmem>>
          %dma_start3A_692 = arith.constant 0 : i32
          %dma_start3A_693 = arith.constant 0 : i32
          %dma_start3A_694 = tpu.memref_slice %arg4[%dma_start3A_692, %dma_start3A_693] : memref<10000x128xf32, #tpu.memory_space<hbm>> -> memref<10000x128xf32, #tpu.memory_space<hbm>>
          tpu.enqueue_indirect_dma source(%dma_start3A_694 : memref<10000x128xf32, #tpu.memory_space<hbm>>) target(%arg19 : memref<80x128xf32, #tpu.memory_space<vmem>>) offsets(%dma_start3A_691 : memref<80xi32, #tpu.memory_space<vmem>>) semaphore(%arg27 : memref<!tpu.dma_semaphore, #tpu.memory_space<semaphore_mem>>)
        } else {
        }
      } else {
      }
      %mul3A_384 = arith.constant 8 : i32
      %mul3A_385 = arith.muli %scan3A_343, %mul3A_384 : i32
      %add3A_386 = arith.constant 1 : i32
      %add3A_387 = arith.addi %mul3A_385, %add3A_386 : i32
      %eq3A_388 = arith.constant 0 : i32
      %eq3A_389 = arith.cmpi eq, %arg0, %eq3A_388 : i32
      %convert_element_type3A_390 = arith.extui %eq3A_389 : i1 to i32
      %cond3A_391 = arith.constant 0 : i32
      %cond3A_392 = arith.cmpi ne, %convert_element_type3A_390, %cond3A_391 : i32
      scf.if %cond3A_392 {
        %dma_wait3A_665 = arith.constant 0 : i32
        %dma_wait3A_666 = arith.constant 0 : i32
        %dma_wait3A_667 = tpu.memref_slice %arg9[%dma_wait3A_665, %dma_wait3A_666] : memref<2x80xi32, #tpu.memory_space<vmem>> -> memref<1x80xi32, #tpu.memory_space<vmem>>
        %dma_wait3A_668 = tpu.memref_squeeze %dma_wait3A_667 : memref<1x80xi32, #tpu.memory_space<vmem>> -> memref<80xi32, #tpu.memory_space<vmem>>
        %dma_wait3A_669 = arith.constant 0 : i32
        %dma_wait3A_670 = arith.constant 0 : i32
        %dma_wait3A_671 = tpu.memref_slice %arg3[%dma_wait3A_669, %dma_wait3A_670] : memref<10000x128xf32, #tpu.memory_space<hbm>> -> memref<10000x128xf32, #tpu.memory_space<hbm>>
        tpu.wait_indirect_dma semaphore(%arg25 : memref<!tpu.dma_semaphore, #tpu.memory_space<semaphore_mem>>) src(%dma_wait3A_671 : memref<10000x128xf32, #tpu.memory_space<hbm>>) dst(%arg17 : memref<80x128xf32, #tpu.memory_space<vmem>>)
      } else {
      }
      %eq3A_393 = arith.constant 1 : i32
      %eq3A_394 = arith.cmpi eq, %arg0, %eq3A_393 : i32
      %convert_element_type3A_395 = arith.extui %eq3A_394 : i1 to i32
      %cond3A_396 = arith.constant 0 : i32
      %cond3A_397 = arith.cmpi ne, %convert_element_type3A_395, %cond3A_396 : i32
      scf.if %cond3A_397 {
        %dma_wait3A_665 = arith.constant 0 : i32
        %dma_wait3A_666 = arith.constant 0 : i32
        %dma_wait3A_667 = tpu.memref_slice %arg9[%dma_wait3A_665, %dma_wait3A_666] : memref<2x80xi32, #tpu.memory_space<vmem>> -> memref<1x80xi32, #tpu.memory_space<vmem>>
        %dma_wait3A_668 = tpu.memref_squeeze %dma_wait3A_667 : memref<1x80xi32, #tpu.memory_space<vmem>> -> memref<80xi32, #tpu.memory_space<vmem>>
        %dma_wait3A_669 = arith.constant 0 : i32
        %dma_wait3A_670 = arith.constant 0 : i32
        %dma_wait3A_671 = tpu.memref_slice %arg4[%dma_wait3A_669, %dma_wait3A_670] : memref<10000x128xf32, #tpu.memory_space<hbm>> -> memref<10000x128xf32, #tpu.memory_space<hbm>>
        tpu.wait_indirect_dma semaphore(%arg25 : memref<!tpu.dma_semaphore, #tpu.memory_space<semaphore_mem>>) src(%dma_wait3A_671 : memref<10000x128xf32, #tpu.memory_space<hbm>>) dst(%arg17 : memref<80x128xf32, #tpu.memory_space<vmem>>)
      } else {
      }
      %eq3A_398 = arith.constant 0 : i32
      %eq3A_399 = arith.cmpi eq, %arg0, %eq3A_398 : i32
      %convert_element_type3A_400 = arith.extui %eq3A_399 : i1 to i32
      %cond3A_401 = arith.constant 0 : i32
      %cond3A_402 = arith.cmpi ne, %convert_element_type3A_400, %cond3A_401 : i32
      scf.if %cond3A_402 {
        %run_scoped3A = arith.constant 1 : i32
        "tpu.region"() ({
          %run_scoped3A_665 = tpu.sem_alloc : memref<!tpu.dma_semaphore, #tpu.memory_space<semaphore_mem>>
          %dma_start3A_666 = arith.constant 0 : i32
          %dma_start3A_667 = tpu.memref_slice %arg9[%run_scoped3A, %dma_start3A_666] : memref<2x80xi32, #tpu.memory_space<vmem>> -> memref<1x80xi32, #tpu.memory_space<vmem>>
          %dma_start3A_668 = tpu.memref_squeeze %dma_start3A_667 : memref<1x80xi32, #tpu.memory_space<vmem>> -> memref<80xi32, #tpu.memory_space<vmem>>
          %dma_start3A_669 = arith.constant 0 : i32
          %dma_start3A_670 = tpu.memref_slice %arg23[%dma_start3A_669] : memref<10240xf32, #tpu.memory_space<vmem_shared>> -> memref<10240xf32, #tpu.memory_space<vmem_shared>>
          tpu.enqueue_indirect_dma source(%arg21 : memref<80xf32, #tpu.memory_space<vmem>>) target(%dma_start3A_670 : memref<10240xf32, #tpu.memory_space<vmem_shared>>) offsets(%dma_start3A_668 : memref<80xi32, #tpu.memory_space<vmem>>) semaphore(%run_scoped3A_665 : memref<!tpu.dma_semaphore, #tpu.memory_space<semaphore_mem>>) {add = true}
          %dma_wait3A_671 = arith.constant 0 : i32
          %dma_wait3A_672 = tpu.memref_slice %arg9[%run_scoped3A, %dma_wait3A_671] : memref<2x80xi32, #tpu.memory_space<vmem>> -> memref<1x80xi32, #tpu.memory_space<vmem>>
          %dma_wait3A_673 = tpu.memref_squeeze %dma_wait3A_672 : memref<1x80xi32, #tpu.memory_space<vmem>> -> memref<80xi32, #tpu.memory_space<vmem>>
          %dma_wait3A_674 = arith.constant 0 : i32
          %dma_wait3A_675 = tpu.memref_slice %arg23[%dma_wait3A_674] : memref<10240xf32, #tpu.memory_space<vmem_shared>> -> memref<10240xf32, #tpu.memory_space<vmem_shared>>
          tpu.wait_indirect_dma semaphore(%run_scoped3A_665 : memref<!tpu.dma_semaphore, #tpu.memory_space<semaphore_mem>>) src(%arg21 : memref<80xf32, #tpu.memory_space<vmem>>) dst(%dma_wait3A_675 : memref<10240xf32, #tpu.memory_space<vmem_shared>>)
          tpu.yield
        }) : () -> ()
      } else {
      }
      %dma_start3A_403 = arith.constant 1 : i32
      %dma_start3A_404 = arith.constant 0 : i32
      %dma_start3A_405 = tpu.memref_slice %arg9[%dma_start3A_403, %dma_start3A_404] : memref<2x80xi32, #tpu.memory_space<vmem>> -> memref<1x80xi32, #tpu.memory_space<vmem>>
      %dma_start3A_406 = tpu.memref_squeeze %dma_start3A_405 : memref<1x80xi32, #tpu.memory_space<vmem>> -> memref<80xi32, #tpu.memory_space<vmem>>
      %dma_start3A_407 = arith.constant 0 : i32
      %dma_start3A_408 = arith.constant 0 : i32
      %dma_start3A_409 = tpu.memref_slice %arg22[%dma_start3A_407, %dma_start3A_408] : memref<10008x128xf32, #tpu.memory_space<vmem_shared>> -> memref<10008x128xf32, #tpu.memory_space<vmem_shared>>
      tpu.enqueue_indirect_dma source(%arg17 : memref<80x128xf32, #tpu.memory_space<vmem>>) target(%dma_start3A_409 : memref<10008x128xf32, #tpu.memory_space<vmem_shared>>) offsets(%dma_start3A_406 : memref<80xi32, #tpu.memory_space<vmem>>) semaphore(%arg29 : memref<!tpu.dma_semaphore, #tpu.memory_space<semaphore_mem>>) {add = true}
      %add3A_410 = arith.constant 4 : i32
      %add3A_411 = arith.addi %add3A_387, %add3A_410 : i32
      %lt3A_412 = arith.constant 128 : i32
      %lt3A_413 = arith.cmpi slt, %add3A_411, %lt3A_412 : i32
      %convert_element_type3A_414 = arith.extui %lt3A_413 : i1 to i32
      %cond3A_415 = arith.constant 0 : i32
      %cond3A_416 = arith.cmpi ne, %convert_element_type3A_414, %cond3A_415 : i32
      scf.if %cond3A_416 {
        %dma_start3A_665 = arith.constant 0 : i32
        %dma_start3A_666 = arith.constant 0 : i32
        %dma_start3A_667 = tpu.memref_slice %arg2[%dma_start3A_665, %arg1, %add3A_411, %dma_start3A_666] : memref<2x16x128x80xi32, #tpu.memory_space<hbm>> -> memref<2x1x1x80xi32, #tpu.memory_space<hbm>>
        %dma_start3A_668 = tpu.memref_squeeze %dma_start3A_667 : memref<2x1x1x80xi32, #tpu.memory_space<hbm>> -> memref<2x80xi32, #tpu.memory_space<hbm>>
        %dma_start3A_669 = arith.constant 0 : i32
        %dma_start3A_670 = arith.constant 0 : i32
        %dma_start3A_671 = tpu.memref_slice %arg2[%dma_start3A_669, %arg1, %add3A_411, %dma_start3A_670] : memref<2x16x128x80xi32, #tpu.memory_space<hbm>> -> memref<2x1x1x80xi32, #tpu.memory_space<hbm>>
        %dma_start3A_672 = tpu.memref_squeeze %dma_start3A_671 : memref<2x1x1x80xi32, #tpu.memory_space<hbm>> -> memref<2x80xi32, #tpu.memory_space<hbm>>
        tpu.enqueue_dma source(%dma_start3A_672 : memref<2x80xi32, #tpu.memory_space<hbm>>) target(%arg13 : memref<2x80xi32, #tpu.memory_space<vmem>>) target_semaphore(%arg37 : memref<!tpu.dma_semaphore, #tpu.memory_space<semaphore_mem>>)
      } else {
      }
      %add3A_417 = arith.constant 3 : i32
      %add3A_418 = arith.addi %add3A_387, %add3A_417 : i32
      %lt3A_419 = arith.constant 128 : i32
      %lt3A_420 = arith.cmpi slt, %add3A_418, %lt3A_419 : i32
      %convert_element_type3A_421 = arith.extui %lt3A_420 : i1 to i32
      %cond3A_422 = arith.constant 0 : i32
      %cond3A_423 = arith.cmpi ne, %convert_element_type3A_421, %cond3A_422 : i32
      scf.if %cond3A_423 {
        %sub3A = arith.constant 4 : i32
        %sub3A_665 = arith.subi %add3A_418, %sub3A : i32
        %ge3A = arith.constant 0 : i32
        %ge3A_666 = arith.cmpi sge, %sub3A_665, %ge3A : i32
        %convert_element_type3A_667 = arith.extui %ge3A_666 : i1 to i32
        %cond3A_668 = arith.constant 0 : i32
        %cond3A_669 = arith.cmpi ne, %convert_element_type3A_667, %cond3A_668 : i32
        scf.if %cond3A_669 {
          %dma_wait3A_688 = arith.constant 1 : i32
          %dma_wait3A_689 = arith.constant 0 : i32
          %dma_wait3A_690 = tpu.memref_slice %arg12[%dma_wait3A_688, %dma_wait3A_689] : memref<2x80xi32, #tpu.memory_space<vmem>> -> memref<1x80xi32, #tpu.memory_space<vmem>>
          %dma_wait3A_691 = tpu.memref_squeeze %dma_wait3A_690 : memref<1x80xi32, #tpu.memory_space<vmem>> -> memref<80xi32, #tpu.memory_space<vmem>>
          %dma_wait3A_692 = arith.constant 0 : i32
          %dma_wait3A_693 = arith.constant 0 : i32
          %dma_wait3A_694 = tpu.memref_slice %arg22[%dma_wait3A_692, %dma_wait3A_693] : memref<10008x128xf32, #tpu.memory_space<vmem_shared>> -> memref<10008x128xf32, #tpu.memory_space<vmem_shared>>
          tpu.wait_indirect_dma semaphore(%arg28 : memref<!tpu.dma_semaphore, #tpu.memory_space<semaphore_mem>>) src(%arg16 : memref<80x128xf32, #tpu.memory_space<vmem>>) dst(%dma_wait3A_694 : memref<10008x128xf32, #tpu.memory_space<vmem_shared>>)
        } else {
        }
        %dma_wait3A_670 = arith.constant 0 : i32
        %dma_wait3A_671 = arith.constant 0 : i32
        %dma_wait3A_672 = tpu.memref_slice %arg2[%dma_wait3A_670, %arg1, %add3A_418, %dma_wait3A_671] : memref<2x16x128x80xi32, #tpu.memory_space<hbm>> -> memref<2x1x1x80xi32, #tpu.memory_space<hbm>>
        %dma_wait3A_673 = tpu.memref_squeeze %dma_wait3A_672 : memref<2x1x1x80xi32, #tpu.memory_space<hbm>> -> memref<2x80xi32, #tpu.memory_space<hbm>>
        %dma_wait3A_674 = arith.constant 0 : i32
        %dma_wait3A_675 = arith.constant 0 : i32
        %dma_wait3A_676 = tpu.memref_slice %arg2[%dma_wait3A_674, %arg1, %add3A_418, %dma_wait3A_675] : memref<2x16x128x80xi32, #tpu.memory_space<hbm>> -> memref<2x1x1x80xi32, #tpu.memory_space<hbm>>
        %dma_wait3A_677 = tpu.memref_squeeze %dma_wait3A_676 : memref<2x1x1x80xi32, #tpu.memory_space<hbm>> -> memref<2x80xi32, #tpu.memory_space<hbm>>
        tpu.wait_dma2 semaphore(%arg36 : memref<!tpu.dma_semaphore, #tpu.memory_space<semaphore_mem>>) src(%dma_wait3A_677 : memref<2x80xi32, #tpu.memory_space<hbm>>) dst(%arg12 : memref<2x80xi32, #tpu.memory_space<vmem>>)
        %eq3A_678 = arith.constant 0 : i32
        %eq3A_679 = arith.cmpi eq, %arg0, %eq3A_678 : i32
        %convert_element_type3A_680 = arith.extui %eq3A_679 : i1 to i32
        %cond3A_681 = arith.constant 0 : i32
        %cond3A_682 = arith.cmpi ne, %convert_element_type3A_680, %cond3A_681 : i32
        scf.if %cond3A_682 {
          %dma_start3A_688 = arith.constant 0 : i32
          %dma_start3A_689 = arith.constant 0 : i32
          %dma_start3A_690 = tpu.memref_slice %arg12[%dma_start3A_688, %dma_start3A_689] : memref<2x80xi32, #tpu.memory_space<vmem>> -> memref<1x80xi32, #tpu.memory_space<vmem>>
          %dma_start3A_691 = tpu.memref_squeeze %dma_start3A_690 : memref<1x80xi32, #tpu.memory_space<vmem>> -> memref<80xi32, #tpu.memory_space<vmem>>
          %dma_start3A_692 = arith.constant 0 : i32
          %dma_start3A_693 = arith.constant 0 : i32
          %dma_start3A_694 = tpu.memref_slice %arg3[%dma_start3A_692, %dma_start3A_693] : memref<10000x128xf32, #tpu.memory_space<hbm>> -> memref<10000x128xf32, #tpu.memory_space<hbm>>
          tpu.enqueue_indirect_dma source(%dma_start3A_694 : memref<10000x128xf32, #tpu.memory_space<hbm>>) target(%arg16 : memref<80x128xf32, #tpu.memory_space<vmem>>) offsets(%dma_start3A_691 : memref<80xi32, #tpu.memory_space<vmem>>) semaphore(%arg24 : memref<!tpu.dma_semaphore, #tpu.memory_space<semaphore_mem>>)
        } else {
        }
        %eq3A_683 = arith.constant 1 : i32
        %eq3A_684 = arith.cmpi eq, %arg0, %eq3A_683 : i32
        %convert_element_type3A_685 = arith.extui %eq3A_684 : i1 to i32
        %cond3A_686 = arith.constant 0 : i32
        %cond3A_687 = arith.cmpi ne, %convert_element_type3A_685, %cond3A_686 : i32
        scf.if %cond3A_687 {
          %dma_start3A_688 = arith.constant 0 : i32
          %dma_start3A_689 = arith.constant 0 : i32
          %dma_start3A_690 = tpu.memref_slice %arg12[%dma_start3A_688, %dma_start3A_689] : memref<2x80xi32, #tpu.memory_space<vmem>> -> memref<1x80xi32, #tpu.memory_space<vmem>>
          %dma_start3A_691 = tpu.memref_squeeze %dma_start3A_690 : memref<1x80xi32, #tpu.memory_space<vmem>> -> memref<80xi32, #tpu.memory_space<vmem>>
          %dma_start3A_692 = arith.constant 0 : i32
          %dma_start3A_693 = arith.constant 0 : i32
          %dma_start3A_694 = tpu.memref_slice %arg4[%dma_start3A_692, %dma_start3A_693] : memref<10000x128xf32, #tpu.memory_space<hbm>> -> memref<10000x128xf32, #tpu.memory_space<hbm>>
          tpu.enqueue_indirect_dma source(%dma_start3A_694 : memref<10000x128xf32, #tpu.memory_space<hbm>>) target(%arg16 : memref<80x128xf32, #tpu.memory_space<vmem>>) offsets(%dma_start3A_691 : memref<80xi32, #tpu.memory_space<vmem>>) semaphore(%arg24 : memref<!tpu.dma_semaphore, #tpu.memory_space<semaphore_mem>>)
        } else {
        }
      } else {
      }
      %mul3A_424 = arith.constant 8 : i32
      %mul3A_425 = arith.muli %scan3A_343, %mul3A_424 : i32
      %add3A_426 = arith.constant 2 : i32
      %add3A_427 = arith.addi %mul3A_425, %add3A_426 : i32
      %eq3A_428 = arith.constant 0 : i32
      %eq3A_429 = arith.cmpi eq, %arg0, %eq3A_428 : i32
      %convert_element_type3A_430 = arith.extui %eq3A_429 : i1 to i32
      %cond3A_431 = arith.constant 0 : i32
      %cond3A_432 = arith.cmpi ne, %convert_element_type3A_430, %cond3A_431 : i32
      scf.if %cond3A_432 {
        %dma_wait3A_665 = arith.constant 0 : i32
        %dma_wait3A_666 = arith.constant 0 : i32
        %dma_wait3A_667 = tpu.memref_slice %arg10[%dma_wait3A_665, %dma_wait3A_666] : memref<2x80xi32, #tpu.memory_space<vmem>> -> memref<1x80xi32, #tpu.memory_space<vmem>>
        %dma_wait3A_668 = tpu.memref_squeeze %dma_wait3A_667 : memref<1x80xi32, #tpu.memory_space<vmem>> -> memref<80xi32, #tpu.memory_space<vmem>>
        %dma_wait3A_669 = arith.constant 0 : i32
        %dma_wait3A_670 = arith.constant 0 : i32
        %dma_wait3A_671 = tpu.memref_slice %arg3[%dma_wait3A_669, %dma_wait3A_670] : memref<10000x128xf32, #tpu.memory_space<hbm>> -> memref<10000x128xf32, #tpu.memory_space<hbm>>
        tpu.wait_indirect_dma semaphore(%arg26 : memref<!tpu.dma_semaphore, #tpu.memory_space<semaphore_mem>>) src(%dma_wait3A_671 : memref<10000x128xf32, #tpu.memory_space<hbm>>) dst(%arg18 : memref<80x128xf32, #tpu.memory_space<vmem>>)
      } else {
      }
      %eq3A_433 = arith.constant 1 : i32
      %eq3A_434 = arith.cmpi eq, %arg0, %eq3A_433 : i32
      %convert_element_type3A_435 = arith.extui %eq3A_434 : i1 to i32
      %cond3A_436 = arith.constant 0 : i32
      %cond3A_437 = arith.cmpi ne, %convert_element_type3A_435, %cond3A_436 : i32
      scf.if %cond3A_437 {
        %dma_wait3A_665 = arith.constant 0 : i32
        %dma_wait3A_666 = arith.constant 0 : i32
        %dma_wait3A_667 = tpu.memref_slice %arg10[%dma_wait3A_665, %dma_wait3A_666] : memref<2x80xi32, #tpu.memory_space<vmem>> -> memref<1x80xi32, #tpu.memory_space<vmem>>
        %dma_wait3A_668 = tpu.memref_squeeze %dma_wait3A_667 : memref<1x80xi32, #tpu.memory_space<vmem>> -> memref<80xi32, #tpu.memory_space<vmem>>
        %dma_wait3A_669 = arith.constant 0 : i32
        %dma_wait3A_670 = arith.constant 0 : i32
        %dma_wait3A_671 = tpu.memref_slice %arg4[%dma_wait3A_669, %dma_wait3A_670] : memref<10000x128xf32, #tpu.memory_space<hbm>> -> memref<10000x128xf32, #tpu.memory_space<hbm>>
        tpu.wait_indirect_dma semaphore(%arg26 : memref<!tpu.dma_semaphore, #tpu.memory_space<semaphore_mem>>) src(%dma_wait3A_671 : memref<10000x128xf32, #tpu.memory_space<hbm>>) dst(%arg18 : memref<80x128xf32, #tpu.memory_space<vmem>>)
      } else {
      }
      %eq3A_438 = arith.constant 0 : i32
      %eq3A_439 = arith.cmpi eq, %arg0, %eq3A_438 : i32
      %convert_element_type3A_440 = arith.extui %eq3A_439 : i1 to i32
      %cond3A_441 = arith.constant 0 : i32
      %cond3A_442 = arith.cmpi ne, %convert_element_type3A_440, %cond3A_441 : i32
      scf.if %cond3A_442 {
        %run_scoped3A = arith.constant 1 : i32
        "tpu.region"() ({
          %run_scoped3A_665 = tpu.sem_alloc : memref<!tpu.dma_semaphore, #tpu.memory_space<semaphore_mem>>
          %dma_start3A_666 = arith.constant 0 : i32
          %dma_start3A_667 = tpu.memref_slice %arg10[%run_scoped3A, %dma_start3A_666] : memref<2x80xi32, #tpu.memory_space<vmem>> -> memref<1x80xi32, #tpu.memory_space<vmem>>
          %dma_start3A_668 = tpu.memref_squeeze %dma_start3A_667 : memref<1x80xi32, #tpu.memory_space<vmem>> -> memref<80xi32, #tpu.memory_space<vmem>>
          %dma_start3A_669 = arith.constant 0 : i32
          %dma_start3A_670 = tpu.memref_slice %arg23[%dma_start3A_669] : memref<10240xf32, #tpu.memory_space<vmem_shared>> -> memref<10240xf32, #tpu.memory_space<vmem_shared>>
          tpu.enqueue_indirect_dma source(%arg21 : memref<80xf32, #tpu.memory_space<vmem>>) target(%dma_start3A_670 : memref<10240xf32, #tpu.memory_space<vmem_shared>>) offsets(%dma_start3A_668 : memref<80xi32, #tpu.memory_space<vmem>>) semaphore(%run_scoped3A_665 : memref<!tpu.dma_semaphore, #tpu.memory_space<semaphore_mem>>) {add = true}
          %dma_wait3A_671 = arith.constant 0 : i32
          %dma_wait3A_672 = tpu.memref_slice %arg10[%run_scoped3A, %dma_wait3A_671] : memref<2x80xi32, #tpu.memory_space<vmem>> -> memref<1x80xi32, #tpu.memory_space<vmem>>
          %dma_wait3A_673 = tpu.memref_squeeze %dma_wait3A_672 : memref<1x80xi32, #tpu.memory_space<vmem>> -> memref<80xi32, #tpu.memory_space<vmem>>
          %dma_wait3A_674 = arith.constant 0 : i32
          %dma_wait3A_675 = tpu.memref_slice %arg23[%dma_wait3A_674] : memref<10240xf32, #tpu.memory_space<vmem_shared>> -> memref<10240xf32, #tpu.memory_space<vmem_shared>>
          tpu.wait_indirect_dma semaphore(%run_scoped3A_665 : memref<!tpu.dma_semaphore, #tpu.memory_space<semaphore_mem>>) src(%arg21 : memref<80xf32, #tpu.memory_space<vmem>>) dst(%dma_wait3A_675 : memref<10240xf32, #tpu.memory_space<vmem_shared>>)
          tpu.yield
        }) : () -> ()
      } else {
      }
      %dma_start3A_443 = arith.constant 1 : i32
      %dma_start3A_444 = arith.constant 0 : i32
      %dma_start3A_445 = tpu.memref_slice %arg10[%dma_start3A_443, %dma_start3A_444] : memref<2x80xi32, #tpu.memory_space<vmem>> -> memref<1x80xi32, #tpu.memory_space<vmem>>
      %dma_start3A_446 = tpu.memref_squeeze %dma_start3A_445 : memref<1x80xi32, #tpu.memory_space<vmem>> -> memref<80xi32, #tpu.memory_space<vmem>>
      %dma_start3A_447 = arith.constant 0 : i32
      %dma_start3A_448 = arith.constant 0 : i32
      %dma_start3A_449 = tpu.memref_slice %arg22[%dma_start3A_447, %dma_start3A_448] : memref<10008x128xf32, #tpu.memory_space<vmem_shared>> -> memref<10008x128xf32, #tpu.memory_space<vmem_shared>>
      tpu.enqueue_indirect_dma source(%arg18 : memref<80x128xf32, #tpu.memory_space<vmem>>) target(%dma_start3A_449 : memref<10008x128xf32, #tpu.memory_space<vmem_shared>>) offsets(%dma_start3A_446 : memref<80xi32, #tpu.memory_space<vmem>>) semaphore(%arg30 : memref<!tpu.dma_semaphore, #tpu.memory_space<semaphore_mem>>) {add = true}
      %add3A_450 = arith.constant 4 : i32
      %add3A_451 = arith.addi %add3A_427, %add3A_450 : i32
      %lt3A_452 = arith.constant 128 : i32
      %lt3A_453 = arith.cmpi slt, %add3A_451, %lt3A_452 : i32
      %convert_element_type3A_454 = arith.extui %lt3A_453 : i1 to i32
      %cond3A_455 = arith.constant 0 : i32
      %cond3A_456 = arith.cmpi ne, %convert_element_type3A_454, %cond3A_455 : i32
      scf.if %cond3A_456 {
        %dma_start3A_665 = arith.constant 0 : i32
        %dma_start3A_666 = arith.constant 0 : i32
        %dma_start3A_667 = tpu.memref_slice %arg2[%dma_start3A_665, %arg1, %add3A_451, %dma_start3A_666] : memref<2x16x128x80xi32, #tpu.memory_space<hbm>> -> memref<2x1x1x80xi32, #tpu.memory_space<hbm>>
        %dma_start3A_668 = tpu.memref_squeeze %dma_start3A_667 : memref<2x1x1x80xi32, #tpu.memory_space<hbm>> -> memref<2x80xi32, #tpu.memory_space<hbm>>
        %dma_start3A_669 = arith.constant 0 : i32
        %dma_start3A_670 = arith.constant 0 : i32
        %dma_start3A_671 = tpu.memref_slice %arg2[%dma_start3A_669, %arg1, %add3A_451, %dma_start3A_670] : memref<2x16x128x80xi32, #tpu.memory_space<hbm>> -> memref<2x1x1x80xi32, #tpu.memory_space<hbm>>
        %dma_start3A_672 = tpu.memref_squeeze %dma_start3A_671 : memref<2x1x1x80xi32, #tpu.memory_space<hbm>> -> memref<2x80xi32, #tpu.memory_space<hbm>>
        tpu.enqueue_dma source(%dma_start3A_672 : memref<2x80xi32, #tpu.memory_space<hbm>>) target(%arg14 : memref<2x80xi32, #tpu.memory_space<vmem>>) target_semaphore(%arg38 : memref<!tpu.dma_semaphore, #tpu.memory_space<semaphore_mem>>)
      } else {
      }
      %add3A_457 = arith.constant 3 : i32
      %add3A_458 = arith.addi %add3A_427, %add3A_457 : i32
      %lt3A_459 = arith.constant 128 : i32
      %lt3A_460 = arith.cmpi slt, %add3A_458, %lt3A_459 : i32
      %convert_element_type3A_461 = arith.extui %lt3A_460 : i1 to i32
      %cond3A_462 = arith.constant 0 : i32
      %cond3A_463 = arith.cmpi ne, %convert_element_type3A_461, %cond3A_462 : i32
      scf.if %cond3A_463 {
        %sub3A = arith.constant 4 : i32
        %sub3A_665 = arith.subi %add3A_458, %sub3A : i32
        %ge3A = arith.constant 0 : i32
        %ge3A_666 = arith.cmpi sge, %sub3A_665, %ge3A : i32
        %convert_element_type3A_667 = arith.extui %ge3A_666 : i1 to i32
        %cond3A_668 = arith.constant 0 : i32
        %cond3A_669 = arith.cmpi ne, %convert_element_type3A_667, %cond3A_668 : i32
        scf.if %cond3A_669 {
          %dma_wait3A_688 = arith.constant 1 : i32
          %dma_wait3A_689 = arith.constant 0 : i32
          %dma_wait3A_690 = tpu.memref_slice %arg13[%dma_wait3A_688, %dma_wait3A_689] : memref<2x80xi32, #tpu.memory_space<vmem>> -> memref<1x80xi32, #tpu.memory_space<vmem>>
          %dma_wait3A_691 = tpu.memref_squeeze %dma_wait3A_690 : memref<1x80xi32, #tpu.memory_space<vmem>> -> memref<80xi32, #tpu.memory_space<vmem>>
          %dma_wait3A_692 = arith.constant 0 : i32
          %dma_wait3A_693 = arith.constant 0 : i32
          %dma_wait3A_694 = tpu.memref_slice %arg22[%dma_wait3A_692, %dma_wait3A_693] : memref<10008x128xf32, #tpu.memory_space<vmem_shared>> -> memref<10008x128xf32, #tpu.memory_space<vmem_shared>>
          tpu.wait_indirect_dma semaphore(%arg29 : memref<!tpu.dma_semaphore, #tpu.memory_space<semaphore_mem>>) src(%arg17 : memref<80x128xf32, #tpu.memory_space<vmem>>) dst(%dma_wait3A_694 : memref<10008x128xf32, #tpu.memory_space<vmem_shared>>)
        } else {
        }
        %dma_wait3A_670 = arith.constant 0 : i32
        %dma_wait3A_671 = arith.constant 0 : i32
        %dma_wait3A_672 = tpu.memref_slice %arg2[%dma_wait3A_670, %arg1, %add3A_458, %dma_wait3A_671] : memref<2x16x128x80xi32, #tpu.memory_space<hbm>> -> memref<2x1x1x80xi32, #tpu.memory_space<hbm>>
        %dma_wait3A_673 = tpu.memref_squeeze %dma_wait3A_672 : memref<2x1x1x80xi32, #tpu.memory_space<hbm>> -> memref<2x80xi32, #tpu.memory_space<hbm>>
        %dma_wait3A_674 = arith.constant 0 : i32
        %dma_wait3A_675 = arith.constant 0 : i32
        %dma_wait3A_676 = tpu.memref_slice %arg2[%dma_wait3A_674, %arg1, %add3A_458, %dma_wait3A_675] : memref<2x16x128x80xi32, #tpu.memory_space<hbm>> -> memref<2x1x1x80xi32, #tpu.memory_space<hbm>>
        %dma_wait3A_677 = tpu.memref_squeeze %dma_wait3A_676 : memref<2x1x1x80xi32, #tpu.memory_space<hbm>> -> memref<2x80xi32, #tpu.memory_space<hbm>>
        tpu.wait_dma2 semaphore(%arg37 : memref<!tpu.dma_semaphore, #tpu.memory_space<semaphore_mem>>) src(%dma_wait3A_677 : memref<2x80xi32, #tpu.memory_space<hbm>>) dst(%arg13 : memref<2x80xi32, #tpu.memory_space<vmem>>)
        %eq3A_678 = arith.constant 0 : i32
        %eq3A_679 = arith.cmpi eq, %arg0, %eq3A_678 : i32
        %convert_element_type3A_680 = arith.extui %eq3A_679 : i1 to i32
        %cond3A_681 = arith.constant 0 : i32
        %cond3A_682 = arith.cmpi ne, %convert_element_type3A_680, %cond3A_681 : i32
        scf.if %cond3A_682 {
          %dma_start3A_688 = arith.constant 0 : i32
          %dma_start3A_689 = arith.constant 0 : i32
          %dma_start3A_690 = tpu.memref_slice %arg13[%dma_start3A_688, %dma_start3A_689] : memref<2x80xi32, #tpu.memory_space<vmem>> -> memref<1x80xi32, #tpu.memory_space<vmem>>
          %dma_start3A_691 = tpu.memref_squeeze %dma_start3A_690 : memref<1x80xi32, #tpu.memory_space<vmem>> -> memref<80xi32, #tpu.memory_space<vmem>>
          %dma_start3A_692 = arith.constant 0 : i32
          %dma_start3A_693 = arith.constant 0 : i32
          %dma_start3A_694 = tpu.memref_slice %arg3[%dma_start3A_692, %dma_start3A_693] : memref<10000x128xf32, #tpu.memory_space<hbm>> -> memref<10000x128xf32, #tpu.memory_space<hbm>>
          tpu.enqueue_indirect_dma source(%dma_start3A_694 : memref<10000x128xf32, #tpu.memory_space<hbm>>) target(%arg17 : memref<80x128xf32, #tpu.memory_space<vmem>>) offsets(%dma_start3A_691 : memref<80xi32, #tpu.memory_space<vmem>>) semaphore(%arg25 : memref<!tpu.dma_semaphore, #tpu.memory_space<semaphore_mem>>)
        } else {
        }
        %eq3A_683 = arith.constant 1 : i32
        %eq3A_684 = arith.cmpi eq, %arg0, %eq3A_683 : i32
        %convert_element_type3A_685 = arith.extui %eq3A_684 : i1 to i32
        %cond3A_686 = arith.constant 0 : i32
        %cond3A_687 = arith.cmpi ne, %convert_element_type3A_685, %cond3A_686 : i32
        scf.if %cond3A_687 {
          %dma_start3A_688 = arith.constant 0 : i32
          %dma_start3A_689 = arith.constant 0 : i32
          %dma_start3A_690 = tpu.memref_slice %arg13[%dma_start3A_688, %dma_start3A_689] : memref<2x80xi32, #tpu.memory_space<vmem>> -> memref<1x80xi32, #tpu.memory_space<vmem>>
          %dma_start3A_691 = tpu.memref_squeeze %dma_start3A_690 : memref<1x80xi32, #tpu.memory_space<vmem>> -> memref<80xi32, #tpu.memory_space<vmem>>
          %dma_start3A_692 = arith.constant 0 : i32
          %dma_start3A_693 = arith.constant 0 : i32
          %dma_start3A_694 = tpu.memref_slice %arg4[%dma_start3A_692, %dma_start3A_693] : memref<10000x128xf32, #tpu.memory_space<hbm>> -> memref<10000x128xf32, #tpu.memory_space<hbm>>
          tpu.enqueue_indirect_dma source(%dma_start3A_694 : memref<10000x128xf32, #tpu.memory_space<hbm>>) target(%arg17 : memref<80x128xf32, #tpu.memory_space<vmem>>) offsets(%dma_start3A_691 : memref<80xi32, #tpu.memory_space<vmem>>) semaphore(%arg25 : memref<!tpu.dma_semaphore, #tpu.memory_space<semaphore_mem>>)
        } else {
        }
      } else {
      }
      %mul3A_464 = arith.constant 8 : i32
      %mul3A_465 = arith.muli %scan3A_343, %mul3A_464 : i32
      %add3A_466 = arith.constant 3 : i32
      %add3A_467 = arith.addi %mul3A_465, %add3A_466 : i32
      %eq3A_468 = arith.constant 0 : i32
      %eq3A_469 = arith.cmpi eq, %arg0, %eq3A_468 : i32
      %convert_element_type3A_470 = arith.extui %eq3A_469 : i1 to i32
      %cond3A_471 = arith.constant 0 : i32
      %cond3A_472 = arith.cmpi ne, %convert_element_type3A_470, %cond3A_471 : i32
      scf.if %cond3A_472 {
        %dma_wait3A_665 = arith.constant 0 : i32
        %dma_wait3A_666 = arith.constant 0 : i32
        %dma_wait3A_667 = tpu.memref_slice %arg11[%dma_wait3A_665, %dma_wait3A_666] : memref<2x80xi32, #tpu.memory_space<vmem>> -> memref<1x80xi32, #tpu.memory_space<vmem>>
        %dma_wait3A_668 = tpu.memref_squeeze %dma_wait3A_667 : memref<1x80xi32, #tpu.memory_space<vmem>> -> memref<80xi32, #tpu.memory_space<vmem>>
        %dma_wait3A_669 = arith.constant 0 : i32
        %dma_wait3A_670 = arith.constant 0 : i32
        %dma_wait3A_671 = tpu.memref_slice %arg3[%dma_wait3A_669, %dma_wait3A_670] : memref<10000x128xf32, #tpu.memory_space<hbm>> -> memref<10000x128xf32, #tpu.memory_space<hbm>>
        tpu.wait_indirect_dma semaphore(%arg27 : memref<!tpu.dma_semaphore, #tpu.memory_space<semaphore_mem>>) src(%dma_wait3A_671 : memref<10000x128xf32, #tpu.memory_space<hbm>>) dst(%arg19 : memref<80x128xf32, #tpu.memory_space<vmem>>)
      } else {
      }
      %eq3A_473 = arith.constant 1 : i32
      %eq3A_474 = arith.cmpi eq, %arg0, %eq3A_473 : i32
      %convert_element_type3A_475 = arith.extui %eq3A_474 : i1 to i32
      %cond3A_476 = arith.constant 0 : i32
      %cond3A_477 = arith.cmpi ne, %convert_element_type3A_475, %cond3A_476 : i32
      scf.if %cond3A_477 {
        %dma_wait3A_665 = arith.constant 0 : i32
        %dma_wait3A_666 = arith.constant 0 : i32
        %dma_wait3A_667 = tpu.memref_slice %arg11[%dma_wait3A_665, %dma_wait3A_666] : memref<2x80xi32, #tpu.memory_space<vmem>> -> memref<1x80xi32, #tpu.memory_space<vmem>>
        %dma_wait3A_668 = tpu.memref_squeeze %dma_wait3A_667 : memref<1x80xi32, #tpu.memory_space<vmem>> -> memref<80xi32, #tpu.memory_space<vmem>>
        %dma_wait3A_669 = arith.constant 0 : i32
        %dma_wait3A_670 = arith.constant 0 : i32
        %dma_wait3A_671 = tpu.memref_slice %arg4[%dma_wait3A_669, %dma_wait3A_670] : memref<10000x128xf32, #tpu.memory_space<hbm>> -> memref<10000x128xf32, #tpu.memory_space<hbm>>
        tpu.wait_indirect_dma semaphore(%arg27 : memref<!tpu.dma_semaphore, #tpu.memory_space<semaphore_mem>>) src(%dma_wait3A_671 : memref<10000x128xf32, #tpu.memory_space<hbm>>) dst(%arg19 : memref<80x128xf32, #tpu.memory_space<vmem>>)
      } else {
      }
      %eq3A_478 = arith.constant 0 : i32
      %eq3A_479 = arith.cmpi eq, %arg0, %eq3A_478 : i32
      %convert_element_type3A_480 = arith.extui %eq3A_479 : i1 to i32
      %cond3A_481 = arith.constant 0 : i32
      %cond3A_482 = arith.cmpi ne, %convert_element_type3A_480, %cond3A_481 : i32
      scf.if %cond3A_482 {
        %run_scoped3A = arith.constant 1 : i32
        "tpu.region"() ({
          %run_scoped3A_665 = tpu.sem_alloc : memref<!tpu.dma_semaphore, #tpu.memory_space<semaphore_mem>>
          %dma_start3A_666 = arith.constant 0 : i32
          %dma_start3A_667 = tpu.memref_slice %arg11[%run_scoped3A, %dma_start3A_666] : memref<2x80xi32, #tpu.memory_space<vmem>> -> memref<1x80xi32, #tpu.memory_space<vmem>>
          %dma_start3A_668 = tpu.memref_squeeze %dma_start3A_667 : memref<1x80xi32, #tpu.memory_space<vmem>> -> memref<80xi32, #tpu.memory_space<vmem>>
          %dma_start3A_669 = arith.constant 0 : i32
          %dma_start3A_670 = tpu.memref_slice %arg23[%dma_start3A_669] : memref<10240xf32, #tpu.memory_space<vmem_shared>> -> memref<10240xf32, #tpu.memory_space<vmem_shared>>
          tpu.enqueue_indirect_dma source(%arg21 : memref<80xf32, #tpu.memory_space<vmem>>) target(%dma_start3A_670 : memref<10240xf32, #tpu.memory_space<vmem_shared>>) offsets(%dma_start3A_668 : memref<80xi32, #tpu.memory_space<vmem>>) semaphore(%run_scoped3A_665 : memref<!tpu.dma_semaphore, #tpu.memory_space<semaphore_mem>>) {add = true}
          %dma_wait3A_671 = arith.constant 0 : i32
          %dma_wait3A_672 = tpu.memref_slice %arg11[%run_scoped3A, %dma_wait3A_671] : memref<2x80xi32, #tpu.memory_space<vmem>> -> memref<1x80xi32, #tpu.memory_space<vmem>>
          %dma_wait3A_673 = tpu.memref_squeeze %dma_wait3A_672 : memref<1x80xi32, #tpu.memory_space<vmem>> -> memref<80xi32, #tpu.memory_space<vmem>>
          %dma_wait3A_674 = arith.constant 0 : i32
          %dma_wait3A_675 = tpu.memref_slice %arg23[%dma_wait3A_674] : memref<10240xf32, #tpu.memory_space<vmem_shared>> -> memref<10240xf32, #tpu.memory_space<vmem_shared>>
          tpu.wait_indirect_dma semaphore(%run_scoped3A_665 : memref<!tpu.dma_semaphore, #tpu.memory_space<semaphore_mem>>) src(%arg21 : memref<80xf32, #tpu.memory_space<vmem>>) dst(%dma_wait3A_675 : memref<10240xf32, #tpu.memory_space<vmem_shared>>)
          tpu.yield
        }) : () -> ()
      } else {
      }
      %dma_start3A_483 = arith.constant 1 : i32
      %dma_start3A_484 = arith.constant 0 : i32
      %dma_start3A_485 = tpu.memref_slice %arg11[%dma_start3A_483, %dma_start3A_484] : memref<2x80xi32, #tpu.memory_space<vmem>> -> memref<1x80xi32, #tpu.memory_space<vmem>>
      %dma_start3A_486 = tpu.memref_squeeze %dma_start3A_485 : memref<1x80xi32, #tpu.memory_space<vmem>> -> memref<80xi32, #tpu.memory_space<vmem>>
      %dma_start3A_487 = arith.constant 0 : i32
      %dma_start3A_488 = arith.constant 0 : i32
      %dma_start3A_489 = tpu.memref_slice %arg22[%dma_start3A_487, %dma_start3A_488] : memref<10008x128xf32, #tpu.memory_space<vmem_shared>> -> memref<10008x128xf32, #tpu.memory_space<vmem_shared>>
      tpu.enqueue_indirect_dma source(%arg19 : memref<80x128xf32, #tpu.memory_space<vmem>>) target(%dma_start3A_489 : memref<10008x128xf32, #tpu.memory_space<vmem_shared>>) offsets(%dma_start3A_486 : memref<80xi32, #tpu.memory_space<vmem>>) semaphore(%arg31 : memref<!tpu.dma_semaphore, #tpu.memory_space<semaphore_mem>>) {add = true}
      %add3A_490 = arith.constant 4 : i32
      %add3A_491 = arith.addi %add3A_467, %add3A_490 : i32
      %lt3A_492 = arith.constant 128 : i32
      %lt3A_493 = arith.cmpi slt, %add3A_491, %lt3A_492 : i32
      %convert_element_type3A_494 = arith.extui %lt3A_493 : i1 to i32
      %cond3A_495 = arith.constant 0 : i32
      %cond3A_496 = arith.cmpi ne, %convert_element_type3A_494, %cond3A_495 : i32
      scf.if %cond3A_496 {
        %dma_start3A_665 = arith.constant 0 : i32
        %dma_start3A_666 = arith.constant 0 : i32
        %dma_start3A_667 = tpu.memref_slice %arg2[%dma_start3A_665, %arg1, %add3A_491, %dma_start3A_666] : memref<2x16x128x80xi32, #tpu.memory_space<hbm>> -> memref<2x1x1x80xi32, #tpu.memory_space<hbm>>
        %dma_start3A_668 = tpu.memref_squeeze %dma_start3A_667 : memref<2x1x1x80xi32, #tpu.memory_space<hbm>> -> memref<2x80xi32, #tpu.memory_space<hbm>>
        %dma_start3A_669 = arith.constant 0 : i32
        %dma_start3A_670 = arith.constant 0 : i32
        %dma_start3A_671 = tpu.memref_slice %arg2[%dma_start3A_669, %arg1, %add3A_491, %dma_start3A_670] : memref<2x16x128x80xi32, #tpu.memory_space<hbm>> -> memref<2x1x1x80xi32, #tpu.memory_space<hbm>>
        %dma_start3A_672 = tpu.memref_squeeze %dma_start3A_671 : memref<2x1x1x80xi32, #tpu.memory_space<hbm>> -> memref<2x80xi32, #tpu.memory_space<hbm>>
        tpu.enqueue_dma source(%dma_start3A_672 : memref<2x80xi32, #tpu.memory_space<hbm>>) target(%arg15 : memref<2x80xi32, #tpu.memory_space<vmem>>) target_semaphore(%arg39 : memref<!tpu.dma_semaphore, #tpu.memory_space<semaphore_mem>>)
      } else {
      }
      %add3A_497 = arith.constant 3 : i32
      %add3A_498 = arith.addi %add3A_467, %add3A_497 : i32
      %lt3A_499 = arith.constant 128 : i32
      %lt3A_500 = arith.cmpi slt, %add3A_498, %lt3A_499 : i32
      %convert_element_type3A_501 = arith.extui %lt3A_500 : i1 to i32
      %cond3A_502 = arith.constant 0 : i32
      %cond3A_503 = arith.cmpi ne, %convert_element_type3A_501, %cond3A_502 : i32
      scf.if %cond3A_503 {
        %sub3A = arith.constant 4 : i32
        %sub3A_665 = arith.subi %add3A_498, %sub3A : i32
        %ge3A = arith.constant 0 : i32
        %ge3A_666 = arith.cmpi sge, %sub3A_665, %ge3A : i32
        %convert_element_type3A_667 = arith.extui %ge3A_666 : i1 to i32
        %cond3A_668 = arith.constant 0 : i32
        %cond3A_669 = arith.cmpi ne, %convert_element_type3A_667, %cond3A_668 : i32
        scf.if %cond3A_669 {
          %dma_wait3A_688 = arith.constant 1 : i32
          %dma_wait3A_689 = arith.constant 0 : i32
          %dma_wait3A_690 = tpu.memref_slice %arg14[%dma_wait3A_688, %dma_wait3A_689] : memref<2x80xi32, #tpu.memory_space<vmem>> -> memref<1x80xi32, #tpu.memory_space<vmem>>
          %dma_wait3A_691 = tpu.memref_squeeze %dma_wait3A_690 : memref<1x80xi32, #tpu.memory_space<vmem>> -> memref<80xi32, #tpu.memory_space<vmem>>
          %dma_wait3A_692 = arith.constant 0 : i32
          %dma_wait3A_693 = arith.constant 0 : i32
          %dma_wait3A_694 = tpu.memref_slice %arg22[%dma_wait3A_692, %dma_wait3A_693] : memref<10008x128xf32, #tpu.memory_space<vmem_shared>> -> memref<10008x128xf32, #tpu.memory_space<vmem_shared>>
          tpu.wait_indirect_dma semaphore(%arg30 : memref<!tpu.dma_semaphore, #tpu.memory_space<semaphore_mem>>) src(%arg18 : memref<80x128xf32, #tpu.memory_space<vmem>>) dst(%dma_wait3A_694 : memref<10008x128xf32, #tpu.memory_space<vmem_shared>>)
        } else {
        }
        %dma_wait3A_670 = arith.constant 0 : i32
        %dma_wait3A_671 = arith.constant 0 : i32
        %dma_wait3A_672 = tpu.memref_slice %arg2[%dma_wait3A_670, %arg1, %add3A_498, %dma_wait3A_671] : memref<2x16x128x80xi32, #tpu.memory_space<hbm>> -> memref<2x1x1x80xi32, #tpu.memory_space<hbm>>
        %dma_wait3A_673 = tpu.memref_squeeze %dma_wait3A_672 : memref<2x1x1x80xi32, #tpu.memory_space<hbm>> -> memref<2x80xi32, #tpu.memory_space<hbm>>
        %dma_wait3A_674 = arith.constant 0 : i32
        %dma_wait3A_675 = arith.constant 0 : i32
        %dma_wait3A_676 = tpu.memref_slice %arg2[%dma_wait3A_674, %arg1, %add3A_498, %dma_wait3A_675] : memref<2x16x128x80xi32, #tpu.memory_space<hbm>> -> memref<2x1x1x80xi32, #tpu.memory_space<hbm>>
        %dma_wait3A_677 = tpu.memref_squeeze %dma_wait3A_676 : memref<2x1x1x80xi32, #tpu.memory_space<hbm>> -> memref<2x80xi32, #tpu.memory_space<hbm>>
        tpu.wait_dma2 semaphore(%arg38 : memref<!tpu.dma_semaphore, #tpu.memory_space<semaphore_mem>>) src(%dma_wait3A_677 : memref<2x80xi32, #tpu.memory_space<hbm>>) dst(%arg14 : memref<2x80xi32, #tpu.memory_space<vmem>>)
        %eq3A_678 = arith.constant 0 : i32
        %eq3A_679 = arith.cmpi eq, %arg0, %eq3A_678 : i32
        %convert_element_type3A_680 = arith.extui %eq3A_679 : i1 to i32
        %cond3A_681 = arith.constant 0 : i32
        %cond3A_682 = arith.cmpi ne, %convert_element_type3A_680, %cond3A_681 : i32
        scf.if %cond3A_682 {
          %dma_start3A_688 = arith.constant 0 : i32
          %dma_start3A_689 = arith.constant 0 : i32
          %dma_start3A_690 = tpu.memref_slice %arg14[%dma_start3A_688, %dma_start3A_689] : memref<2x80xi32, #tpu.memory_space<vmem>> -> memref<1x80xi32, #tpu.memory_space<vmem>>
          %dma_start3A_691 = tpu.memref_squeeze %dma_start3A_690 : memref<1x80xi32, #tpu.memory_space<vmem>> -> memref<80xi32, #tpu.memory_space<vmem>>
          %dma_start3A_692 = arith.constant 0 : i32
          %dma_start3A_693 = arith.constant 0 : i32
          %dma_start3A_694 = tpu.memref_slice %arg3[%dma_start3A_692, %dma_start3A_693] : memref<10000x128xf32, #tpu.memory_space<hbm>> -> memref<10000x128xf32, #tpu.memory_space<hbm>>
          tpu.enqueue_indirect_dma source(%dma_start3A_694 : memref<10000x128xf32, #tpu.memory_space<hbm>>) target(%arg18 : memref<80x128xf32, #tpu.memory_space<vmem>>) offsets(%dma_start3A_691 : memref<80xi32, #tpu.memory_space<vmem>>) semaphore(%arg26 : memref<!tpu.dma_semaphore, #tpu.memory_space<semaphore_mem>>)
        } else {
        }
        %eq3A_683 = arith.constant 1 : i32
        %eq3A_684 = arith.cmpi eq, %arg0, %eq3A_683 : i32
        %convert_element_type3A_685 = arith.extui %eq3A_684 : i1 to i32
        %cond3A_686 = arith.constant 0 : i32
        %cond3A_687 = arith.cmpi ne, %convert_element_type3A_685, %cond3A_686 : i32
        scf.if %cond3A_687 {
          %dma_start3A_688 = arith.constant 0 : i32
          %dma_start3A_689 = arith.constant 0 : i32
          %dma_start3A_690 = tpu.memref_slice %arg14[%dma_start3A_688, %dma_start3A_689] : memref<2x80xi32, #tpu.memory_space<vmem>> -> memref<1x80xi32, #tpu.memory_space<vmem>>
          %dma_start3A_691 = tpu.memref_squeeze %dma_start3A_690 : memref<1x80xi32, #tpu.memory_space<vmem>> -> memref<80xi32, #tpu.memory_space<vmem>>
          %dma_start3A_692 = arith.constant 0 : i32
          %dma_start3A_693 = arith.constant 0 : i32
          %dma_start3A_694 = tpu.memref_slice %arg4[%dma_start3A_692, %dma_start3A_693] : memref<10000x128xf32, #tpu.memory_space<hbm>> -> memref<10000x128xf32, #tpu.memory_space<hbm>>
          tpu.enqueue_indirect_dma source(%dma_start3A_694 : memref<10000x128xf32, #tpu.memory_space<hbm>>) target(%arg18 : memref<80x128xf32, #tpu.memory_space<vmem>>) offsets(%dma_start3A_691 : memref<80xi32, #tpu.memory_space<vmem>>) semaphore(%arg26 : memref<!tpu.dma_semaphore, #tpu.memory_space<semaphore_mem>>)
        } else {
        }
      } else {
      }
      %mul3A_504 = arith.constant 8 : i32
      %mul3A_505 = arith.muli %scan3A_343, %mul3A_504 : i32
      %add3A_506 = arith.constant 4 : i32
      %add3A_507 = arith.addi %mul3A_505, %add3A_506 : i32
      %eq3A_508 = arith.constant 0 : i32
      %eq3A_509 = arith.cmpi eq, %arg0, %eq3A_508 : i32
      %convert_element_type3A_510 = arith.extui %eq3A_509 : i1 to i32
      %cond3A_511 = arith.constant 0 : i32
      %cond3A_512 = arith.cmpi ne, %convert_element_type3A_510, %cond3A_511 : i32
      scf.if %cond3A_512 {
        %dma_wait3A_665 = arith.constant 0 : i32
        %dma_wait3A_666 = arith.constant 0 : i32
        %dma_wait3A_667 = tpu.memref_slice %arg12[%dma_wait3A_665, %dma_wait3A_666] : memref<2x80xi32, #tpu.memory_space<vmem>> -> memref<1x80xi32, #tpu.memory_space<vmem>>
        %dma_wait3A_668 = tpu.memref_squeeze %dma_wait3A_667 : memref<1x80xi32, #tpu.memory_space<vmem>> -> memref<80xi32, #tpu.memory_space<vmem>>
        %dma_wait3A_669 = arith.constant 0 : i32
        %dma_wait3A_670 = arith.constant 0 : i32
        %dma_wait3A_671 = tpu.memref_slice %arg3[%dma_wait3A_669, %dma_wait3A_670] : memref<10000x128xf32, #tpu.memory_space<hbm>> -> memref<10000x128xf32, #tpu.memory_space<hbm>>
        tpu.wait_indirect_dma semaphore(%arg24 : memref<!tpu.dma_semaphore, #tpu.memory_space<semaphore_mem>>) src(%dma_wait3A_671 : memref<10000x128xf32, #tpu.memory_space<hbm>>) dst(%arg16 : memref<80x128xf32, #tpu.memory_space<vmem>>)
      } else {
      }
      %eq3A_513 = arith.constant 1 : i32
      %eq3A_514 = arith.cmpi eq, %arg0, %eq3A_513 : i32
      %convert_element_type3A_515 = arith.extui %eq3A_514 : i1 to i32
      %cond3A_516 = arith.constant 0 : i32
      %cond3A_517 = arith.cmpi ne, %convert_element_type3A_515, %cond3A_516 : i32
      scf.if %cond3A_517 {
        %dma_wait3A_665 = arith.constant 0 : i32
        %dma_wait3A_666 = arith.constant 0 : i32
        %dma_wait3A_667 = tpu.memref_slice %arg12[%dma_wait3A_665, %dma_wait3A_666] : memref<2x80xi32, #tpu.memory_space<vmem>> -> memref<1x80xi32, #tpu.memory_space<vmem>>
        %dma_wait3A_668 = tpu.memref_squeeze %dma_wait3A_667 : memref<1x80xi32, #tpu.memory_space<vmem>> -> memref<80xi32, #tpu.memory_space<vmem>>
        %dma_wait3A_669 = arith.constant 0 : i32
        %dma_wait3A_670 = arith.constant 0 : i32
        %dma_wait3A_671 = tpu.memref_slice %arg4[%dma_wait3A_669, %dma_wait3A_670] : memref<10000x128xf32, #tpu.memory_space<hbm>> -> memref<10000x128xf32, #tpu.memory_space<hbm>>
        tpu.wait_indirect_dma semaphore(%arg24 : memref<!tpu.dma_semaphore, #tpu.memory_space<semaphore_mem>>) src(%dma_wait3A_671 : memref<10000x128xf32, #tpu.memory_space<hbm>>) dst(%arg16 : memref<80x128xf32, #tpu.memory_space<vmem>>)
      } else {
      }
      %eq3A_518 = arith.constant 0 : i32
      %eq3A_519 = arith.cmpi eq, %arg0, %eq3A_518 : i32
      %convert_element_type3A_520 = arith.extui %eq3A_519 : i1 to i32
      %cond3A_521 = arith.constant 0 : i32
      %cond3A_522 = arith.cmpi ne, %convert_element_type3A_520, %cond3A_521 : i32
      scf.if %cond3A_522 {
        %run_scoped3A = arith.constant 1 : i32
        "tpu.region"() ({
          %run_scoped3A_665 = tpu.sem_alloc : memref<!tpu.dma_semaphore, #tpu.memory_space<semaphore_mem>>
          %dma_start3A_666 = arith.constant 0 : i32
          %dma_start3A_667 = tpu.memref_slice %arg12[%run_scoped3A, %dma_start3A_666] : memref<2x80xi32, #tpu.memory_space<vmem>> -> memref<1x80xi32, #tpu.memory_space<vmem>>
          %dma_start3A_668 = tpu.memref_squeeze %dma_start3A_667 : memref<1x80xi32, #tpu.memory_space<vmem>> -> memref<80xi32, #tpu.memory_space<vmem>>
          %dma_start3A_669 = arith.constant 0 : i32
          %dma_start3A_670 = tpu.memref_slice %arg23[%dma_start3A_669] : memref<10240xf32, #tpu.memory_space<vmem_shared>> -> memref<10240xf32, #tpu.memory_space<vmem_shared>>
          tpu.enqueue_indirect_dma source(%arg21 : memref<80xf32, #tpu.memory_space<vmem>>) target(%dma_start3A_670 : memref<10240xf32, #tpu.memory_space<vmem_shared>>) offsets(%dma_start3A_668 : memref<80xi32, #tpu.memory_space<vmem>>) semaphore(%run_scoped3A_665 : memref<!tpu.dma_semaphore, #tpu.memory_space<semaphore_mem>>) {add = true}
          %dma_wait3A_671 = arith.constant 0 : i32
          %dma_wait3A_672 = tpu.memref_slice %arg12[%run_scoped3A, %dma_wait3A_671] : memref<2x80xi32, #tpu.memory_space<vmem>> -> memref<1x80xi32, #tpu.memory_space<vmem>>
          %dma_wait3A_673 = tpu.memref_squeeze %dma_wait3A_672 : memref<1x80xi32, #tpu.memory_space<vmem>> -> memref<80xi32, #tpu.memory_space<vmem>>
          %dma_wait3A_674 = arith.constant 0 : i32
          %dma_wait3A_675 = tpu.memref_slice %arg23[%dma_wait3A_674] : memref<10240xf32, #tpu.memory_space<vmem_shared>> -> memref<10240xf32, #tpu.memory_space<vmem_shared>>
          tpu.wait_indirect_dma semaphore(%run_scoped3A_665 : memref<!tpu.dma_semaphore, #tpu.memory_space<semaphore_mem>>) src(%arg21 : memref<80xf32, #tpu.memory_space<vmem>>) dst(%dma_wait3A_675 : memref<10240xf32, #tpu.memory_space<vmem_shared>>)
          tpu.yield
        }) : () -> ()
      } else {
      }
      %dma_start3A_523 = arith.constant 1 : i32
      %dma_start3A_524 = arith.constant 0 : i32
      %dma_start3A_525 = tpu.memref_slice %arg12[%dma_start3A_523, %dma_start3A_524] : memref<2x80xi32, #tpu.memory_space<vmem>> -> memref<1x80xi32, #tpu.memory_space<vmem>>
      %dma_start3A_526 = tpu.memref_squeeze %dma_start3A_525 : memref<1x80xi32, #tpu.memory_space<vmem>> -> memref<80xi32, #tpu.memory_space<vmem>>
      %dma_start3A_527 = arith.constant 0 : i32
      %dma_start3A_528 = arith.constant 0 : i32
      %dma_start3A_529 = tpu.memref_slice %arg22[%dma_start3A_527, %dma_start3A_528] : memref<10008x128xf32, #tpu.memory_space<vmem_shared>> -> memref<10008x128xf32, #tpu.memory_space<vmem_shared>>
      tpu.enqueue_indirect_dma source(%arg16 : memref<80x128xf32, #tpu.memory_space<vmem>>) target(%dma_start3A_529 : memref<10008x128xf32, #tpu.memory_space<vmem_shared>>) offsets(%dma_start3A_526 : memref<80xi32, #tpu.memory_space<vmem>>) semaphore(%arg28 : memref<!tpu.dma_semaphore, #tpu.memory_space<semaphore_mem>>) {add = true}
      %add3A_530 = arith.constant 4 : i32
      %add3A_531 = arith.addi %add3A_507, %add3A_530 : i32
      %lt3A_532 = arith.constant 128 : i32
      %lt3A_533 = arith.cmpi slt, %add3A_531, %lt3A_532 : i32
      %convert_element_type3A_534 = arith.extui %lt3A_533 : i1 to i32
      %cond3A_535 = arith.constant 0 : i32
      %cond3A_536 = arith.cmpi ne, %convert_element_type3A_534, %cond3A_535 : i32
      scf.if %cond3A_536 {
        %dma_start3A_665 = arith.constant 0 : i32
        %dma_start3A_666 = arith.constant 0 : i32
        %dma_start3A_667 = tpu.memref_slice %arg2[%dma_start3A_665, %arg1, %add3A_531, %dma_start3A_666] : memref<2x16x128x80xi32, #tpu.memory_space<hbm>> -> memref<2x1x1x80xi32, #tpu.memory_space<hbm>>
        %dma_start3A_668 = tpu.memref_squeeze %dma_start3A_667 : memref<2x1x1x80xi32, #tpu.memory_space<hbm>> -> memref<2x80xi32, #tpu.memory_space<hbm>>
        %dma_start3A_669 = arith.constant 0 : i32
        %dma_start3A_670 = arith.constant 0 : i32
        %dma_start3A_671 = tpu.memref_slice %arg2[%dma_start3A_669, %arg1, %add3A_531, %dma_start3A_670] : memref<2x16x128x80xi32, #tpu.memory_space<hbm>> -> memref<2x1x1x80xi32, #tpu.memory_space<hbm>>
        %dma_start3A_672 = tpu.memref_squeeze %dma_start3A_671 : memref<2x1x1x80xi32, #tpu.memory_space<hbm>> -> memref<2x80xi32, #tpu.memory_space<hbm>>
        tpu.enqueue_dma source(%dma_start3A_672 : memref<2x80xi32, #tpu.memory_space<hbm>>) target(%arg8 : memref<2x80xi32, #tpu.memory_space<vmem>>) target_semaphore(%arg32 : memref<!tpu.dma_semaphore, #tpu.memory_space<semaphore_mem>>)
      } else {
      }
      %add3A_537 = arith.constant 3 : i32
      %add3A_538 = arith.addi %add3A_507, %add3A_537 : i32
      %lt3A_539 = arith.constant 128 : i32
      %lt3A_540 = arith.cmpi slt, %add3A_538, %lt3A_539 : i32
      %convert_element_type3A_541 = arith.extui %lt3A_540 : i1 to i32
      %cond3A_542 = arith.constant 0 : i32
      %cond3A_543 = arith.cmpi ne, %convert_element_type3A_541, %cond3A_542 : i32
      scf.if %cond3A_543 {
        %sub3A = arith.constant 4 : i32
        %sub3A_665 = arith.subi %add3A_538, %sub3A : i32
        %ge3A = arith.constant 0 : i32
        %ge3A_666 = arith.cmpi sge, %sub3A_665, %ge3A : i32
        %convert_element_type3A_667 = arith.extui %ge3A_666 : i1 to i32
        %cond3A_668 = arith.constant 0 : i32
        %cond3A_669 = arith.cmpi ne, %convert_element_type3A_667, %cond3A_668 : i32
        scf.if %cond3A_669 {
          %dma_wait3A_688 = arith.constant 1 : i32
          %dma_wait3A_689 = arith.constant 0 : i32
          %dma_wait3A_690 = tpu.memref_slice %arg15[%dma_wait3A_688, %dma_wait3A_689] : memref<2x80xi32, #tpu.memory_space<vmem>> -> memref<1x80xi32, #tpu.memory_space<vmem>>
          %dma_wait3A_691 = tpu.memref_squeeze %dma_wait3A_690 : memref<1x80xi32, #tpu.memory_space<vmem>> -> memref<80xi32, #tpu.memory_space<vmem>>
          %dma_wait3A_692 = arith.constant 0 : i32
          %dma_wait3A_693 = arith.constant 0 : i32
          %dma_wait3A_694 = tpu.memref_slice %arg22[%dma_wait3A_692, %dma_wait3A_693] : memref<10008x128xf32, #tpu.memory_space<vmem_shared>> -> memref<10008x128xf32, #tpu.memory_space<vmem_shared>>
          tpu.wait_indirect_dma semaphore(%arg31 : memref<!tpu.dma_semaphore, #tpu.memory_space<semaphore_mem>>) src(%arg19 : memref<80x128xf32, #tpu.memory_space<vmem>>) dst(%dma_wait3A_694 : memref<10008x128xf32, #tpu.memory_space<vmem_shared>>)
        } else {
        }
        %dma_wait3A_670 = arith.constant 0 : i32
        %dma_wait3A_671 = arith.constant 0 : i32
        %dma_wait3A_672 = tpu.memref_slice %arg2[%dma_wait3A_670, %arg1, %add3A_538, %dma_wait3A_671] : memref<2x16x128x80xi32, #tpu.memory_space<hbm>> -> memref<2x1x1x80xi32, #tpu.memory_space<hbm>>
        %dma_wait3A_673 = tpu.memref_squeeze %dma_wait3A_672 : memref<2x1x1x80xi32, #tpu.memory_space<hbm>> -> memref<2x80xi32, #tpu.memory_space<hbm>>
        %dma_wait3A_674 = arith.constant 0 : i32
        %dma_wait3A_675 = arith.constant 0 : i32
        %dma_wait3A_676 = tpu.memref_slice %arg2[%dma_wait3A_674, %arg1, %add3A_538, %dma_wait3A_675] : memref<2x16x128x80xi32, #tpu.memory_space<hbm>> -> memref<2x1x1x80xi32, #tpu.memory_space<hbm>>
        %dma_wait3A_677 = tpu.memref_squeeze %dma_wait3A_676 : memref<2x1x1x80xi32, #tpu.memory_space<hbm>> -> memref<2x80xi32, #tpu.memory_space<hbm>>
        tpu.wait_dma2 semaphore(%arg39 : memref<!tpu.dma_semaphore, #tpu.memory_space<semaphore_mem>>) src(%dma_wait3A_677 : memref<2x80xi32, #tpu.memory_space<hbm>>) dst(%arg15 : memref<2x80xi32, #tpu.memory_space<vmem>>)
        %eq3A_678 = arith.constant 0 : i32
        %eq3A_679 = arith.cmpi eq, %arg0, %eq3A_678 : i32
        %convert_element_type3A_680 = arith.extui %eq3A_679 : i1 to i32
        %cond3A_681 = arith.constant 0 : i32
        %cond3A_682 = arith.cmpi ne, %convert_element_type3A_680, %cond3A_681 : i32
        scf.if %cond3A_682 {
          %dma_start3A_688 = arith.constant 0 : i32
          %dma_start3A_689 = arith.constant 0 : i32
          %dma_start3A_690 = tpu.memref_slice %arg15[%dma_start3A_688, %dma_start3A_689] : memref<2x80xi32, #tpu.memory_space<vmem>> -> memref<1x80xi32, #tpu.memory_space<vmem>>
          %dma_start3A_691 = tpu.memref_squeeze %dma_start3A_690 : memref<1x80xi32, #tpu.memory_space<vmem>> -> memref<80xi32, #tpu.memory_space<vmem>>
          %dma_start3A_692 = arith.constant 0 : i32
          %dma_start3A_693 = arith.constant 0 : i32
          %dma_start3A_694 = tpu.memref_slice %arg3[%dma_start3A_692, %dma_start3A_693] : memref<10000x128xf32, #tpu.memory_space<hbm>> -> memref<10000x128xf32, #tpu.memory_space<hbm>>
          tpu.enqueue_indirect_dma source(%dma_start3A_694 : memref<10000x128xf32, #tpu.memory_space<hbm>>) target(%arg19 : memref<80x128xf32, #tpu.memory_space<vmem>>) offsets(%dma_start3A_691 : memref<80xi32, #tpu.memory_space<vmem>>) semaphore(%arg27 : memref<!tpu.dma_semaphore, #tpu.memory_space<semaphore_mem>>)
        } else {
        }
        %eq3A_683 = arith.constant 1 : i32
        %eq3A_684 = arith.cmpi eq, %arg0, %eq3A_683 : i32
        %convert_element_type3A_685 = arith.extui %eq3A_684 : i1 to i32
        %cond3A_686 = arith.constant 0 : i32
        %cond3A_687 = arith.cmpi ne, %convert_element_type3A_685, %cond3A_686 : i32
        scf.if %cond3A_687 {
          %dma_start3A_688 = arith.constant 0 : i32
          %dma_start3A_689 = arith.constant 0 : i32
          %dma_start3A_690 = tpu.memref_slice %arg15[%dma_start3A_688, %dma_start3A_689] : memref<2x80xi32, #tpu.memory_space<vmem>> -> memref<1x80xi32, #tpu.memory_space<vmem>>
          %dma_start3A_691 = tpu.memref_squeeze %dma_start3A_690 : memref<1x80xi32, #tpu.memory_space<vmem>> -> memref<80xi32, #tpu.memory_space<vmem>>
          %dma_start3A_692 = arith.constant 0 : i32
          %dma_start3A_693 = arith.constant 0 : i32
          %dma_start3A_694 = tpu.memref_slice %arg4[%dma_start3A_692, %dma_start3A_693] : memref<10000x128xf32, #tpu.memory_space<hbm>> -> memref<10000x128xf32, #tpu.memory_space<hbm>>
          tpu.enqueue_indirect_dma source(%dma_start3A_694 : memref<10000x128xf32, #tpu.memory_space<hbm>>) target(%arg19 : memref<80x128xf32, #tpu.memory_space<vmem>>) offsets(%dma_start3A_691 : memref<80xi32, #tpu.memory_space<vmem>>) semaphore(%arg27 : memref<!tpu.dma_semaphore, #tpu.memory_space<semaphore_mem>>)
        } else {
        }
      } else {
      }
      %mul3A_544 = arith.constant 8 : i32
      %mul3A_545 = arith.muli %scan3A_343, %mul3A_544 : i32
      %add3A_546 = arith.constant 5 : i32
      %add3A_547 = arith.addi %mul3A_545, %add3A_546 : i32
      %eq3A_548 = arith.constant 0 : i32
      %eq3A_549 = arith.cmpi eq, %arg0, %eq3A_548 : i32
      %convert_element_type3A_550 = arith.extui %eq3A_549 : i1 to i32
      %cond3A_551 = arith.constant 0 : i32
      %cond3A_552 = arith.cmpi ne, %convert_element_type3A_550, %cond3A_551 : i32
      scf.if %cond3A_552 {
        %dma_wait3A_665 = arith.constant 0 : i32
        %dma_wait3A_666 = arith.constant 0 : i32
        %dma_wait3A_667 = tpu.memref_slice %arg13[%dma_wait3A_665, %dma_wait3A_666] : memref<2x80xi32, #tpu.memory_space<vmem>> -> memref<1x80xi32, #tpu.memory_space<vmem>>
        %dma_wait3A_668 = tpu.memref_squeeze %dma_wait3A_667 : memref<1x80xi32, #tpu.memory_space<vmem>> -> memref<80xi32, #tpu.memory_space<vmem>>
        %dma_wait3A_669 = arith.constant 0 : i32
        %dma_wait3A_670 = arith.constant 0 : i32
        %dma_wait3A_671 = tpu.memref_slice %arg3[%dma_wait3A_669, %dma_wait3A_670] : memref<10000x128xf32, #tpu.memory_space<hbm>> -> memref<10000x128xf32, #tpu.memory_space<hbm>>
        tpu.wait_indirect_dma semaphore(%arg25 : memref<!tpu.dma_semaphore, #tpu.memory_space<semaphore_mem>>) src(%dma_wait3A_671 : memref<10000x128xf32, #tpu.memory_space<hbm>>) dst(%arg17 : memref<80x128xf32, #tpu.memory_space<vmem>>)
      } else {
      }
      %eq3A_553 = arith.constant 1 : i32
      %eq3A_554 = arith.cmpi eq, %arg0, %eq3A_553 : i32
      %convert_element_type3A_555 = arith.extui %eq3A_554 : i1 to i32
      %cond3A_556 = arith.constant 0 : i32
      %cond3A_557 = arith.cmpi ne, %convert_element_type3A_555, %cond3A_556 : i32
      scf.if %cond3A_557 {
        %dma_wait3A_665 = arith.constant 0 : i32
        %dma_wait3A_666 = arith.constant 0 : i32
        %dma_wait3A_667 = tpu.memref_slice %arg13[%dma_wait3A_665, %dma_wait3A_666] : memref<2x80xi32, #tpu.memory_space<vmem>> -> memref<1x80xi32, #tpu.memory_space<vmem>>
        %dma_wait3A_668 = tpu.memref_squeeze %dma_wait3A_667 : memref<1x80xi32, #tpu.memory_space<vmem>> -> memref<80xi32, #tpu.memory_space<vmem>>
        %dma_wait3A_669 = arith.constant 0 : i32
        %dma_wait3A_670 = arith.constant 0 : i32
        %dma_wait3A_671 = tpu.memref_slice %arg4[%dma_wait3A_669, %dma_wait3A_670] : memref<10000x128xf32, #tpu.memory_space<hbm>> -> memref<10000x128xf32, #tpu.memory_space<hbm>>
        tpu.wait_indirect_dma semaphore(%arg25 : memref<!tpu.dma_semaphore, #tpu.memory_space<semaphore_mem>>) src(%dma_wait3A_671 : memref<10000x128xf32, #tpu.memory_space<hbm>>) dst(%arg17 : memref<80x128xf32, #tpu.memory_space<vmem>>)
      } else {
      }
      %eq3A_558 = arith.constant 0 : i32
      %eq3A_559 = arith.cmpi eq, %arg0, %eq3A_558 : i32
      %convert_element_type3A_560 = arith.extui %eq3A_559 : i1 to i32
      %cond3A_561 = arith.constant 0 : i32
      %cond3A_562 = arith.cmpi ne, %convert_element_type3A_560, %cond3A_561 : i32
      scf.if %cond3A_562 {
        %run_scoped3A = arith.constant 1 : i32
        "tpu.region"() ({
          %run_scoped3A_665 = tpu.sem_alloc : memref<!tpu.dma_semaphore, #tpu.memory_space<semaphore_mem>>
          %dma_start3A_666 = arith.constant 0 : i32
          %dma_start3A_667 = tpu.memref_slice %arg13[%run_scoped3A, %dma_start3A_666] : memref<2x80xi32, #tpu.memory_space<vmem>> -> memref<1x80xi32, #tpu.memory_space<vmem>>
          %dma_start3A_668 = tpu.memref_squeeze %dma_start3A_667 : memref<1x80xi32, #tpu.memory_space<vmem>> -> memref<80xi32, #tpu.memory_space<vmem>>
          %dma_start3A_669 = arith.constant 0 : i32
          %dma_start3A_670 = tpu.memref_slice %arg23[%dma_start3A_669] : memref<10240xf32, #tpu.memory_space<vmem_shared>> -> memref<10240xf32, #tpu.memory_space<vmem_shared>>
          tpu.enqueue_indirect_dma source(%arg21 : memref<80xf32, #tpu.memory_space<vmem>>) target(%dma_start3A_670 : memref<10240xf32, #tpu.memory_space<vmem_shared>>) offsets(%dma_start3A_668 : memref<80xi32, #tpu.memory_space<vmem>>) semaphore(%run_scoped3A_665 : memref<!tpu.dma_semaphore, #tpu.memory_space<semaphore_mem>>) {add = true}
          %dma_wait3A_671 = arith.constant 0 : i32
          %dma_wait3A_672 = tpu.memref_slice %arg13[%run_scoped3A, %dma_wait3A_671] : memref<2x80xi32, #tpu.memory_space<vmem>> -> memref<1x80xi32, #tpu.memory_space<vmem>>
          %dma_wait3A_673 = tpu.memref_squeeze %dma_wait3A_672 : memref<1x80xi32, #tpu.memory_space<vmem>> -> memref<80xi32, #tpu.memory_space<vmem>>
          %dma_wait3A_674 = arith.constant 0 : i32
          %dma_wait3A_675 = tpu.memref_slice %arg23[%dma_wait3A_674] : memref<10240xf32, #tpu.memory_space<vmem_shared>> -> memref<10240xf32, #tpu.memory_space<vmem_shared>>
          tpu.wait_indirect_dma semaphore(%run_scoped3A_665 : memref<!tpu.dma_semaphore, #tpu.memory_space<semaphore_mem>>) src(%arg21 : memref<80xf32, #tpu.memory_space<vmem>>) dst(%dma_wait3A_675 : memref<10240xf32, #tpu.memory_space<vmem_shared>>)
          tpu.yield
        }) : () -> ()
      } else {
      }
      %dma_start3A_563 = arith.constant 1 : i32
      %dma_start3A_564 = arith.constant 0 : i32
      %dma_start3A_565 = tpu.memref_slice %arg13[%dma_start3A_563, %dma_start3A_564] : memref<2x80xi32, #tpu.memory_space<vmem>> -> memref<1x80xi32, #tpu.memory_space<vmem>>
      %dma_start3A_566 = tpu.memref_squeeze %dma_start3A_565 : memref<1x80xi32, #tpu.memory_space<vmem>> -> memref<80xi32, #tpu.memory_space<vmem>>
      %dma_start3A_567 = arith.constant 0 : i32
      %dma_start3A_568 = arith.constant 0 : i32
      %dma_start3A_569 = tpu.memref_slice %arg22[%dma_start3A_567, %dma_start3A_568] : memref<10008x128xf32, #tpu.memory_space<vmem_shared>> -> memref<10008x128xf32, #tpu.memory_space<vmem_shared>>
      tpu.enqueue_indirect_dma source(%arg17 : memref<80x128xf32, #tpu.memory_space<vmem>>) target(%dma_start3A_569 : memref<10008x128xf32, #tpu.memory_space<vmem_shared>>) offsets(%dma_start3A_566 : memref<80xi32, #tpu.memory_space<vmem>>) semaphore(%arg29 : memref<!tpu.dma_semaphore, #tpu.memory_space<semaphore_mem>>) {add = true}
      %add3A_570 = arith.constant 4 : i32
      %add3A_571 = arith.addi %add3A_547, %add3A_570 : i32
      %lt3A_572 = arith.constant 128 : i32
      %lt3A_573 = arith.cmpi slt, %add3A_571, %lt3A_572 : i32
      %convert_element_type3A_574 = arith.extui %lt3A_573 : i1 to i32
      %cond3A_575 = arith.constant 0 : i32
      %cond3A_576 = arith.cmpi ne, %convert_element_type3A_574, %cond3A_575 : i32
      scf.if %cond3A_576 {
        %dma_start3A_665 = arith.constant 0 : i32
        %dma_start3A_666 = arith.constant 0 : i32
        %dma_start3A_667 = tpu.memref_slice %arg2[%dma_start3A_665, %arg1, %add3A_571, %dma_start3A_666] : memref<2x16x128x80xi32, #tpu.memory_space<hbm>> -> memref<2x1x1x80xi32, #tpu.memory_space<hbm>>
        %dma_start3A_668 = tpu.memref_squeeze %dma_start3A_667 : memref<2x1x1x80xi32, #tpu.memory_space<hbm>> -> memref<2x80xi32, #tpu.memory_space<hbm>>
        %dma_start3A_669 = arith.constant 0 : i32
        %dma_start3A_670 = arith.constant 0 : i32
        %dma_start3A_671 = tpu.memref_slice %arg2[%dma_start3A_669, %arg1, %add3A_571, %dma_start3A_670] : memref<2x16x128x80xi32, #tpu.memory_space<hbm>> -> memref<2x1x1x80xi32, #tpu.memory_space<hbm>>
        %dma_start3A_672 = tpu.memref_squeeze %dma_start3A_671 : memref<2x1x1x80xi32, #tpu.memory_space<hbm>> -> memref<2x80xi32, #tpu.memory_space<hbm>>
        tpu.enqueue_dma source(%dma_start3A_672 : memref<2x80xi32, #tpu.memory_space<hbm>>) target(%arg9 : memref<2x80xi32, #tpu.memory_space<vmem>>) target_semaphore(%arg33 : memref<!tpu.dma_semaphore, #tpu.memory_space<semaphore_mem>>)
      } else {
      }
      %add3A_577 = arith.constant 3 : i32
      %add3A_578 = arith.addi %add3A_547, %add3A_577 : i32
      %lt3A_579 = arith.constant 128 : i32
      %lt3A_580 = arith.cmpi slt, %add3A_578, %lt3A_579 : i32
      %convert_element_type3A_581 = arith.extui %lt3A_580 : i1 to i32
      %cond3A_582 = arith.constant 0 : i32
      %cond3A_583 = arith.cmpi ne, %convert_element_type3A_581, %cond3A_582 : i32
      scf.if %cond3A_583 {
        %sub3A = arith.constant 4 : i32
        %sub3A_665 = arith.subi %add3A_578, %sub3A : i32
        %ge3A = arith.constant 0 : i32
        %ge3A_666 = arith.cmpi sge, %sub3A_665, %ge3A : i32
        %convert_element_type3A_667 = arith.extui %ge3A_666 : i1 to i32
        %cond3A_668 = arith.constant 0 : i32
        %cond3A_669 = arith.cmpi ne, %convert_element_type3A_667, %cond3A_668 : i32
        scf.if %cond3A_669 {
          %dma_wait3A_688 = arith.constant 1 : i32
          %dma_wait3A_689 = arith.constant 0 : i32
          %dma_wait3A_690 = tpu.memref_slice %arg8[%dma_wait3A_688, %dma_wait3A_689] : memref<2x80xi32, #tpu.memory_space<vmem>> -> memref<1x80xi32, #tpu.memory_space<vmem>>
          %dma_wait3A_691 = tpu.memref_squeeze %dma_wait3A_690 : memref<1x80xi32, #tpu.memory_space<vmem>> -> memref<80xi32, #tpu.memory_space<vmem>>
          %dma_wait3A_692 = arith.constant 0 : i32
          %dma_wait3A_693 = arith.constant 0 : i32
          %dma_wait3A_694 = tpu.memref_slice %arg22[%dma_wait3A_692, %dma_wait3A_693] : memref<10008x128xf32, #tpu.memory_space<vmem_shared>> -> memref<10008x128xf32, #tpu.memory_space<vmem_shared>>
          tpu.wait_indirect_dma semaphore(%arg28 : memref<!tpu.dma_semaphore, #tpu.memory_space<semaphore_mem>>) src(%arg16 : memref<80x128xf32, #tpu.memory_space<vmem>>) dst(%dma_wait3A_694 : memref<10008x128xf32, #tpu.memory_space<vmem_shared>>)
        } else {
        }
        %dma_wait3A_670 = arith.constant 0 : i32
        %dma_wait3A_671 = arith.constant 0 : i32
        %dma_wait3A_672 = tpu.memref_slice %arg2[%dma_wait3A_670, %arg1, %add3A_578, %dma_wait3A_671] : memref<2x16x128x80xi32, #tpu.memory_space<hbm>> -> memref<2x1x1x80xi32, #tpu.memory_space<hbm>>
        %dma_wait3A_673 = tpu.memref_squeeze %dma_wait3A_672 : memref<2x1x1x80xi32, #tpu.memory_space<hbm>> -> memref<2x80xi32, #tpu.memory_space<hbm>>
        %dma_wait3A_674 = arith.constant 0 : i32
        %dma_wait3A_675 = arith.constant 0 : i32
        %dma_wait3A_676 = tpu.memref_slice %arg2[%dma_wait3A_674, %arg1, %add3A_578, %dma_wait3A_675] : memref<2x16x128x80xi32, #tpu.memory_space<hbm>> -> memref<2x1x1x80xi32, #tpu.memory_space<hbm>>
        %dma_wait3A_677 = tpu.memref_squeeze %dma_wait3A_676 : memref<2x1x1x80xi32, #tpu.memory_space<hbm>> -> memref<2x80xi32, #tpu.memory_space<hbm>>
        tpu.wait_dma2 semaphore(%arg32 : memref<!tpu.dma_semaphore, #tpu.memory_space<semaphore_mem>>) src(%dma_wait3A_677 : memref<2x80xi32, #tpu.memory_space<hbm>>) dst(%arg8 : memref<2x80xi32, #tpu.memory_space<vmem>>)
        %eq3A_678 = arith.constant 0 : i32
        %eq3A_679 = arith.cmpi eq, %arg0, %eq3A_678 : i32
        %convert_element_type3A_680 = arith.extui %eq3A_679 : i1 to i32
        %cond3A_681 = arith.constant 0 : i32
        %cond3A_682 = arith.cmpi ne, %convert_element_type3A_680, %cond3A_681 : i32
        scf.if %cond3A_682 {
          %dma_start3A_688 = arith.constant 0 : i32
          %dma_start3A_689 = arith.constant 0 : i32
          %dma_start3A_690 = tpu.memref_slice %arg8[%dma_start3A_688, %dma_start3A_689] : memref<2x80xi32, #tpu.memory_space<vmem>> -> memref<1x80xi32, #tpu.memory_space<vmem>>
          %dma_start3A_691 = tpu.memref_squeeze %dma_start3A_690 : memref<1x80xi32, #tpu.memory_space<vmem>> -> memref<80xi32, #tpu.memory_space<vmem>>
          %dma_start3A_692 = arith.constant 0 : i32
          %dma_start3A_693 = arith.constant 0 : i32
          %dma_start3A_694 = tpu.memref_slice %arg3[%dma_start3A_692, %dma_start3A_693] : memref<10000x128xf32, #tpu.memory_space<hbm>> -> memref<10000x128xf32, #tpu.memory_space<hbm>>
          tpu.enqueue_indirect_dma source(%dma_start3A_694 : memref<10000x128xf32, #tpu.memory_space<hbm>>) target(%arg16 : memref<80x128xf32, #tpu.memory_space<vmem>>) offsets(%dma_start3A_691 : memref<80xi32, #tpu.memory_space<vmem>>) semaphore(%arg24 : memref<!tpu.dma_semaphore, #tpu.memory_space<semaphore_mem>>)
        } else {
        }
        %eq3A_683 = arith.constant 1 : i32
        %eq3A_684 = arith.cmpi eq, %arg0, %eq3A_683 : i32
        %convert_element_type3A_685 = arith.extui %eq3A_684 : i1 to i32
        %cond3A_686 = arith.constant 0 : i32
        %cond3A_687 = arith.cmpi ne, %convert_element_type3A_685, %cond3A_686 : i32
        scf.if %cond3A_687 {
          %dma_start3A_688 = arith.constant 0 : i32
          %dma_start3A_689 = arith.constant 0 : i32
          %dma_start3A_690 = tpu.memref_slice %arg8[%dma_start3A_688, %dma_start3A_689] : memref<2x80xi32, #tpu.memory_space<vmem>> -> memref<1x80xi32, #tpu.memory_space<vmem>>
          %dma_start3A_691 = tpu.memref_squeeze %dma_start3A_690 : memref<1x80xi32, #tpu.memory_space<vmem>> -> memref<80xi32, #tpu.memory_space<vmem>>
          %dma_start3A_692 = arith.constant 0 : i32
          %dma_start3A_693 = arith.constant 0 : i32
          %dma_start3A_694 = tpu.memref_slice %arg4[%dma_start3A_692, %dma_start3A_693] : memref<10000x128xf32, #tpu.memory_space<hbm>> -> memref<10000x128xf32, #tpu.memory_space<hbm>>
          tpu.enqueue_indirect_dma source(%dma_start3A_694 : memref<10000x128xf32, #tpu.memory_space<hbm>>) target(%arg16 : memref<80x128xf32, #tpu.memory_space<vmem>>) offsets(%dma_start3A_691 : memref<80xi32, #tpu.memory_space<vmem>>) semaphore(%arg24 : memref<!tpu.dma_semaphore, #tpu.memory_space<semaphore_mem>>)
        } else {
        }
      } else {
      }
      %mul3A_584 = arith.constant 8 : i32
      %mul3A_585 = arith.muli %scan3A_343, %mul3A_584 : i32
      %add3A_586 = arith.constant 6 : i32
      %add3A_587 = arith.addi %mul3A_585, %add3A_586 : i32
      %eq3A_588 = arith.constant 0 : i32
      %eq3A_589 = arith.cmpi eq, %arg0, %eq3A_588 : i32
      %convert_element_type3A_590 = arith.extui %eq3A_589 : i1 to i32
      %cond3A_591 = arith.constant 0 : i32
      %cond3A_592 = arith.cmpi ne, %convert_element_type3A_590, %cond3A_591 : i32
      scf.if %cond3A_592 {
        %dma_wait3A_665 = arith.constant 0 : i32
        %dma_wait3A_666 = arith.constant 0 : i32
        %dma_wait3A_667 = tpu.memref_slice %arg14[%dma_wait3A_665, %dma_wait3A_666] : memref<2x80xi32, #tpu.memory_space<vmem>> -> memref<1x80xi32, #tpu.memory_space<vmem>>
        %dma_wait3A_668 = tpu.memref_squeeze %dma_wait3A_667 : memref<1x80xi32, #tpu.memory_space<vmem>> -> memref<80xi32, #tpu.memory_space<vmem>>
        %dma_wait3A_669 = arith.constant 0 : i32
        %dma_wait3A_670 = arith.constant 0 : i32
        %dma_wait3A_671 = tpu.memref_slice %arg3[%dma_wait3A_669, %dma_wait3A_670] : memref<10000x128xf32, #tpu.memory_space<hbm>> -> memref<10000x128xf32, #tpu.memory_space<hbm>>
        tpu.wait_indirect_dma semaphore(%arg26 : memref<!tpu.dma_semaphore, #tpu.memory_space<semaphore_mem>>) src(%dma_wait3A_671 : memref<10000x128xf32, #tpu.memory_space<hbm>>) dst(%arg18 : memref<80x128xf32, #tpu.memory_space<vmem>>)
      } else {
      }
      %eq3A_593 = arith.constant 1 : i32
      %eq3A_594 = arith.cmpi eq, %arg0, %eq3A_593 : i32
      %convert_element_type3A_595 = arith.extui %eq3A_594 : i1 to i32
      %cond3A_596 = arith.constant 0 : i32
      %cond3A_597 = arith.cmpi ne, %convert_element_type3A_595, %cond3A_596 : i32
      scf.if %cond3A_597 {
        %dma_wait3A_665 = arith.constant 0 : i32
        %dma_wait3A_666 = arith.constant 0 : i32
        %dma_wait3A_667 = tpu.memref_slice %arg14[%dma_wait3A_665, %dma_wait3A_666] : memref<2x80xi32, #tpu.memory_space<vmem>> -> memref<1x80xi32, #tpu.memory_space<vmem>>
        %dma_wait3A_668 = tpu.memref_squeeze %dma_wait3A_667 : memref<1x80xi32, #tpu.memory_space<vmem>> -> memref<80xi32, #tpu.memory_space<vmem>>
        %dma_wait3A_669 = arith.constant 0 : i32
        %dma_wait3A_670 = arith.constant 0 : i32
        %dma_wait3A_671 = tpu.memref_slice %arg4[%dma_wait3A_669, %dma_wait3A_670] : memref<10000x128xf32, #tpu.memory_space<hbm>> -> memref<10000x128xf32, #tpu.memory_space<hbm>>
        tpu.wait_indirect_dma semaphore(%arg26 : memref<!tpu.dma_semaphore, #tpu.memory_space<semaphore_mem>>) src(%dma_wait3A_671 : memref<10000x128xf32, #tpu.memory_space<hbm>>) dst(%arg18 : memref<80x128xf32, #tpu.memory_space<vmem>>)
      } else {
      }
      %eq3A_598 = arith.constant 0 : i32
      %eq3A_599 = arith.cmpi eq, %arg0, %eq3A_598 : i32
      %convert_element_type3A_600 = arith.extui %eq3A_599 : i1 to i32
      %cond3A_601 = arith.constant 0 : i32
      %cond3A_602 = arith.cmpi ne, %convert_element_type3A_600, %cond3A_601 : i32
      scf.if %cond3A_602 {
        %run_scoped3A = arith.constant 1 : i32
        "tpu.region"() ({
          %run_scoped3A_665 = tpu.sem_alloc : memref<!tpu.dma_semaphore, #tpu.memory_space<semaphore_mem>>
          %dma_start3A_666 = arith.constant 0 : i32
          %dma_start3A_667 = tpu.memref_slice %arg14[%run_scoped3A, %dma_start3A_666] : memref<2x80xi32, #tpu.memory_space<vmem>> -> memref<1x80xi32, #tpu.memory_space<vmem>>
          %dma_start3A_668 = tpu.memref_squeeze %dma_start3A_667 : memref<1x80xi32, #tpu.memory_space<vmem>> -> memref<80xi32, #tpu.memory_space<vmem>>
          %dma_start3A_669 = arith.constant 0 : i32
          %dma_start3A_670 = tpu.memref_slice %arg23[%dma_start3A_669] : memref<10240xf32, #tpu.memory_space<vmem_shared>> -> memref<10240xf32, #tpu.memory_space<vmem_shared>>
          tpu.enqueue_indirect_dma source(%arg21 : memref<80xf32, #tpu.memory_space<vmem>>) target(%dma_start3A_670 : memref<10240xf32, #tpu.memory_space<vmem_shared>>) offsets(%dma_start3A_668 : memref<80xi32, #tpu.memory_space<vmem>>) semaphore(%run_scoped3A_665 : memref<!tpu.dma_semaphore, #tpu.memory_space<semaphore_mem>>) {add = true}
          %dma_wait3A_671 = arith.constant 0 : i32
          %dma_wait3A_672 = tpu.memref_slice %arg14[%run_scoped3A, %dma_wait3A_671] : memref<2x80xi32, #tpu.memory_space<vmem>> -> memref<1x80xi32, #tpu.memory_space<vmem>>
          %dma_wait3A_673 = tpu.memref_squeeze %dma_wait3A_672 : memref<1x80xi32, #tpu.memory_space<vmem>> -> memref<80xi32, #tpu.memory_space<vmem>>
          %dma_wait3A_674 = arith.constant 0 : i32
          %dma_wait3A_675 = tpu.memref_slice %arg23[%dma_wait3A_674] : memref<10240xf32, #tpu.memory_space<vmem_shared>> -> memref<10240xf32, #tpu.memory_space<vmem_shared>>
          tpu.wait_indirect_dma semaphore(%run_scoped3A_665 : memref<!tpu.dma_semaphore, #tpu.memory_space<semaphore_mem>>) src(%arg21 : memref<80xf32, #tpu.memory_space<vmem>>) dst(%dma_wait3A_675 : memref<10240xf32, #tpu.memory_space<vmem_shared>>)
          tpu.yield
        }) : () -> ()
      } else {
      }
      %dma_start3A_603 = arith.constant 1 : i32
      %dma_start3A_604 = arith.constant 0 : i32
      %dma_start3A_605 = tpu.memref_slice %arg14[%dma_start3A_603, %dma_start3A_604] : memref<2x80xi32, #tpu.memory_space<vmem>> -> memref<1x80xi32, #tpu.memory_space<vmem>>
      %dma_start3A_606 = tpu.memref_squeeze %dma_start3A_605 : memref<1x80xi32, #tpu.memory_space<vmem>> -> memref<80xi32, #tpu.memory_space<vmem>>
      %dma_start3A_607 = arith.constant 0 : i32
      %dma_start3A_608 = arith.constant 0 : i32
      %dma_start3A_609 = tpu.memref_slice %arg22[%dma_start3A_607, %dma_start3A_608] : memref<10008x128xf32, #tpu.memory_space<vmem_shared>> -> memref<10008x128xf32, #tpu.memory_space<vmem_shared>>
      tpu.enqueue_indirect_dma source(%arg18 : memref<80x128xf32, #tpu.memory_space<vmem>>) target(%dma_start3A_609 : memref<10008x128xf32, #tpu.memory_space<vmem_shared>>) offsets(%dma_start3A_606 : memref<80xi32, #tpu.memory_space<vmem>>) semaphore(%arg30 : memref<!tpu.dma_semaphore, #tpu.memory_space<semaphore_mem>>) {add = true}
      %add3A_610 = arith.constant 4 : i32
      %add3A_611 = arith.addi %add3A_587, %add3A_610 : i32
      %lt3A_612 = arith.constant 128 : i32
      %lt3A_613 = arith.cmpi slt, %add3A_611, %lt3A_612 : i32
      %convert_element_type3A_614 = arith.extui %lt3A_613 : i1 to i32
      %cond3A_615 = arith.constant 0 : i32
      %cond3A_616 = arith.cmpi ne, %convert_element_type3A_614, %cond3A_615 : i32
      scf.if %cond3A_616 {
        %dma_start3A_665 = arith.constant 0 : i32
        %dma_start3A_666 = arith.constant 0 : i32
        %dma_start3A_667 = tpu.memref_slice %arg2[%dma_start3A_665, %arg1, %add3A_611, %dma_start3A_666] : memref<2x16x128x80xi32, #tpu.memory_space<hbm>> -> memref<2x1x1x80xi32, #tpu.memory_space<hbm>>
        %dma_start3A_668 = tpu.memref_squeeze %dma_start3A_667 : memref<2x1x1x80xi32, #tpu.memory_space<hbm>> -> memref<2x80xi32, #tpu.memory_space<hbm>>
        %dma_start3A_669 = arith.constant 0 : i32
        %dma_start3A_670 = arith.constant 0 : i32
        %dma_start3A_671 = tpu.memref_slice %arg2[%dma_start3A_669, %arg1, %add3A_611, %dma_start3A_670] : memref<2x16x128x80xi32, #tpu.memory_space<hbm>> -> memref<2x1x1x80xi32, #tpu.memory_space<hbm>>
        %dma_start3A_672 = tpu.memref_squeeze %dma_start3A_671 : memref<2x1x1x80xi32, #tpu.memory_space<hbm>> -> memref<2x80xi32, #tpu.memory_space<hbm>>
        tpu.enqueue_dma source(%dma_start3A_672 : memref<2x80xi32, #tpu.memory_space<hbm>>) target(%arg10 : memref<2x80xi32, #tpu.memory_space<vmem>>) target_semaphore(%arg34 : memref<!tpu.dma_semaphore, #tpu.memory_space<semaphore_mem>>)
      } else {
      }
      %add3A_617 = arith.constant 3 : i32
      %add3A_618 = arith.addi %add3A_587, %add3A_617 : i32
      %lt3A_619 = arith.constant 128 : i32
      %lt3A_620 = arith.cmpi slt, %add3A_618, %lt3A_619 : i32
      %convert_element_type3A_621 = arith.extui %lt3A_620 : i1 to i32
      %cond3A_622 = arith.constant 0 : i32
      %cond3A_623 = arith.cmpi ne, %convert_element_type3A_621, %cond3A_622 : i32
      scf.if %cond3A_623 {
        %sub3A = arith.constant 4 : i32
        %sub3A_665 = arith.subi %add3A_618, %sub3A : i32
        %ge3A = arith.constant 0 : i32
        %ge3A_666 = arith.cmpi sge, %sub3A_665, %ge3A : i32
        %convert_element_type3A_667 = arith.extui %ge3A_666 : i1 to i32
        %cond3A_668 = arith.constant 0 : i32
        %cond3A_669 = arith.cmpi ne, %convert_element_type3A_667, %cond3A_668 : i32
        scf.if %cond3A_669 {
          %dma_wait3A_688 = arith.constant 1 : i32
          %dma_wait3A_689 = arith.constant 0 : i32
          %dma_wait3A_690 = tpu.memref_slice %arg9[%dma_wait3A_688, %dma_wait3A_689] : memref<2x80xi32, #tpu.memory_space<vmem>> -> memref<1x80xi32, #tpu.memory_space<vmem>>
          %dma_wait3A_691 = tpu.memref_squeeze %dma_wait3A_690 : memref<1x80xi32, #tpu.memory_space<vmem>> -> memref<80xi32, #tpu.memory_space<vmem>>
          %dma_wait3A_692 = arith.constant 0 : i32
          %dma_wait3A_693 = arith.constant 0 : i32
          %dma_wait3A_694 = tpu.memref_slice %arg22[%dma_wait3A_692, %dma_wait3A_693] : memref<10008x128xf32, #tpu.memory_space<vmem_shared>> -> memref<10008x128xf32, #tpu.memory_space<vmem_shared>>
          tpu.wait_indirect_dma semaphore(%arg29 : memref<!tpu.dma_semaphore, #tpu.memory_space<semaphore_mem>>) src(%arg17 : memref<80x128xf32, #tpu.memory_space<vmem>>) dst(%dma_wait3A_694 : memref<10008x128xf32, #tpu.memory_space<vmem_shared>>)
        } else {
        }
        %dma_wait3A_670 = arith.constant 0 : i32
        %dma_wait3A_671 = arith.constant 0 : i32
        %dma_wait3A_672 = tpu.memref_slice %arg2[%dma_wait3A_670, %arg1, %add3A_618, %dma_wait3A_671] : memref<2x16x128x80xi32, #tpu.memory_space<hbm>> -> memref<2x1x1x80xi32, #tpu.memory_space<hbm>>
        %dma_wait3A_673 = tpu.memref_squeeze %dma_wait3A_672 : memref<2x1x1x80xi32, #tpu.memory_space<hbm>> -> memref<2x80xi32, #tpu.memory_space<hbm>>
        %dma_wait3A_674 = arith.constant 0 : i32
        %dma_wait3A_675 = arith.constant 0 : i32
        %dma_wait3A_676 = tpu.memref_slice %arg2[%dma_wait3A_674, %arg1, %add3A_618, %dma_wait3A_675] : memref<2x16x128x80xi32, #tpu.memory_space<hbm>> -> memref<2x1x1x80xi32, #tpu.memory_space<hbm>>
        %dma_wait3A_677 = tpu.memref_squeeze %dma_wait3A_676 : memref<2x1x1x80xi32, #tpu.memory_space<hbm>> -> memref<2x80xi32, #tpu.memory_space<hbm>>
        tpu.wait_dma2 semaphore(%arg33 : memref<!tpu.dma_semaphore, #tpu.memory_space<semaphore_mem>>) src(%dma_wait3A_677 : memref<2x80xi32, #tpu.memory_space<hbm>>) dst(%arg9 : memref<2x80xi32, #tpu.memory_space<vmem>>)
        %eq3A_678 = arith.constant 0 : i32
        %eq3A_679 = arith.cmpi eq, %arg0, %eq3A_678 : i32
        %convert_element_type3A_680 = arith.extui %eq3A_679 : i1 to i32
        %cond3A_681 = arith.constant 0 : i32
        %cond3A_682 = arith.cmpi ne, %convert_element_type3A_680, %cond3A_681 : i32
        scf.if %cond3A_682 {
          %dma_start3A_688 = arith.constant 0 : i32
          %dma_start3A_689 = arith.constant 0 : i32
          %dma_start3A_690 = tpu.memref_slice %arg9[%dma_start3A_688, %dma_start3A_689] : memref<2x80xi32, #tpu.memory_space<vmem>> -> memref<1x80xi32, #tpu.memory_space<vmem>>
          %dma_start3A_691 = tpu.memref_squeeze %dma_start3A_690 : memref<1x80xi32, #tpu.memory_space<vmem>> -> memref<80xi32, #tpu.memory_space<vmem>>
          %dma_start3A_692 = arith.constant 0 : i32
          %dma_start3A_693 = arith.constant 0 : i32
          %dma_start3A_694 = tpu.memref_slice %arg3[%dma_start3A_692, %dma_start3A_693] : memref<10000x128xf32, #tpu.memory_space<hbm>> -> memref<10000x128xf32, #tpu.memory_space<hbm>>
          tpu.enqueue_indirect_dma source(%dma_start3A_694 : memref<10000x128xf32, #tpu.memory_space<hbm>>) target(%arg17 : memref<80x128xf32, #tpu.memory_space<vmem>>) offsets(%dma_start3A_691 : memref<80xi32, #tpu.memory_space<vmem>>) semaphore(%arg25 : memref<!tpu.dma_semaphore, #tpu.memory_space<semaphore_mem>>)
        } else {
        }
        %eq3A_683 = arith.constant 1 : i32
        %eq3A_684 = arith.cmpi eq, %arg0, %eq3A_683 : i32
        %convert_element_type3A_685 = arith.extui %eq3A_684 : i1 to i32
        %cond3A_686 = arith.constant 0 : i32
        %cond3A_687 = arith.cmpi ne, %convert_element_type3A_685, %cond3A_686 : i32
        scf.if %cond3A_687 {
          %dma_start3A_688 = arith.constant 0 : i32
          %dma_start3A_689 = arith.constant 0 : i32
          %dma_start3A_690 = tpu.memref_slice %arg9[%dma_start3A_688, %dma_start3A_689] : memref<2x80xi32, #tpu.memory_space<vmem>> -> memref<1x80xi32, #tpu.memory_space<vmem>>
          %dma_start3A_691 = tpu.memref_squeeze %dma_start3A_690 : memref<1x80xi32, #tpu.memory_space<vmem>> -> memref<80xi32, #tpu.memory_space<vmem>>
          %dma_start3A_692 = arith.constant 0 : i32
          %dma_start3A_693 = arith.constant 0 : i32
          %dma_start3A_694 = tpu.memref_slice %arg4[%dma_start3A_692, %dma_start3A_693] : memref<10000x128xf32, #tpu.memory_space<hbm>> -> memref<10000x128xf32, #tpu.memory_space<hbm>>
          tpu.enqueue_indirect_dma source(%dma_start3A_694 : memref<10000x128xf32, #tpu.memory_space<hbm>>) target(%arg17 : memref<80x128xf32, #tpu.memory_space<vmem>>) offsets(%dma_start3A_691 : memref<80xi32, #tpu.memory_space<vmem>>) semaphore(%arg25 : memref<!tpu.dma_semaphore, #tpu.memory_space<semaphore_mem>>)
        } else {
        }
      } else {
      }
      %mul3A_624 = arith.constant 8 : i32
      %mul3A_625 = arith.muli %scan3A_343, %mul3A_624 : i32
      %add3A_626 = arith.constant 7 : i32
      %add3A_627 = arith.addi %mul3A_625, %add3A_626 : i32
      %eq3A_628 = arith.constant 0 : i32
      %eq3A_629 = arith.cmpi eq, %arg0, %eq3A_628 : i32
      %convert_element_type3A_630 = arith.extui %eq3A_629 : i1 to i32
      %cond3A_631 = arith.constant 0 : i32
      %cond3A_632 = arith.cmpi ne, %convert_element_type3A_630, %cond3A_631 : i32
      scf.if %cond3A_632 {
        %dma_wait3A_665 = arith.constant 0 : i32
        %dma_wait3A_666 = arith.constant 0 : i32
        %dma_wait3A_667 = tpu.memref_slice %arg15[%dma_wait3A_665, %dma_wait3A_666] : memref<2x80xi32, #tpu.memory_space<vmem>> -> memref<1x80xi32, #tpu.memory_space<vmem>>
        %dma_wait3A_668 = tpu.memref_squeeze %dma_wait3A_667 : memref<1x80xi32, #tpu.memory_space<vmem>> -> memref<80xi32, #tpu.memory_space<vmem>>
        %dma_wait3A_669 = arith.constant 0 : i32
        %dma_wait3A_670 = arith.constant 0 : i32
        %dma_wait3A_671 = tpu.memref_slice %arg3[%dma_wait3A_669, %dma_wait3A_670] : memref<10000x128xf32, #tpu.memory_space<hbm>> -> memref<10000x128xf32, #tpu.memory_space<hbm>>
        tpu.wait_indirect_dma semaphore(%arg27 : memref<!tpu.dma_semaphore, #tpu.memory_space<semaphore_mem>>) src(%dma_wait3A_671 : memref<10000x128xf32, #tpu.memory_space<hbm>>) dst(%arg19 : memref<80x128xf32, #tpu.memory_space<vmem>>)
      } else {
      }
      %eq3A_633 = arith.constant 1 : i32
      %eq3A_634 = arith.cmpi eq, %arg0, %eq3A_633 : i32
      %convert_element_type3A_635 = arith.extui %eq3A_634 : i1 to i32
      %cond3A_636 = arith.constant 0 : i32
      %cond3A_637 = arith.cmpi ne, %convert_element_type3A_635, %cond3A_636 : i32
      scf.if %cond3A_637 {
        %dma_wait3A_665 = arith.constant 0 : i32
        %dma_wait3A_666 = arith.constant 0 : i32
        %dma_wait3A_667 = tpu.memref_slice %arg15[%dma_wait3A_665, %dma_wait3A_666] : memref<2x80xi32, #tpu.memory_space<vmem>> -> memref<1x80xi32, #tpu.memory_space<vmem>>
        %dma_wait3A_668 = tpu.memref_squeeze %dma_wait3A_667 : memref<1x80xi32, #tpu.memory_space<vmem>> -> memref<80xi32, #tpu.memory_space<vmem>>
        %dma_wait3A_669 = arith.constant 0 : i32
        %dma_wait3A_670 = arith.constant 0 : i32
        %dma_wait3A_671 = tpu.memref_slice %arg4[%dma_wait3A_669, %dma_wait3A_670] : memref<10000x128xf32, #tpu.memory_space<hbm>> -> memref<10000x128xf32, #tpu.memory_space<hbm>>
        tpu.wait_indirect_dma semaphore(%arg27 : memref<!tpu.dma_semaphore, #tpu.memory_space<semaphore_mem>>) src(%dma_wait3A_671 : memref<10000x128xf32, #tpu.memory_space<hbm>>) dst(%arg19 : memref<80x128xf32, #tpu.memory_space<vmem>>)
      } else {
      }
      %eq3A_638 = arith.constant 0 : i32
      %eq3A_639 = arith.cmpi eq, %arg0, %eq3A_638 : i32
      %convert_element_type3A_640 = arith.extui %eq3A_639 : i1 to i32
      %cond3A_641 = arith.constant 0 : i32
      %cond3A_642 = arith.cmpi ne, %convert_element_type3A_640, %cond3A_641 : i32
      scf.if %cond3A_642 {
        %run_scoped3A = arith.constant 1 : i32
        "tpu.region"() ({
          %run_scoped3A_665 = tpu.sem_alloc : memref<!tpu.dma_semaphore, #tpu.memory_space<semaphore_mem>>
          %dma_start3A_666 = arith.constant 0 : i32
          %dma_start3A_667 = tpu.memref_slice %arg15[%run_scoped3A, %dma_start3A_666] : memref<2x80xi32, #tpu.memory_space<vmem>> -> memref<1x80xi32, #tpu.memory_space<vmem>>
          %dma_start3A_668 = tpu.memref_squeeze %dma_start3A_667 : memref<1x80xi32, #tpu.memory_space<vmem>> -> memref<80xi32, #tpu.memory_space<vmem>>
          %dma_start3A_669 = arith.constant 0 : i32
          %dma_start3A_670 = tpu.memref_slice %arg23[%dma_start3A_669] : memref<10240xf32, #tpu.memory_space<vmem_shared>> -> memref<10240xf32, #tpu.memory_space<vmem_shared>>
          tpu.enqueue_indirect_dma source(%arg21 : memref<80xf32, #tpu.memory_space<vmem>>) target(%dma_start3A_670 : memref<10240xf32, #tpu.memory_space<vmem_shared>>) offsets(%dma_start3A_668 : memref<80xi32, #tpu.memory_space<vmem>>) semaphore(%run_scoped3A_665 : memref<!tpu.dma_semaphore, #tpu.memory_space<semaphore_mem>>) {add = true}
          %dma_wait3A_671 = arith.constant 0 : i32
          %dma_wait3A_672 = tpu.memref_slice %arg15[%run_scoped3A, %dma_wait3A_671] : memref<2x80xi32, #tpu.memory_space<vmem>> -> memref<1x80xi32, #tpu.memory_space<vmem>>
          %dma_wait3A_673 = tpu.memref_squeeze %dma_wait3A_672 : memref<1x80xi32, #tpu.memory_space<vmem>> -> memref<80xi32, #tpu.memory_space<vmem>>
          %dma_wait3A_674 = arith.constant 0 : i32
          %dma_wait3A_675 = tpu.memref_slice %arg23[%dma_wait3A_674] : memref<10240xf32, #tpu.memory_space<vmem_shared>> -> memref<10240xf32, #tpu.memory_space<vmem_shared>>
          tpu.wait_indirect_dma semaphore(%run_scoped3A_665 : memref<!tpu.dma_semaphore, #tpu.memory_space<semaphore_mem>>) src(%arg21 : memref<80xf32, #tpu.memory_space<vmem>>) dst(%dma_wait3A_675 : memref<10240xf32, #tpu.memory_space<vmem_shared>>)
          tpu.yield
        }) : () -> ()
      } else {
      }
      %dma_start3A_643 = arith.constant 1 : i32
      %dma_start3A_644 = arith.constant 0 : i32
      %dma_start3A_645 = tpu.memref_slice %arg15[%dma_start3A_643, %dma_start3A_644] : memref<2x80xi32, #tpu.memory_space<vmem>> -> memref<1x80xi32, #tpu.memory_space<vmem>>
      %dma_start3A_646 = tpu.memref_squeeze %dma_start3A_645 : memref<1x80xi32, #tpu.memory_space<vmem>> -> memref<80xi32, #tpu.memory_space<vmem>>
      %dma_start3A_647 = arith.constant 0 : i32
      %dma_start3A_648 = arith.constant 0 : i32
      %dma_start3A_649 = tpu.memref_slice %arg22[%dma_start3A_647, %dma_start3A_648] : memref<10008x128xf32, #tpu.memory_space<vmem_shared>> -> memref<10008x128xf32, #tpu.memory_space<vmem_shared>>
      tpu.enqueue_indirect_dma source(%arg19 : memref<80x128xf32, #tpu.memory_space<vmem>>) target(%dma_start3A_649 : memref<10008x128xf32, #tpu.memory_space<vmem_shared>>) offsets(%dma_start3A_646 : memref<80xi32, #tpu.memory_space<vmem>>) semaphore(%arg31 : memref<!tpu.dma_semaphore, #tpu.memory_space<semaphore_mem>>) {add = true}
      %add3A_650 = arith.constant 4 : i32
      %add3A_651 = arith.addi %add3A_627, %add3A_650 : i32
      %lt3A_652 = arith.constant 128 : i32
      %lt3A_653 = arith.cmpi slt, %add3A_651, %lt3A_652 : i32
      %convert_element_type3A_654 = arith.extui %lt3A_653 : i1 to i32
      %cond3A_655 = arith.constant 0 : i32
      %cond3A_656 = arith.cmpi ne, %convert_element_type3A_654, %cond3A_655 : i32
      scf.if %cond3A_656 {
        %dma_start3A_665 = arith.constant 0 : i32
        %dma_start3A_666 = arith.constant 0 : i32
        %dma_start3A_667 = tpu.memref_slice %arg2[%dma_start3A_665, %arg1, %add3A_651, %dma_start3A_666] : memref<2x16x128x80xi32, #tpu.memory_space<hbm>> -> memref<2x1x1x80xi32, #tpu.memory_space<hbm>>
        %dma_start3A_668 = tpu.memref_squeeze %dma_start3A_667 : memref<2x1x1x80xi32, #tpu.memory_space<hbm>> -> memref<2x80xi32, #tpu.memory_space<hbm>>
        %dma_start3A_669 = arith.constant 0 : i32
        %dma_start3A_670 = arith.constant 0 : i32
        %dma_start3A_671 = tpu.memref_slice %arg2[%dma_start3A_669, %arg1, %add3A_651, %dma_start3A_670] : memref<2x16x128x80xi32, #tpu.memory_space<hbm>> -> memref<2x1x1x80xi32, #tpu.memory_space<hbm>>
        %dma_start3A_672 = tpu.memref_squeeze %dma_start3A_671 : memref<2x1x1x80xi32, #tpu.memory_space<hbm>> -> memref<2x80xi32, #tpu.memory_space<hbm>>
        tpu.enqueue_dma source(%dma_start3A_672 : memref<2x80xi32, #tpu.memory_space<hbm>>) target(%arg11 : memref<2x80xi32, #tpu.memory_space<vmem>>) target_semaphore(%arg35 : memref<!tpu.dma_semaphore, #tpu.memory_space<semaphore_mem>>)
      } else {
      }
      %add3A_657 = arith.constant 3 : i32
      %add3A_658 = arith.addi %add3A_627, %add3A_657 : i32
      %lt3A_659 = arith.constant 128 : i32
      %lt3A_660 = arith.cmpi slt, %add3A_658, %lt3A_659 : i32
      %convert_element_type3A_661 = arith.extui %lt3A_660 : i1 to i32
      %cond3A_662 = arith.constant 0 : i32
      %cond3A_663 = arith.cmpi ne, %convert_element_type3A_661, %cond3A_662 : i32
      scf.if %cond3A_663 {
        %sub3A = arith.constant 4 : i32
        %sub3A_665 = arith.subi %add3A_658, %sub3A : i32
        %ge3A = arith.constant 0 : i32
        %ge3A_666 = arith.cmpi sge, %sub3A_665, %ge3A : i32
        %convert_element_type3A_667 = arith.extui %ge3A_666 : i1 to i32
        %cond3A_668 = arith.constant 0 : i32
        %cond3A_669 = arith.cmpi ne, %convert_element_type3A_667, %cond3A_668 : i32
        scf.if %cond3A_669 {
          %dma_wait3A_688 = arith.constant 1 : i32
          %dma_wait3A_689 = arith.constant 0 : i32
          %dma_wait3A_690 = tpu.memref_slice %arg10[%dma_wait3A_688, %dma_wait3A_689] : memref<2x80xi32, #tpu.memory_space<vmem>> -> memref<1x80xi32, #tpu.memory_space<vmem>>
          %dma_wait3A_691 = tpu.memref_squeeze %dma_wait3A_690 : memref<1x80xi32, #tpu.memory_space<vmem>> -> memref<80xi32, #tpu.memory_space<vmem>>
          %dma_wait3A_692 = arith.constant 0 : i32
          %dma_wait3A_693 = arith.constant 0 : i32
          %dma_wait3A_694 = tpu.memref_slice %arg22[%dma_wait3A_692, %dma_wait3A_693] : memref<10008x128xf32, #tpu.memory_space<vmem_shared>> -> memref<10008x128xf32, #tpu.memory_space<vmem_shared>>
          tpu.wait_indirect_dma semaphore(%arg30 : memref<!tpu.dma_semaphore, #tpu.memory_space<semaphore_mem>>) src(%arg18 : memref<80x128xf32, #tpu.memory_space<vmem>>) dst(%dma_wait3A_694 : memref<10008x128xf32, #tpu.memory_space<vmem_shared>>)
        } else {
        }
        %dma_wait3A_670 = arith.constant 0 : i32
        %dma_wait3A_671 = arith.constant 0 : i32
        %dma_wait3A_672 = tpu.memref_slice %arg2[%dma_wait3A_670, %arg1, %add3A_658, %dma_wait3A_671] : memref<2x16x128x80xi32, #tpu.memory_space<hbm>> -> memref<2x1x1x80xi32, #tpu.memory_space<hbm>>
        %dma_wait3A_673 = tpu.memref_squeeze %dma_wait3A_672 : memref<2x1x1x80xi32, #tpu.memory_space<hbm>> -> memref<2x80xi32, #tpu.memory_space<hbm>>
        %dma_wait3A_674 = arith.constant 0 : i32
        %dma_wait3A_675 = arith.constant 0 : i32
        %dma_wait3A_676 = tpu.memref_slice %arg2[%dma_wait3A_674, %arg1, %add3A_658, %dma_wait3A_675] : memref<2x16x128x80xi32, #tpu.memory_space<hbm>> -> memref<2x1x1x80xi32, #tpu.memory_space<hbm>>
        %dma_wait3A_677 = tpu.memref_squeeze %dma_wait3A_676 : memref<2x1x1x80xi32, #tpu.memory_space<hbm>> -> memref<2x80xi32, #tpu.memory_space<hbm>>
        tpu.wait_dma2 semaphore(%arg34 : memref<!tpu.dma_semaphore, #tpu.memory_space<semaphore_mem>>) src(%dma_wait3A_677 : memref<2x80xi32, #tpu.memory_space<hbm>>) dst(%arg10 : memref<2x80xi32, #tpu.memory_space<vmem>>)
        %eq3A_678 = arith.constant 0 : i32
        %eq3A_679 = arith.cmpi eq, %arg0, %eq3A_678 : i32
        %convert_element_type3A_680 = arith.extui %eq3A_679 : i1 to i32
        %cond3A_681 = arith.constant 0 : i32
        %cond3A_682 = arith.cmpi ne, %convert_element_type3A_680, %cond3A_681 : i32
        scf.if %cond3A_682 {
          %dma_start3A_688 = arith.constant 0 : i32
          %dma_start3A_689 = arith.constant 0 : i32
          %dma_start3A_690 = tpu.memref_slice %arg10[%dma_start3A_688, %dma_start3A_689] : memref<2x80xi32, #tpu.memory_space<vmem>> -> memref<1x80xi32, #tpu.memory_space<vmem>>
          %dma_start3A_691 = tpu.memref_squeeze %dma_start3A_690 : memref<1x80xi32, #tpu.memory_space<vmem>> -> memref<80xi32, #tpu.memory_space<vmem>>
          %dma_start3A_692 = arith.constant 0 : i32
          %dma_start3A_693 = arith.constant 0 : i32
          %dma_start3A_694 = tpu.memref_slice %arg3[%dma_start3A_692, %dma_start3A_693] : memref<10000x128xf32, #tpu.memory_space<hbm>> -> memref<10000x128xf32, #tpu.memory_space<hbm>>
          tpu.enqueue_indirect_dma source(%dma_start3A_694 : memref<10000x128xf32, #tpu.memory_space<hbm>>) target(%arg18 : memref<80x128xf32, #tpu.memory_space<vmem>>) offsets(%dma_start3A_691 : memref<80xi32, #tpu.memory_space<vmem>>) semaphore(%arg26 : memref<!tpu.dma_semaphore, #tpu.memory_space<semaphore_mem>>)
        } else {
        }
        %eq3A_683 = arith.constant 1 : i32
        %eq3A_684 = arith.cmpi eq, %arg0, %eq3A_683 : i32
        %convert_element_type3A_685 = arith.extui %eq3A_684 : i1 to i32
        %cond3A_686 = arith.constant 0 : i32
        %cond3A_687 = arith.cmpi ne, %convert_element_type3A_685, %cond3A_686 : i32
        scf.if %cond3A_687 {
          %dma_start3A_688 = arith.constant 0 : i32
          %dma_start3A_689 = arith.constant 0 : i32
          %dma_start3A_690 = tpu.memref_slice %arg10[%dma_start3A_688, %dma_start3A_689] : memref<2x80xi32, #tpu.memory_space<vmem>> -> memref<1x80xi32, #tpu.memory_space<vmem>>
          %dma_start3A_691 = tpu.memref_squeeze %dma_start3A_690 : memref<1x80xi32, #tpu.memory_space<vmem>> -> memref<80xi32, #tpu.memory_space<vmem>>
          %dma_start3A_692 = arith.constant 0 : i32
          %dma_start3A_693 = arith.constant 0 : i32
          %dma_start3A_694 = tpu.memref_slice %arg4[%dma_start3A_692, %dma_start3A_693] : memref<10000x128xf32, #tpu.memory_space<hbm>> -> memref<10000x128xf32, #tpu.memory_space<hbm>>
          tpu.enqueue_indirect_dma source(%dma_start3A_694 : memref<10000x128xf32, #tpu.memory_space<hbm>>) target(%arg18 : memref<80x128xf32, #tpu.memory_space<vmem>>) offsets(%dma_start3A_691 : memref<80xi32, #tpu.memory_space<vmem>>) semaphore(%arg26 : memref<!tpu.dma_semaphore, #tpu.memory_space<semaphore_mem>>)
        } else {
        }
      } else {
      }
      %scan3A_664 = arith.constant 0 : i32
      scf.yield %scan3A_664 : i32
    }
    %scan3A_147 = arith.constant 16 : i32
    %dma_wait3A_148 = arith.constant 1 : i32
    %dma_wait3A_149 = arith.constant 0 : i32
    %dma_wait3A_150 = tpu.memref_slice %arg12[%dma_wait3A_148, %dma_wait3A_149] : memref<2x80xi32, #tpu.memory_space<vmem>> -> memref<1x80xi32, #tpu.memory_space<vmem>>
    %dma_wait3A_151 = tpu.memref_squeeze %dma_wait3A_150 : memref<1x80xi32, #tpu.memory_space<vmem>> -> memref<80xi32, #tpu.memory_space<vmem>>
    %dma_wait3A_152 = arith.constant 0 : i32
    %dma_wait3A_153 = arith.constant 0 : i32
    %dma_wait3A_154 = tpu.memref_slice %arg22[%dma_wait3A_152, %dma_wait3A_153] : memref<10008x128xf32, #tpu.memory_space<vmem_shared>> -> memref<10008x128xf32, #tpu.memory_space<vmem_shared>>
    tpu.wait_indirect_dma semaphore(%arg28 : memref<!tpu.dma_semaphore, #tpu.memory_space<semaphore_mem>>) src(%arg16 : memref<80x128xf32, #tpu.memory_space<vmem>>) dst(%dma_wait3A_154 : memref<10008x128xf32, #tpu.memory_space<vmem_shared>>)
    %dma_wait3A_155 = arith.constant 1 : i32
    %dma_wait3A_156 = arith.constant 0 : i32
    %dma_wait3A_157 = tpu.memref_slice %arg13[%dma_wait3A_155, %dma_wait3A_156] : memref<2x80xi32, #tpu.memory_space<vmem>> -> memref<1x80xi32, #tpu.memory_space<vmem>>
    %dma_wait3A_158 = tpu.memref_squeeze %dma_wait3A_157 : memref<1x80xi32, #tpu.memory_space<vmem>> -> memref<80xi32, #tpu.memory_space<vmem>>
    %dma_wait3A_159 = arith.constant 0 : i32
    %dma_wait3A_160 = arith.constant 0 : i32
    %dma_wait3A_161 = tpu.memref_slice %arg22[%dma_wait3A_159, %dma_wait3A_160] : memref<10008x128xf32, #tpu.memory_space<vmem_shared>> -> memref<10008x128xf32, #tpu.memory_space<vmem_shared>>
    tpu.wait_indirect_dma semaphore(%arg29 : memref<!tpu.dma_semaphore, #tpu.memory_space<semaphore_mem>>) src(%arg17 : memref<80x128xf32, #tpu.memory_space<vmem>>) dst(%dma_wait3A_161 : memref<10008x128xf32, #tpu.memory_space<vmem_shared>>)
    %dma_wait3A_162 = arith.constant 1 : i32
    %dma_wait3A_163 = arith.constant 0 : i32
    %dma_wait3A_164 = tpu.memref_slice %arg14[%dma_wait3A_162, %dma_wait3A_163] : memref<2x80xi32, #tpu.memory_space<vmem>> -> memref<1x80xi32, #tpu.memory_space<vmem>>
    %dma_wait3A_165 = tpu.memref_squeeze %dma_wait3A_164 : memref<1x80xi32, #tpu.memory_space<vmem>> -> memref<80xi32, #tpu.memory_space<vmem>>
    %dma_wait3A_166 = arith.constant 0 : i32
    %dma_wait3A_167 = arith.constant 0 : i32
    %dma_wait3A_168 = tpu.memref_slice %arg22[%dma_wait3A_166, %dma_wait3A_167] : memref<10008x128xf32, #tpu.memory_space<vmem_shared>> -> memref<10008x128xf32, #tpu.memory_space<vmem_shared>>
    tpu.wait_indirect_dma semaphore(%arg30 : memref<!tpu.dma_semaphore, #tpu.memory_space<semaphore_mem>>) src(%arg18 : memref<80x128xf32, #tpu.memory_space<vmem>>) dst(%dma_wait3A_168 : memref<10008x128xf32, #tpu.memory_space<vmem_shared>>)
    %dma_wait3A_169 = arith.constant 1 : i32
    %dma_wait3A_170 = arith.constant 0 : i32
    %dma_wait3A_171 = tpu.memref_slice %arg15[%dma_wait3A_169, %dma_wait3A_170] : memref<2x80xi32, #tpu.memory_space<vmem>> -> memref<1x80xi32, #tpu.memory_space<vmem>>
    %dma_wait3A_172 = tpu.memref_squeeze %dma_wait3A_171 : memref<1x80xi32, #tpu.memory_space<vmem>> -> memref<80xi32, #tpu.memory_space<vmem>>
    %dma_wait3A_173 = arith.constant 0 : i32
    %dma_wait3A_174 = arith.constant 0 : i32
    %dma_wait3A_175 = tpu.memref_slice %arg22[%dma_wait3A_173, %dma_wait3A_174] : memref<10008x128xf32, #tpu.memory_space<vmem_shared>> -> memref<10008x128xf32, #tpu.memory_space<vmem_shared>>
    tpu.wait_indirect_dma semaphore(%arg31 : memref<!tpu.dma_semaphore, #tpu.memory_space<semaphore_mem>>) src(%arg19 : memref<80x128xf32, #tpu.memory_space<vmem>>) dst(%dma_wait3A_175 : memref<10008x128xf32, #tpu.memory_space<vmem_shared>>)
    %barrier3A_176 = arith.constant 0 : index
    tpu.barrier barrier_id(%barrier3A_176)
    %eq3A_177 = arith.constant 0 : i32
    %eq3A_178 = arith.cmpi eq, %arg0, %eq3A_177 : i32
    %convert_element_type3A_179 = arith.extui %eq3A_178 : i1 to i32
    %cond3A_180 = arith.constant 0 : i32
    %cond3A_181 = arith.cmpi ne, %convert_element_type3A_179, %cond3A_180 : i32
    scf.if %cond3A_181 {
      %mul3A_343 = arith.constant 640 : i32
      %mul3A_344 = arith.muli %arg1, %mul3A_343 : i32
      %mul3A_345 = arith.constant 640 : i32
      %mul3A_346 = arith.muli %arg1, %mul3A_345 : i32
      "tpu.region"() ({
        %run_scoped3A = tpu.sem_alloc : memref<!tpu.dma_semaphore, #tpu.memory_space<semaphore_mem>>
        %dma_start3A_347 = tpu.memref_slice %arg7[%mul3A_346] : memref<10240xf32, #tpu.memory_space<hbm>> -> memref<640xf32, #tpu.memory_space<hbm>>
        %dma_start3A_348 = tpu.memref_slice %arg23[%mul3A_344] : memref<10240xf32, #tpu.memory_space<vmem_shared>> -> memref<640xf32, #tpu.memory_space<vmem_shared>>
        tpu.enqueue_dma source(%dma_start3A_348 : memref<640xf32, #tpu.memory_space<vmem_shared>>) target(%dma_start3A_347 : memref<640xf32, #tpu.memory_space<hbm>>) target_semaphore(%run_scoped3A : memref<!tpu.dma_semaphore, #tpu.memory_space<semaphore_mem>>)
        %dma_wait3A_349 = tpu.memref_slice %arg7[%mul3A_346] : memref<10240xf32, #tpu.memory_space<hbm>> -> memref<640xf32, #tpu.memory_space<hbm>>
        %dma_wait3A_350 = tpu.memref_slice %arg23[%mul3A_344] : memref<10240xf32, #tpu.memory_space<vmem_shared>> -> memref<640xf32, #tpu.memory_space<vmem_shared>>
        tpu.wait_dma2 semaphore(%run_scoped3A : memref<!tpu.dma_semaphore, #tpu.memory_space<semaphore_mem>>) src(%dma_wait3A_350 : memref<640xf32, #tpu.memory_space<vmem_shared>>) dst(%dma_wait3A_349 : memref<640xf32, #tpu.memory_space<hbm>>)
        tpu.yield
      }) : () -> ()
    } else {
    }
    %add3A_182 = arith.constant 0 : i32
    %add3A_183 = arith.addi %mul3A_22, %add3A_182 : i32
    %eq3A_184 = arith.constant 0 : i32
    %eq3A_185 = arith.cmpi eq, %arg0, %eq3A_184 : i32
    %convert_element_type3A_186 = arith.extui %eq3A_185 : i1 to i32
    %cond3A_187 = arith.constant 0 : i32
    %cond3A_188 = arith.cmpi ne, %convert_element_type3A_186, %cond3A_187 : i32
    scf.if %cond3A_188 {
      "tpu.region"() ({
        %run_scoped3A = tpu.sem_alloc : memref<!tpu.dma_semaphore, #tpu.memory_space<semaphore_mem>>
        %dma_start3A_343 = arith.constant 0 : i32
        %dma_start3A_344 = tpu.memref_slice %arg5[%add3A_183, %dma_start3A_343] : memref<10000x128xf32, #tpu.memory_space<hbm>> -> memref<48x128xf32, #tpu.memory_space<hbm>>
        %dma_start3A_345 = arith.constant 0 : i32
        %dma_start3A_346 = tpu.memref_slice %arg22[%add3A_183, %dma_start3A_345] : memref<10008x128xf32, #tpu.memory_space<vmem_shared>> -> memref<48x128xf32, #tpu.memory_space<vmem_shared>>
        tpu.enqueue_dma source(%dma_start3A_346 : memref<48x128xf32, #tpu.memory_space<vmem_shared>>) target(%dma_start3A_344 : memref<48x128xf32, #tpu.memory_space<hbm>>) target_semaphore(%run_scoped3A : memref<!tpu.dma_semaphore, #tpu.memory_space<semaphore_mem>>)
        %dma_wait3A_347 = arith.constant 0 : i32
        %dma_wait3A_348 = tpu.memref_slice %arg5[%add3A_183, %dma_wait3A_347] : memref<10000x128xf32, #tpu.memory_space<hbm>> -> memref<48x128xf32, #tpu.memory_space<hbm>>
        %dma_wait3A_349 = arith.constant 0 : i32
        %dma_wait3A_350 = tpu.memref_slice %arg22[%add3A_183, %dma_wait3A_349] : memref<10008x128xf32, #tpu.memory_space<vmem_shared>> -> memref<48x128xf32, #tpu.memory_space<vmem_shared>>
        tpu.wait_dma2 semaphore(%run_scoped3A : memref<!tpu.dma_semaphore, #tpu.memory_space<semaphore_mem>>) src(%dma_wait3A_350 : memref<48x128xf32, #tpu.memory_space<vmem_shared>>) dst(%dma_wait3A_348 : memref<48x128xf32, #tpu.memory_space<hbm>>)
        tpu.yield
      }) : () -> ()
    } else {
    }
    %eq3A_189 = arith.constant 1 : i32
    %eq3A_190 = arith.cmpi eq, %arg0, %eq3A_189 : i32
    %convert_element_type3A_191 = arith.extui %eq3A_190 : i1 to i32
    %cond3A_192 = arith.constant 0 : i32
    %cond3A_193 = arith.cmpi ne, %convert_element_type3A_191, %cond3A_192 : i32
    scf.if %cond3A_193 {
      "tpu.region"() ({
        %run_scoped3A = tpu.sem_alloc : memref<!tpu.dma_semaphore, #tpu.memory_space<semaphore_mem>>
        %dma_start3A_343 = arith.constant 0 : i32
        %dma_start3A_344 = tpu.memref_slice %arg6[%add3A_183, %dma_start3A_343] : memref<10000x128xf32, #tpu.memory_space<hbm>> -> memref<48x128xf32, #tpu.memory_space<hbm>>
        %dma_start3A_345 = arith.constant 0 : i32
        %dma_start3A_346 = tpu.memref_slice %arg22[%add3A_183, %dma_start3A_345] : memref<10008x128xf32, #tpu.memory_space<vmem_shared>> -> memref<48x128xf32, #tpu.memory_space<vmem_shared>>
        tpu.enqueue_dma source(%dma_start3A_346 : memref<48x128xf32, #tpu.memory_space<vmem_shared>>) target(%dma_start3A_344 : memref<48x128xf32, #tpu.memory_space<hbm>>) target_semaphore(%run_scoped3A : memref<!tpu.dma_semaphore, #tpu.memory_space<semaphore_mem>>)
        %dma_wait3A_347 = arith.constant 0 : i32
        %dma_wait3A_348 = tpu.memref_slice %arg6[%add3A_183, %dma_wait3A_347] : memref<10000x128xf32, #tpu.memory_space<hbm>> -> memref<48x128xf32, #tpu.memory_space<hbm>>
        %dma_wait3A_349 = arith.constant 0 : i32
        %dma_wait3A_350 = tpu.memref_slice %arg22[%add3A_183, %dma_wait3A_349] : memref<10008x128xf32, #tpu.memory_space<vmem_shared>> -> memref<48x128xf32, #tpu.memory_space<vmem_shared>>
        tpu.wait_dma2 semaphore(%run_scoped3A : memref<!tpu.dma_semaphore, #tpu.memory_space<semaphore_mem>>) src(%dma_wait3A_350 : memref<48x128xf32, #tpu.memory_space<vmem_shared>>) dst(%dma_wait3A_348 : memref<48x128xf32, #tpu.memory_space<hbm>>)
        tpu.yield
      }) : () -> ()
    } else {
    }
    %add3A_194 = arith.constant 48 : i32
    %add3A_195 = arith.addi %mul3A_22, %add3A_194 : i32
    %eq3A_196 = arith.constant 0 : i32
    %eq3A_197 = arith.cmpi eq, %arg0, %eq3A_196 : i32
    %convert_element_type3A_198 = arith.extui %eq3A_197 : i1 to i32
    %cond3A_199 = arith.constant 0 : i32
    %cond3A_200 = arith.cmpi ne, %convert_element_type3A_198, %cond3A_199 : i32
    scf.if %cond3A_200 {
      "tpu.region"() ({
        %run_scoped3A = tpu.sem_alloc : memref<!tpu.dma_semaphore, #tpu.memory_space<semaphore_mem>>
        %dma_start3A_343 = arith.constant 0 : i32
        %dma_start3A_344 = tpu.memref_slice %arg5[%add3A_195, %dma_start3A_343] : memref<10000x128xf32, #tpu.memory_space<hbm>> -> memref<48x128xf32, #tpu.memory_space<hbm>>
        %dma_start3A_345 = arith.constant 0 : i32
        %dma_start3A_346 = tpu.memref_slice %arg22[%add3A_195, %dma_start3A_345] : memref<10008x128xf32, #tpu.memory_space<vmem_shared>> -> memref<48x128xf32, #tpu.memory_space<vmem_shared>>
        tpu.enqueue_dma source(%dma_start3A_346 : memref<48x128xf32, #tpu.memory_space<vmem_shared>>) target(%dma_start3A_344 : memref<48x128xf32, #tpu.memory_space<hbm>>) target_semaphore(%run_scoped3A : memref<!tpu.dma_semaphore, #tpu.memory_space<semaphore_mem>>)
        %dma_wait3A_347 = arith.constant 0 : i32
        %dma_wait3A_348 = tpu.memref_slice %arg5[%add3A_195, %dma_wait3A_347] : memref<10000x128xf32, #tpu.memory_space<hbm>> -> memref<48x128xf32, #tpu.memory_space<hbm>>
        %dma_wait3A_349 = arith.constant 0 : i32
        %dma_wait3A_350 = tpu.memref_slice %arg22[%add3A_195, %dma_wait3A_349] : memref<10008x128xf32, #tpu.memory_space<vmem_shared>> -> memref<48x128xf32, #tpu.memory_space<vmem_shared>>
        tpu.wait_dma2 semaphore(%run_scoped3A : memref<!tpu.dma_semaphore, #tpu.memory_space<semaphore_mem>>) src(%dma_wait3A_350 : memref<48x128xf32, #tpu.memory_space<vmem_shared>>) dst(%dma_wait3A_348 : memref<48x128xf32, #tpu.memory_space<hbm>>)
        tpu.yield
      }) : () -> ()
    } else {
    }
    %eq3A_201 = arith.constant 1 : i32
    %eq3A_202 = arith.cmpi eq, %arg0, %eq3A_201 : i32
    %convert_element_type3A_203 = arith.extui %eq3A_202 : i1 to i32
    %cond3A_204 = arith.constant 0 : i32
    %cond3A_205 = arith.cmpi ne, %convert_element_type3A_203, %cond3A_204 : i32
    scf.if %cond3A_205 {
      "tpu.region"() ({
        %run_scoped3A = tpu.sem_alloc : memref<!tpu.dma_semaphore, #tpu.memory_space<semaphore_mem>>
        %dma_start3A_343 = arith.constant 0 : i32
        %dma_start3A_344 = tpu.memref_slice %arg6[%add3A_195, %dma_start3A_343] : memref<10000x128xf32, #tpu.memory_space<hbm>> -> memref<48x128xf32, #tpu.memory_space<hbm>>
        %dma_start3A_345 = arith.constant 0 : i32
        %dma_start3A_346 = tpu.memref_slice %arg22[%add3A_195, %dma_start3A_345] : memref<10008x128xf32, #tpu.memory_space<vmem_shared>> -> memref<48x128xf32, #tpu.memory_space<vmem_shared>>
        tpu.enqueue_dma source(%dma_start3A_346 : memref<48x128xf32, #tpu.memory_space<vmem_shared>>) target(%dma_start3A_344 : memref<48x128xf32, #tpu.memory_space<hbm>>) target_semaphore(%run_scoped3A : memref<!tpu.dma_semaphore, #tpu.memory_space<semaphore_mem>>)
        %dma_wait3A_347 = arith.constant 0 : i32
        %dma_wait3A_348 = tpu.memref_slice %arg6[%add3A_195, %dma_wait3A_347] : memref<10000x128xf32, #tpu.memory_space<hbm>> -> memref<48x128xf32, #tpu.memory_space<hbm>>
        %dma_wait3A_349 = arith.constant 0 : i32
        %dma_wait3A_350 = tpu.memref_slice %arg22[%add3A_195, %dma_wait3A_349] : memref<10008x128xf32, #tpu.memory_space<vmem_shared>> -> memref<48x128xf32, #tpu.memory_space<vmem_shared>>
        tpu.wait_dma2 semaphore(%run_scoped3A : memref<!tpu.dma_semaphore, #tpu.memory_space<semaphore_mem>>) src(%dma_wait3A_350 : memref<48x128xf32, #tpu.memory_space<vmem_shared>>) dst(%dma_wait3A_348 : memref<48x128xf32, #tpu.memory_space<hbm>>)
        tpu.yield
      }) : () -> ()
    } else {
    }
    %add3A_206 = arith.constant 96 : i32
    %add3A_207 = arith.addi %mul3A_22, %add3A_206 : i32
    %eq3A_208 = arith.constant 0 : i32
    %eq3A_209 = arith.cmpi eq, %arg0, %eq3A_208 : i32
    %convert_element_type3A_210 = arith.extui %eq3A_209 : i1 to i32
    %cond3A_211 = arith.constant 0 : i32
    %cond3A_212 = arith.cmpi ne, %convert_element_type3A_210, %cond3A_211 : i32
    scf.if %cond3A_212 {
      "tpu.region"() ({
        %run_scoped3A = tpu.sem_alloc : memref<!tpu.dma_semaphore, #tpu.memory_space<semaphore_mem>>
        %dma_start3A_343 = arith.constant 0 : i32
        %dma_start3A_344 = tpu.memref_slice %arg5[%add3A_207, %dma_start3A_343] : memref<10000x128xf32, #tpu.memory_space<hbm>> -> memref<48x128xf32, #tpu.memory_space<hbm>>
        %dma_start3A_345 = arith.constant 0 : i32
        %dma_start3A_346 = tpu.memref_slice %arg22[%add3A_207, %dma_start3A_345] : memref<10008x128xf32, #tpu.memory_space<vmem_shared>> -> memref<48x128xf32, #tpu.memory_space<vmem_shared>>
        tpu.enqueue_dma source(%dma_start3A_346 : memref<48x128xf32, #tpu.memory_space<vmem_shared>>) target(%dma_start3A_344 : memref<48x128xf32, #tpu.memory_space<hbm>>) target_semaphore(%run_scoped3A : memref<!tpu.dma_semaphore, #tpu.memory_space<semaphore_mem>>)
        %dma_wait3A_347 = arith.constant 0 : i32
        %dma_wait3A_348 = tpu.memref_slice %arg5[%add3A_207, %dma_wait3A_347] : memref<10000x128xf32, #tpu.memory_space<hbm>> -> memref<48x128xf32, #tpu.memory_space<hbm>>
        %dma_wait3A_349 = arith.constant 0 : i32
        %dma_wait3A_350 = tpu.memref_slice %arg22[%add3A_207, %dma_wait3A_349] : memref<10008x128xf32, #tpu.memory_space<vmem_shared>> -> memref<48x128xf32, #tpu.memory_space<vmem_shared>>
        tpu.wait_dma2 semaphore(%run_scoped3A : memref<!tpu.dma_semaphore, #tpu.memory_space<semaphore_mem>>) src(%dma_wait3A_350 : memref<48x128xf32, #tpu.memory_space<vmem_shared>>) dst(%dma_wait3A_348 : memref<48x128xf32, #tpu.memory_space<hbm>>)
        tpu.yield
      }) : () -> ()
    } else {
    }
    %eq3A_213 = arith.constant 1 : i32
    %eq3A_214 = arith.cmpi eq, %arg0, %eq3A_213 : i32
    %convert_element_type3A_215 = arith.extui %eq3A_214 : i1 to i32
    %cond3A_216 = arith.constant 0 : i32
    %cond3A_217 = arith.cmpi ne, %convert_element_type3A_215, %cond3A_216 : i32
    scf.if %cond3A_217 {
      "tpu.region"() ({
        %run_scoped3A = tpu.sem_alloc : memref<!tpu.dma_semaphore, #tpu.memory_space<semaphore_mem>>
        %dma_start3A_343 = arith.constant 0 : i32
        %dma_start3A_344 = tpu.memref_slice %arg6[%add3A_207, %dma_start3A_343] : memref<10000x128xf32, #tpu.memory_space<hbm>> -> memref<48x128xf32, #tpu.memory_space<hbm>>
        %dma_start3A_345 = arith.constant 0 : i32
        %dma_start3A_346 = tpu.memref_slice %arg22[%add3A_207, %dma_start3A_345] : memref<10008x128xf32, #tpu.memory_space<vmem_shared>> -> memref<48x128xf32, #tpu.memory_space<vmem_shared>>
        tpu.enqueue_dma source(%dma_start3A_346 : memref<48x128xf32, #tpu.memory_space<vmem_shared>>) target(%dma_start3A_344 : memref<48x128xf32, #tpu.memory_space<hbm>>) target_semaphore(%run_scoped3A : memref<!tpu.dma_semaphore, #tpu.memory_space<semaphore_mem>>)
        %dma_wait3A_347 = arith.constant 0 : i32
        %dma_wait3A_348 = tpu.memref_slice %arg6[%add3A_207, %dma_wait3A_347] : memref<10000x128xf32, #tpu.memory_space<hbm>> -> memref<48x128xf32, #tpu.memory_space<hbm>>
        %dma_wait3A_349 = arith.constant 0 : i32
        %dma_wait3A_350 = tpu.memref_slice %arg22[%add3A_207, %dma_wait3A_349] : memref<10008x128xf32, #tpu.memory_space<vmem_shared>> -> memref<48x128xf32, #tpu.memory_space<vmem_shared>>
        tpu.wait_dma2 semaphore(%run_scoped3A : memref<!tpu.dma_semaphore, #tpu.memory_space<semaphore_mem>>) src(%dma_wait3A_350 : memref<48x128xf32, #tpu.memory_space<vmem_shared>>) dst(%dma_wait3A_348 : memref<48x128xf32, #tpu.memory_space<hbm>>)
        tpu.yield
      }) : () -> ()
    } else {
    }
    %add3A_218 = arith.constant 144 : i32
    %add3A_219 = arith.addi %mul3A_22, %add3A_218 : i32
    %eq3A_220 = arith.constant 0 : i32
    %eq3A_221 = arith.cmpi eq, %arg0, %eq3A_220 : i32
    %convert_element_type3A_222 = arith.extui %eq3A_221 : i1 to i32
    %cond3A_223 = arith.constant 0 : i32
    %cond3A_224 = arith.cmpi ne, %convert_element_type3A_222, %cond3A_223 : i32
    scf.if %cond3A_224 {
      "tpu.region"() ({
        %run_scoped3A = tpu.sem_alloc : memref<!tpu.dma_semaphore, #tpu.memory_space<semaphore_mem>>
        %dma_start3A_343 = arith.constant 0 : i32
        %dma_start3A_344 = tpu.memref_slice %arg5[%add3A_219, %dma_start3A_343] : memref<10000x128xf32, #tpu.memory_space<hbm>> -> memref<48x128xf32, #tpu.memory_space<hbm>>
        %dma_start3A_345 = arith.constant 0 : i32
        %dma_start3A_346 = tpu.memref_slice %arg22[%add3A_219, %dma_start3A_345] : memref<10008x128xf32, #tpu.memory_space<vmem_shared>> -> memref<48x128xf32, #tpu.memory_space<vmem_shared>>
        tpu.enqueue_dma source(%dma_start3A_346 : memref<48x128xf32, #tpu.memory_space<vmem_shared>>) target(%dma_start3A_344 : memref<48x128xf32, #tpu.memory_space<hbm>>) target_semaphore(%run_scoped3A : memref<!tpu.dma_semaphore, #tpu.memory_space<semaphore_mem>>)
        %dma_wait3A_347 = arith.constant 0 : i32
        %dma_wait3A_348 = tpu.memref_slice %arg5[%add3A_219, %dma_wait3A_347] : memref<10000x128xf32, #tpu.memory_space<hbm>> -> memref<48x128xf32, #tpu.memory_space<hbm>>
        %dma_wait3A_349 = arith.constant 0 : i32
        %dma_wait3A_350 = tpu.memref_slice %arg22[%add3A_219, %dma_wait3A_349] : memref<10008x128xf32, #tpu.memory_space<vmem_shared>> -> memref<48x128xf32, #tpu.memory_space<vmem_shared>>
        tpu.wait_dma2 semaphore(%run_scoped3A : memref<!tpu.dma_semaphore, #tpu.memory_space<semaphore_mem>>) src(%dma_wait3A_350 : memref<48x128xf32, #tpu.memory_space<vmem_shared>>) dst(%dma_wait3A_348 : memref<48x128xf32, #tpu.memory_space<hbm>>)
        tpu.yield
      }) : () -> ()
    } else {
    }
    %eq3A_225 = arith.constant 1 : i32
    %eq3A_226 = arith.cmpi eq, %arg0, %eq3A_225 : i32
    %convert_element_type3A_227 = arith.extui %eq3A_226 : i1 to i32
    %cond3A_228 = arith.constant 0 : i32
    %cond3A_229 = arith.cmpi ne, %convert_element_type3A_227, %cond3A_228 : i32
    scf.if %cond3A_229 {
      "tpu.region"() ({
        %run_scoped3A = tpu.sem_alloc : memref<!tpu.dma_semaphore, #tpu.memory_space<semaphore_mem>>
        %dma_start3A_343 = arith.constant 0 : i32
        %dma_start3A_344 = tpu.memref_slice %arg6[%add3A_219, %dma_start3A_343] : memref<10000x128xf32, #tpu.memory_space<hbm>> -> memref<48x128xf32, #tpu.memory_space<hbm>>
        %dma_start3A_345 = arith.constant 0 : i32
        %dma_start3A_346 = tpu.memref_slice %arg22[%add3A_219, %dma_start3A_345] : memref<10008x128xf32, #tpu.memory_space<vmem_shared>> -> memref<48x128xf32, #tpu.memory_space<vmem_shared>>
        tpu.enqueue_dma source(%dma_start3A_346 : memref<48x128xf32, #tpu.memory_space<vmem_shared>>) target(%dma_start3A_344 : memref<48x128xf32, #tpu.memory_space<hbm>>) target_semaphore(%run_scoped3A : memref<!tpu.dma_semaphore, #tpu.memory_space<semaphore_mem>>)
        %dma_wait3A_347 = arith.constant 0 : i32
        %dma_wait3A_348 = tpu.memref_slice %arg6[%add3A_219, %dma_wait3A_347] : memref<10000x128xf32, #tpu.memory_space<hbm>> -> memref<48x128xf32, #tpu.memory_space<hbm>>
        %dma_wait3A_349 = arith.constant 0 : i32
        %dma_wait3A_350 = tpu.memref_slice %arg22[%add3A_219, %dma_wait3A_349] : memref<10008x128xf32, #tpu.memory_space<vmem_shared>> -> memref<48x128xf32, #tpu.memory_space<vmem_shared>>
        tpu.wait_dma2 semaphore(%run_scoped3A : memref<!tpu.dma_semaphore, #tpu.memory_space<semaphore_mem>>) src(%dma_wait3A_350 : memref<48x128xf32, #tpu.memory_space<vmem_shared>>) dst(%dma_wait3A_348 : memref<48x128xf32, #tpu.memory_space<hbm>>)
        tpu.yield
      }) : () -> ()
    } else {
    }
    %add3A_230 = arith.constant 192 : i32
    %add3A_231 = arith.addi %mul3A_22, %add3A_230 : i32
    %eq3A_232 = arith.constant 0 : i32
    %eq3A_233 = arith.cmpi eq, %arg0, %eq3A_232 : i32
    %convert_element_type3A_234 = arith.extui %eq3A_233 : i1 to i32
    %cond3A_235 = arith.constant 0 : i32
    %cond3A_236 = arith.cmpi ne, %convert_element_type3A_234, %cond3A_235 : i32
    scf.if %cond3A_236 {
      "tpu.region"() ({
        %run_scoped3A = tpu.sem_alloc : memref<!tpu.dma_semaphore, #tpu.memory_space<semaphore_mem>>
        %dma_start3A_343 = arith.constant 0 : i32
        %dma_start3A_344 = tpu.memref_slice %arg5[%add3A_231, %dma_start3A_343] : memref<10000x128xf32, #tpu.memory_space<hbm>> -> memref<48x128xf32, #tpu.memory_space<hbm>>
        %dma_start3A_345 = arith.constant 0 : i32
        %dma_start3A_346 = tpu.memref_slice %arg22[%add3A_231, %dma_start3A_345] : memref<10008x128xf32, #tpu.memory_space<vmem_shared>> -> memref<48x128xf32, #tpu.memory_space<vmem_shared>>
        tpu.enqueue_dma source(%dma_start3A_346 : memref<48x128xf32, #tpu.memory_space<vmem_shared>>) target(%dma_start3A_344 : memref<48x128xf32, #tpu.memory_space<hbm>>) target_semaphore(%run_scoped3A : memref<!tpu.dma_semaphore, #tpu.memory_space<semaphore_mem>>)
        %dma_wait3A_347 = arith.constant 0 : i32
        %dma_wait3A_348 = tpu.memref_slice %arg5[%add3A_231, %dma_wait3A_347] : memref<10000x128xf32, #tpu.memory_space<hbm>> -> memref<48x128xf32, #tpu.memory_space<hbm>>
        %dma_wait3A_349 = arith.constant 0 : i32
        %dma_wait3A_350 = tpu.memref_slice %arg22[%add3A_231, %dma_wait3A_349] : memref<10008x128xf32, #tpu.memory_space<vmem_shared>> -> memref<48x128xf32, #tpu.memory_space<vmem_shared>>
        tpu.wait_dma2 semaphore(%run_scoped3A : memref<!tpu.dma_semaphore, #tpu.memory_space<semaphore_mem>>) src(%dma_wait3A_350 : memref<48x128xf32, #tpu.memory_space<vmem_shared>>) dst(%dma_wait3A_348 : memref<48x128xf32, #tpu.memory_space<hbm>>)
        tpu.yield
      }) : () -> ()
    } else {
    }
    %eq3A_237 = arith.constant 1 : i32
    %eq3A_238 = arith.cmpi eq, %arg0, %eq3A_237 : i32
    %convert_element_type3A_239 = arith.extui %eq3A_238 : i1 to i32
    %cond3A_240 = arith.constant 0 : i32
    %cond3A_241 = arith.cmpi ne, %convert_element_type3A_239, %cond3A_240 : i32
    scf.if %cond3A_241 {
      "tpu.region"() ({
        %run_scoped3A = tpu.sem_alloc : memref<!tpu.dma_semaphore, #tpu.memory_space<semaphore_mem>>
        %dma_start3A_343 = arith.constant 0 : i32
        %dma_start3A_344 = tpu.memref_slice %arg6[%add3A_231, %dma_start3A_343] : memref<10000x128xf32, #tpu.memory_space<hbm>> -> memref<48x128xf32, #tpu.memory_space<hbm>>
        %dma_start3A_345 = arith.constant 0 : i32
        %dma_start3A_346 = tpu.memref_slice %arg22[%add3A_231, %dma_start3A_345] : memref<10008x128xf32, #tpu.memory_space<vmem_shared>> -> memref<48x128xf32, #tpu.memory_space<vmem_shared>>
        tpu.enqueue_dma source(%dma_start3A_346 : memref<48x128xf32, #tpu.memory_space<vmem_shared>>) target(%dma_start3A_344 : memref<48x128xf32, #tpu.memory_space<hbm>>) target_semaphore(%run_scoped3A : memref<!tpu.dma_semaphore, #tpu.memory_space<semaphore_mem>>)
        %dma_wait3A_347 = arith.constant 0 : i32
        %dma_wait3A_348 = tpu.memref_slice %arg6[%add3A_231, %dma_wait3A_347] : memref<10000x128xf32, #tpu.memory_space<hbm>> -> memref<48x128xf32, #tpu.memory_space<hbm>>
        %dma_wait3A_349 = arith.constant 0 : i32
        %dma_wait3A_350 = tpu.memref_slice %arg22[%add3A_231, %dma_wait3A_349] : memref<10008x128xf32, #tpu.memory_space<vmem_shared>> -> memref<48x128xf32, #tpu.memory_space<vmem_shared>>
        tpu.wait_dma2 semaphore(%run_scoped3A : memref<!tpu.dma_semaphore, #tpu.memory_space<semaphore_mem>>) src(%dma_wait3A_350 : memref<48x128xf32, #tpu.memory_space<vmem_shared>>) dst(%dma_wait3A_348 : memref<48x128xf32, #tpu.memory_space<hbm>>)
        tpu.yield
      }) : () -> ()
    } else {
    }
    %add3A_242 = arith.constant 240 : i32
    %add3A_243 = arith.addi %mul3A_22, %add3A_242 : i32
    %eq3A_244 = arith.constant 0 : i32
    %eq3A_245 = arith.cmpi eq, %arg0, %eq3A_244 : i32
    %convert_element_type3A_246 = arith.extui %eq3A_245 : i1 to i32
    %cond3A_247 = arith.constant 0 : i32
    %cond3A_248 = arith.cmpi ne, %convert_element_type3A_246, %cond3A_247 : i32
    scf.if %cond3A_248 {
      "tpu.region"() ({
        %run_scoped3A = tpu.sem_alloc : memref<!tpu.dma_semaphore, #tpu.memory_space<semaphore_mem>>
        %dma_start3A_343 = arith.constant 0 : i32
        %dma_start3A_344 = tpu.memref_slice %arg5[%add3A_243, %dma_start3A_343] : memref<10000x128xf32, #tpu.memory_space<hbm>> -> memref<48x128xf32, #tpu.memory_space<hbm>>
        %dma_start3A_345 = arith.constant 0 : i32
        %dma_start3A_346 = tpu.memref_slice %arg22[%add3A_243, %dma_start3A_345] : memref<10008x128xf32, #tpu.memory_space<vmem_shared>> -> memref<48x128xf32, #tpu.memory_space<vmem_shared>>
        tpu.enqueue_dma source(%dma_start3A_346 : memref<48x128xf32, #tpu.memory_space<vmem_shared>>) target(%dma_start3A_344 : memref<48x128xf32, #tpu.memory_space<hbm>>) target_semaphore(%run_scoped3A : memref<!tpu.dma_semaphore, #tpu.memory_space<semaphore_mem>>)
        %dma_wait3A_347 = arith.constant 0 : i32
        %dma_wait3A_348 = tpu.memref_slice %arg5[%add3A_243, %dma_wait3A_347] : memref<10000x128xf32, #tpu.memory_space<hbm>> -> memref<48x128xf32, #tpu.memory_space<hbm>>
        %dma_wait3A_349 = arith.constant 0 : i32
        %dma_wait3A_350 = tpu.memref_slice %arg22[%add3A_243, %dma_wait3A_349] : memref<10008x128xf32, #tpu.memory_space<vmem_shared>> -> memref<48x128xf32, #tpu.memory_space<vmem_shared>>
        tpu.wait_dma2 semaphore(%run_scoped3A : memref<!tpu.dma_semaphore, #tpu.memory_space<semaphore_mem>>) src(%dma_wait3A_350 : memref<48x128xf32, #tpu.memory_space<vmem_shared>>) dst(%dma_wait3A_348 : memref<48x128xf32, #tpu.memory_space<hbm>>)
        tpu.yield
      }) : () -> ()
    } else {
    }
    %eq3A_249 = arith.constant 1 : i32
    %eq3A_250 = arith.cmpi eq, %arg0, %eq3A_249 : i32
    %convert_element_type3A_251 = arith.extui %eq3A_250 : i1 to i32
    %cond3A_252 = arith.constant 0 : i32
    %cond3A_253 = arith.cmpi ne, %convert_element_type3A_251, %cond3A_252 : i32
    scf.if %cond3A_253 {
      "tpu.region"() ({
        %run_scoped3A = tpu.sem_alloc : memref<!tpu.dma_semaphore, #tpu.memory_space<semaphore_mem>>
        %dma_start3A_343 = arith.constant 0 : i32
        %dma_start3A_344 = tpu.memref_slice %arg6[%add3A_243, %dma_start3A_343] : memref<10000x128xf32, #tpu.memory_space<hbm>> -> memref<48x128xf32, #tpu.memory_space<hbm>>
        %dma_start3A_345 = arith.constant 0 : i32
        %dma_start3A_346 = tpu.memref_slice %arg22[%add3A_243, %dma_start3A_345] : memref<10008x128xf32, #tpu.memory_space<vmem_shared>> -> memref<48x128xf32, #tpu.memory_space<vmem_shared>>
        tpu.enqueue_dma source(%dma_start3A_346 : memref<48x128xf32, #tpu.memory_space<vmem_shared>>) target(%dma_start3A_344 : memref<48x128xf32, #tpu.memory_space<hbm>>) target_semaphore(%run_scoped3A : memref<!tpu.dma_semaphore, #tpu.memory_space<semaphore_mem>>)
        %dma_wait3A_347 = arith.constant 0 : i32
        %dma_wait3A_348 = tpu.memref_slice %arg6[%add3A_243, %dma_wait3A_347] : memref<10000x128xf32, #tpu.memory_space<hbm>> -> memref<48x128xf32, #tpu.memory_space<hbm>>
        %dma_wait3A_349 = arith.constant 0 : i32
        %dma_wait3A_350 = tpu.memref_slice %arg22[%add3A_243, %dma_wait3A_349] : memref<10008x128xf32, #tpu.memory_space<vmem_shared>> -> memref<48x128xf32, #tpu.memory_space<vmem_shared>>
        tpu.wait_dma2 semaphore(%run_scoped3A : memref<!tpu.dma_semaphore, #tpu.memory_space<semaphore_mem>>) src(%dma_wait3A_350 : memref<48x128xf32, #tpu.memory_space<vmem_shared>>) dst(%dma_wait3A_348 : memref<48x128xf32, #tpu.memory_space<hbm>>)
        tpu.yield
      }) : () -> ()
    } else {
    }
    %add3A_254 = arith.constant 288 : i32
    %add3A_255 = arith.addi %mul3A_22, %add3A_254 : i32
    %eq3A_256 = arith.constant 0 : i32
    %eq3A_257 = arith.cmpi eq, %arg0, %eq3A_256 : i32
    %convert_element_type3A_258 = arith.extui %eq3A_257 : i1 to i32
    %cond3A_259 = arith.constant 0 : i32
    %cond3A_260 = arith.cmpi ne, %convert_element_type3A_258, %cond3A_259 : i32
    scf.if %cond3A_260 {
      "tpu.region"() ({
        %run_scoped3A = tpu.sem_alloc : memref<!tpu.dma_semaphore, #tpu.memory_space<semaphore_mem>>
        %dma_start3A_343 = arith.constant 0 : i32
        %dma_start3A_344 = tpu.memref_slice %arg5[%add3A_255, %dma_start3A_343] : memref<10000x128xf32, #tpu.memory_space<hbm>> -> memref<48x128xf32, #tpu.memory_space<hbm>>
        %dma_start3A_345 = arith.constant 0 : i32
        %dma_start3A_346 = tpu.memref_slice %arg22[%add3A_255, %dma_start3A_345] : memref<10008x128xf32, #tpu.memory_space<vmem_shared>> -> memref<48x128xf32, #tpu.memory_space<vmem_shared>>
        tpu.enqueue_dma source(%dma_start3A_346 : memref<48x128xf32, #tpu.memory_space<vmem_shared>>) target(%dma_start3A_344 : memref<48x128xf32, #tpu.memory_space<hbm>>) target_semaphore(%run_scoped3A : memref<!tpu.dma_semaphore, #tpu.memory_space<semaphore_mem>>)
        %dma_wait3A_347 = arith.constant 0 : i32
        %dma_wait3A_348 = tpu.memref_slice %arg5[%add3A_255, %dma_wait3A_347] : memref<10000x128xf32, #tpu.memory_space<hbm>> -> memref<48x128xf32, #tpu.memory_space<hbm>>
        %dma_wait3A_349 = arith.constant 0 : i32
        %dma_wait3A_350 = tpu.memref_slice %arg22[%add3A_255, %dma_wait3A_349] : memref<10008x128xf32, #tpu.memory_space<vmem_shared>> -> memref<48x128xf32, #tpu.memory_space<vmem_shared>>
        tpu.wait_dma2 semaphore(%run_scoped3A : memref<!tpu.dma_semaphore, #tpu.memory_space<semaphore_mem>>) src(%dma_wait3A_350 : memref<48x128xf32, #tpu.memory_space<vmem_shared>>) dst(%dma_wait3A_348 : memref<48x128xf32, #tpu.memory_space<hbm>>)
        tpu.yield
      }) : () -> ()
    } else {
    }
    %eq3A_261 = arith.constant 1 : i32
    %eq3A_262 = arith.cmpi eq, %arg0, %eq3A_261 : i32
    %convert_element_type3A_263 = arith.extui %eq3A_262 : i1 to i32
    %cond3A_264 = arith.constant 0 : i32
    %cond3A_265 = arith.cmpi ne, %convert_element_type3A_263, %cond3A_264 : i32
    scf.if %cond3A_265 {
      "tpu.region"() ({
        %run_scoped3A = tpu.sem_alloc : memref<!tpu.dma_semaphore, #tpu.memory_space<semaphore_mem>>
        %dma_start3A_343 = arith.constant 0 : i32
        %dma_start3A_344 = tpu.memref_slice %arg6[%add3A_255, %dma_start3A_343] : memref<10000x128xf32, #tpu.memory_space<hbm>> -> memref<48x128xf32, #tpu.memory_space<hbm>>
        %dma_start3A_345 = arith.constant 0 : i32
        %dma_start3A_346 = tpu.memref_slice %arg22[%add3A_255, %dma_start3A_345] : memref<10008x128xf32, #tpu.memory_space<vmem_shared>> -> memref<48x128xf32, #tpu.memory_space<vmem_shared>>
        tpu.enqueue_dma source(%dma_start3A_346 : memref<48x128xf32, #tpu.memory_space<vmem_shared>>) target(%dma_start3A_344 : memref<48x128xf32, #tpu.memory_space<hbm>>) target_semaphore(%run_scoped3A : memref<!tpu.dma_semaphore, #tpu.memory_space<semaphore_mem>>)
        %dma_wait3A_347 = arith.constant 0 : i32
        %dma_wait3A_348 = tpu.memref_slice %arg6[%add3A_255, %dma_wait3A_347] : memref<10000x128xf32, #tpu.memory_space<hbm>> -> memref<48x128xf32, #tpu.memory_space<hbm>>
        %dma_wait3A_349 = arith.constant 0 : i32
        %dma_wait3A_350 = tpu.memref_slice %arg22[%add3A_255, %dma_wait3A_349] : memref<10008x128xf32, #tpu.memory_space<vmem_shared>> -> memref<48x128xf32, #tpu.memory_space<vmem_shared>>
        tpu.wait_dma2 semaphore(%run_scoped3A : memref<!tpu.dma_semaphore, #tpu.memory_space<semaphore_mem>>) src(%dma_wait3A_350 : memref<48x128xf32, #tpu.memory_space<vmem_shared>>) dst(%dma_wait3A_348 : memref<48x128xf32, #tpu.memory_space<hbm>>)
        tpu.yield
      }) : () -> ()
    } else {
    }
    %add3A_266 = arith.constant 336 : i32
    %add3A_267 = arith.addi %mul3A_22, %add3A_266 : i32
    %eq3A_268 = arith.constant 0 : i32
    %eq3A_269 = arith.cmpi eq, %arg0, %eq3A_268 : i32
    %convert_element_type3A_270 = arith.extui %eq3A_269 : i1 to i32
    %cond3A_271 = arith.constant 0 : i32
    %cond3A_272 = arith.cmpi ne, %convert_element_type3A_270, %cond3A_271 : i32
    scf.if %cond3A_272 {
      "tpu.region"() ({
        %run_scoped3A = tpu.sem_alloc : memref<!tpu.dma_semaphore, #tpu.memory_space<semaphore_mem>>
        %dma_start3A_343 = arith.constant 0 : i32
        %dma_start3A_344 = tpu.memref_slice %arg5[%add3A_267, %dma_start3A_343] : memref<10000x128xf32, #tpu.memory_space<hbm>> -> memref<48x128xf32, #tpu.memory_space<hbm>>
        %dma_start3A_345 = arith.constant 0 : i32
        %dma_start3A_346 = tpu.memref_slice %arg22[%add3A_267, %dma_start3A_345] : memref<10008x128xf32, #tpu.memory_space<vmem_shared>> -> memref<48x128xf32, #tpu.memory_space<vmem_shared>>
        tpu.enqueue_dma source(%dma_start3A_346 : memref<48x128xf32, #tpu.memory_space<vmem_shared>>) target(%dma_start3A_344 : memref<48x128xf32, #tpu.memory_space<hbm>>) target_semaphore(%run_scoped3A : memref<!tpu.dma_semaphore, #tpu.memory_space<semaphore_mem>>)
        %dma_wait3A_347 = arith.constant 0 : i32
        %dma_wait3A_348 = tpu.memref_slice %arg5[%add3A_267, %dma_wait3A_347] : memref<10000x128xf32, #tpu.memory_space<hbm>> -> memref<48x128xf32, #tpu.memory_space<hbm>>
        %dma_wait3A_349 = arith.constant 0 : i32
        %dma_wait3A_350 = tpu.memref_slice %arg22[%add3A_267, %dma_wait3A_349] : memref<10008x128xf32, #tpu.memory_space<vmem_shared>> -> memref<48x128xf32, #tpu.memory_space<vmem_shared>>
        tpu.wait_dma2 semaphore(%run_scoped3A : memref<!tpu.dma_semaphore, #tpu.memory_space<semaphore_mem>>) src(%dma_wait3A_350 : memref<48x128xf32, #tpu.memory_space<vmem_shared>>) dst(%dma_wait3A_348 : memref<48x128xf32, #tpu.memory_space<hbm>>)
        tpu.yield
      }) : () -> ()
    } else {
    }
    %eq3A_273 = arith.constant 1 : i32
    %eq3A_274 = arith.cmpi eq, %arg0, %eq3A_273 : i32
    %convert_element_type3A_275 = arith.extui %eq3A_274 : i1 to i32
    %cond3A_276 = arith.constant 0 : i32
    %cond3A_277 = arith.cmpi ne, %convert_element_type3A_275, %cond3A_276 : i32
    scf.if %cond3A_277 {
      "tpu.region"() ({
        %run_scoped3A = tpu.sem_alloc : memref<!tpu.dma_semaphore, #tpu.memory_space<semaphore_mem>>
        %dma_start3A_343 = arith.constant 0 : i32
        %dma_start3A_344 = tpu.memref_slice %arg6[%add3A_267, %dma_start3A_343] : memref<10000x128xf32, #tpu.memory_space<hbm>> -> memref<48x128xf32, #tpu.memory_space<hbm>>
        %dma_start3A_345 = arith.constant 0 : i32
        %dma_start3A_346 = tpu.memref_slice %arg22[%add3A_267, %dma_start3A_345] : memref<10008x128xf32, #tpu.memory_space<vmem_shared>> -> memref<48x128xf32, #tpu.memory_space<vmem_shared>>
        tpu.enqueue_dma source(%dma_start3A_346 : memref<48x128xf32, #tpu.memory_space<vmem_shared>>) target(%dma_start3A_344 : memref<48x128xf32, #tpu.memory_space<hbm>>) target_semaphore(%run_scoped3A : memref<!tpu.dma_semaphore, #tpu.memory_space<semaphore_mem>>)
        %dma_wait3A_347 = arith.constant 0 : i32
        %dma_wait3A_348 = tpu.memref_slice %arg6[%add3A_267, %dma_wait3A_347] : memref<10000x128xf32, #tpu.memory_space<hbm>> -> memref<48x128xf32, #tpu.memory_space<hbm>>
        %dma_wait3A_349 = arith.constant 0 : i32
        %dma_wait3A_350 = tpu.memref_slice %arg22[%add3A_267, %dma_wait3A_349] : memref<10008x128xf32, #tpu.memory_space<vmem_shared>> -> memref<48x128xf32, #tpu.memory_space<vmem_shared>>
        tpu.wait_dma2 semaphore(%run_scoped3A : memref<!tpu.dma_semaphore, #tpu.memory_space<semaphore_mem>>) src(%dma_wait3A_350 : memref<48x128xf32, #tpu.memory_space<vmem_shared>>) dst(%dma_wait3A_348 : memref<48x128xf32, #tpu.memory_space<hbm>>)
        tpu.yield
      }) : () -> ()
    } else {
    }
    %add3A_278 = arith.constant 384 : i32
    %add3A_279 = arith.addi %mul3A_22, %add3A_278 : i32
    %eq3A_280 = arith.constant 0 : i32
    %eq3A_281 = arith.cmpi eq, %arg0, %eq3A_280 : i32
    %convert_element_type3A_282 = arith.extui %eq3A_281 : i1 to i32
    %cond3A_283 = arith.constant 0 : i32
    %cond3A_284 = arith.cmpi ne, %convert_element_type3A_282, %cond3A_283 : i32
    scf.if %cond3A_284 {
      "tpu.region"() ({
        %run_scoped3A = tpu.sem_alloc : memref<!tpu.dma_semaphore, #tpu.memory_space<semaphore_mem>>
        %dma_start3A_343 = arith.constant 0 : i32
        %dma_start3A_344 = tpu.memref_slice %arg5[%add3A_279, %dma_start3A_343] : memref<10000x128xf32, #tpu.memory_space<hbm>> -> memref<48x128xf32, #tpu.memory_space<hbm>>
        %dma_start3A_345 = arith.constant 0 : i32
        %dma_start3A_346 = tpu.memref_slice %arg22[%add3A_279, %dma_start3A_345] : memref<10008x128xf32, #tpu.memory_space<vmem_shared>> -> memref<48x128xf32, #tpu.memory_space<vmem_shared>>
        tpu.enqueue_dma source(%dma_start3A_346 : memref<48x128xf32, #tpu.memory_space<vmem_shared>>) target(%dma_start3A_344 : memref<48x128xf32, #tpu.memory_space<hbm>>) target_semaphore(%run_scoped3A : memref<!tpu.dma_semaphore, #tpu.memory_space<semaphore_mem>>)
        %dma_wait3A_347 = arith.constant 0 : i32
        %dma_wait3A_348 = tpu.memref_slice %arg5[%add3A_279, %dma_wait3A_347] : memref<10000x128xf32, #tpu.memory_space<hbm>> -> memref<48x128xf32, #tpu.memory_space<hbm>>
        %dma_wait3A_349 = arith.constant 0 : i32
        %dma_wait3A_350 = tpu.memref_slice %arg22[%add3A_279, %dma_wait3A_349] : memref<10008x128xf32, #tpu.memory_space<vmem_shared>> -> memref<48x128xf32, #tpu.memory_space<vmem_shared>>
        tpu.wait_dma2 semaphore(%run_scoped3A : memref<!tpu.dma_semaphore, #tpu.memory_space<semaphore_mem>>) src(%dma_wait3A_350 : memref<48x128xf32, #tpu.memory_space<vmem_shared>>) dst(%dma_wait3A_348 : memref<48x128xf32, #tpu.memory_space<hbm>>)
        tpu.yield
      }) : () -> ()
    } else {
    }
    %eq3A_285 = arith.constant 1 : i32
    %eq3A_286 = arith.cmpi eq, %arg0, %eq3A_285 : i32
    %convert_element_type3A_287 = arith.extui %eq3A_286 : i1 to i32
    %cond3A_288 = arith.constant 0 : i32
    %cond3A_289 = arith.cmpi ne, %convert_element_type3A_287, %cond3A_288 : i32
    scf.if %cond3A_289 {
      "tpu.region"() ({
        %run_scoped3A = tpu.sem_alloc : memref<!tpu.dma_semaphore, #tpu.memory_space<semaphore_mem>>
        %dma_start3A_343 = arith.constant 0 : i32
        %dma_start3A_344 = tpu.memref_slice %arg6[%add3A_279, %dma_start3A_343] : memref<10000x128xf32, #tpu.memory_space<hbm>> -> memref<48x128xf32, #tpu.memory_space<hbm>>
        %dma_start3A_345 = arith.constant 0 : i32
        %dma_start3A_346 = tpu.memref_slice %arg22[%add3A_279, %dma_start3A_345] : memref<10008x128xf32, #tpu.memory_space<vmem_shared>> -> memref<48x128xf32, #tpu.memory_space<vmem_shared>>
        tpu.enqueue_dma source(%dma_start3A_346 : memref<48x128xf32, #tpu.memory_space<vmem_shared>>) target(%dma_start3A_344 : memref<48x128xf32, #tpu.memory_space<hbm>>) target_semaphore(%run_scoped3A : memref<!tpu.dma_semaphore, #tpu.memory_space<semaphore_mem>>)
        %dma_wait3A_347 = arith.constant 0 : i32
        %dma_wait3A_348 = tpu.memref_slice %arg6[%add3A_279, %dma_wait3A_347] : memref<10000x128xf32, #tpu.memory_space<hbm>> -> memref<48x128xf32, #tpu.memory_space<hbm>>
        %dma_wait3A_349 = arith.constant 0 : i32
        %dma_wait3A_350 = tpu.memref_slice %arg22[%add3A_279, %dma_wait3A_349] : memref<10008x128xf32, #tpu.memory_space<vmem_shared>> -> memref<48x128xf32, #tpu.memory_space<vmem_shared>>
        tpu.wait_dma2 semaphore(%run_scoped3A : memref<!tpu.dma_semaphore, #tpu.memory_space<semaphore_mem>>) src(%dma_wait3A_350 : memref<48x128xf32, #tpu.memory_space<vmem_shared>>) dst(%dma_wait3A_348 : memref<48x128xf32, #tpu.memory_space<hbm>>)
        tpu.yield
      }) : () -> ()
    } else {
    }
    %add3A_290 = arith.constant 432 : i32
    %add3A_291 = arith.addi %mul3A_22, %add3A_290 : i32
    %eq3A_292 = arith.constant 0 : i32
    %eq3A_293 = arith.cmpi eq, %arg0, %eq3A_292 : i32
    %convert_element_type3A_294 = arith.extui %eq3A_293 : i1 to i32
    %cond3A_295 = arith.constant 0 : i32
    %cond3A_296 = arith.cmpi ne, %convert_element_type3A_294, %cond3A_295 : i32
    scf.if %cond3A_296 {
      "tpu.region"() ({
        %run_scoped3A = tpu.sem_alloc : memref<!tpu.dma_semaphore, #tpu.memory_space<semaphore_mem>>
        %dma_start3A_343 = arith.constant 0 : i32
        %dma_start3A_344 = tpu.memref_slice %arg5[%add3A_291, %dma_start3A_343] : memref<10000x128xf32, #tpu.memory_space<hbm>> -> memref<48x128xf32, #tpu.memory_space<hbm>>
        %dma_start3A_345 = arith.constant 0 : i32
        %dma_start3A_346 = tpu.memref_slice %arg22[%add3A_291, %dma_start3A_345] : memref<10008x128xf32, #tpu.memory_space<vmem_shared>> -> memref<48x128xf32, #tpu.memory_space<vmem_shared>>
        tpu.enqueue_dma source(%dma_start3A_346 : memref<48x128xf32, #tpu.memory_space<vmem_shared>>) target(%dma_start3A_344 : memref<48x128xf32, #tpu.memory_space<hbm>>) target_semaphore(%run_scoped3A : memref<!tpu.dma_semaphore, #tpu.memory_space<semaphore_mem>>)
        %dma_wait3A_347 = arith.constant 0 : i32
        %dma_wait3A_348 = tpu.memref_slice %arg5[%add3A_291, %dma_wait3A_347] : memref<10000x128xf32, #tpu.memory_space<hbm>> -> memref<48x128xf32, #tpu.memory_space<hbm>>
        %dma_wait3A_349 = arith.constant 0 : i32
        %dma_wait3A_350 = tpu.memref_slice %arg22[%add3A_291, %dma_wait3A_349] : memref<10008x128xf32, #tpu.memory_space<vmem_shared>> -> memref<48x128xf32, #tpu.memory_space<vmem_shared>>
        tpu.wait_dma2 semaphore(%run_scoped3A : memref<!tpu.dma_semaphore, #tpu.memory_space<semaphore_mem>>) src(%dma_wait3A_350 : memref<48x128xf32, #tpu.memory_space<vmem_shared>>) dst(%dma_wait3A_348 : memref<48x128xf32, #tpu.memory_space<hbm>>)
        tpu.yield
      }) : () -> ()
    } else {
    }
    %eq3A_297 = arith.constant 1 : i32
    %eq3A_298 = arith.cmpi eq, %arg0, %eq3A_297 : i32
    %convert_element_type3A_299 = arith.extui %eq3A_298 : i1 to i32
    %cond3A_300 = arith.constant 0 : i32
    %cond3A_301 = arith.cmpi ne, %convert_element_type3A_299, %cond3A_300 : i32
    scf.if %cond3A_301 {
      "tpu.region"() ({
        %run_scoped3A = tpu.sem_alloc : memref<!tpu.dma_semaphore, #tpu.memory_space<semaphore_mem>>
        %dma_start3A_343 = arith.constant 0 : i32
        %dma_start3A_344 = tpu.memref_slice %arg6[%add3A_291, %dma_start3A_343] : memref<10000x128xf32, #tpu.memory_space<hbm>> -> memref<48x128xf32, #tpu.memory_space<hbm>>
        %dma_start3A_345 = arith.constant 0 : i32
        %dma_start3A_346 = tpu.memref_slice %arg22[%add3A_291, %dma_start3A_345] : memref<10008x128xf32, #tpu.memory_space<vmem_shared>> -> memref<48x128xf32, #tpu.memory_space<vmem_shared>>
        tpu.enqueue_dma source(%dma_start3A_346 : memref<48x128xf32, #tpu.memory_space<vmem_shared>>) target(%dma_start3A_344 : memref<48x128xf32, #tpu.memory_space<hbm>>) target_semaphore(%run_scoped3A : memref<!tpu.dma_semaphore, #tpu.memory_space<semaphore_mem>>)
        %dma_wait3A_347 = arith.constant 0 : i32
        %dma_wait3A_348 = tpu.memref_slice %arg6[%add3A_291, %dma_wait3A_347] : memref<10000x128xf32, #tpu.memory_space<hbm>> -> memref<48x128xf32, #tpu.memory_space<hbm>>
        %dma_wait3A_349 = arith.constant 0 : i32
        %dma_wait3A_350 = tpu.memref_slice %arg22[%add3A_291, %dma_wait3A_349] : memref<10008x128xf32, #tpu.memory_space<vmem_shared>> -> memref<48x128xf32, #tpu.memory_space<vmem_shared>>
        tpu.wait_dma2 semaphore(%run_scoped3A : memref<!tpu.dma_semaphore, #tpu.memory_space<semaphore_mem>>) src(%dma_wait3A_350 : memref<48x128xf32, #tpu.memory_space<vmem_shared>>) dst(%dma_wait3A_348 : memref<48x128xf32, #tpu.memory_space<hbm>>)
        tpu.yield
      }) : () -> ()
    } else {
    }
    %add3A_302 = arith.constant 480 : i32
    %add3A_303 = arith.addi %mul3A_22, %add3A_302 : i32
    %eq3A_304 = arith.constant 0 : i32
    %eq3A_305 = arith.cmpi eq, %arg0, %eq3A_304 : i32
    %convert_element_type3A_306 = arith.extui %eq3A_305 : i1 to i32
    %cond3A_307 = arith.constant 0 : i32
    %cond3A_308 = arith.cmpi ne, %convert_element_type3A_306, %cond3A_307 : i32
    scf.if %cond3A_308 {
      "tpu.region"() ({
        %run_scoped3A = tpu.sem_alloc : memref<!tpu.dma_semaphore, #tpu.memory_space<semaphore_mem>>
        %dma_start3A_343 = arith.constant 0 : i32
        %dma_start3A_344 = tpu.memref_slice %arg5[%add3A_303, %dma_start3A_343] : memref<10000x128xf32, #tpu.memory_space<hbm>> -> memref<48x128xf32, #tpu.memory_space<hbm>>
        %dma_start3A_345 = arith.constant 0 : i32
        %dma_start3A_346 = tpu.memref_slice %arg22[%add3A_303, %dma_start3A_345] : memref<10008x128xf32, #tpu.memory_space<vmem_shared>> -> memref<48x128xf32, #tpu.memory_space<vmem_shared>>
        tpu.enqueue_dma source(%dma_start3A_346 : memref<48x128xf32, #tpu.memory_space<vmem_shared>>) target(%dma_start3A_344 : memref<48x128xf32, #tpu.memory_space<hbm>>) target_semaphore(%run_scoped3A : memref<!tpu.dma_semaphore, #tpu.memory_space<semaphore_mem>>)
        %dma_wait3A_347 = arith.constant 0 : i32
        %dma_wait3A_348 = tpu.memref_slice %arg5[%add3A_303, %dma_wait3A_347] : memref<10000x128xf32, #tpu.memory_space<hbm>> -> memref<48x128xf32, #tpu.memory_space<hbm>>
        %dma_wait3A_349 = arith.constant 0 : i32
        %dma_wait3A_350 = tpu.memref_slice %arg22[%add3A_303, %dma_wait3A_349] : memref<10008x128xf32, #tpu.memory_space<vmem_shared>> -> memref<48x128xf32, #tpu.memory_space<vmem_shared>>
        tpu.wait_dma2 semaphore(%run_scoped3A : memref<!tpu.dma_semaphore, #tpu.memory_space<semaphore_mem>>) src(%dma_wait3A_350 : memref<48x128xf32, #tpu.memory_space<vmem_shared>>) dst(%dma_wait3A_348 : memref<48x128xf32, #tpu.memory_space<hbm>>)
        tpu.yield
      }) : () -> ()
    } else {
    }
    %eq3A_309 = arith.constant 1 : i32
    %eq3A_310 = arith.cmpi eq, %arg0, %eq3A_309 : i32
    %convert_element_type3A_311 = arith.extui %eq3A_310 : i1 to i32
    %cond3A_312 = arith.constant 0 : i32
    %cond3A_313 = arith.cmpi ne, %convert_element_type3A_311, %cond3A_312 : i32
    scf.if %cond3A_313 {
      "tpu.region"() ({
        %run_scoped3A = tpu.sem_alloc : memref<!tpu.dma_semaphore, #tpu.memory_space<semaphore_mem>>
        %dma_start3A_343 = arith.constant 0 : i32
        %dma_start3A_344 = tpu.memref_slice %arg6[%add3A_303, %dma_start3A_343] : memref<10000x128xf32, #tpu.memory_space<hbm>> -> memref<48x128xf32, #tpu.memory_space<hbm>>
        %dma_start3A_345 = arith.constant 0 : i32
        %dma_start3A_346 = tpu.memref_slice %arg22[%add3A_303, %dma_start3A_345] : memref<10008x128xf32, #tpu.memory_space<vmem_shared>> -> memref<48x128xf32, #tpu.memory_space<vmem_shared>>
        tpu.enqueue_dma source(%dma_start3A_346 : memref<48x128xf32, #tpu.memory_space<vmem_shared>>) target(%dma_start3A_344 : memref<48x128xf32, #tpu.memory_space<hbm>>) target_semaphore(%run_scoped3A : memref<!tpu.dma_semaphore, #tpu.memory_space<semaphore_mem>>)
        %dma_wait3A_347 = arith.constant 0 : i32
        %dma_wait3A_348 = tpu.memref_slice %arg6[%add3A_303, %dma_wait3A_347] : memref<10000x128xf32, #tpu.memory_space<hbm>> -> memref<48x128xf32, #tpu.memory_space<hbm>>
        %dma_wait3A_349 = arith.constant 0 : i32
        %dma_wait3A_350 = tpu.memref_slice %arg22[%add3A_303, %dma_wait3A_349] : memref<10008x128xf32, #tpu.memory_space<vmem_shared>> -> memref<48x128xf32, #tpu.memory_space<vmem_shared>>
        tpu.wait_dma2 semaphore(%run_scoped3A : memref<!tpu.dma_semaphore, #tpu.memory_space<semaphore_mem>>) src(%dma_wait3A_350 : memref<48x128xf32, #tpu.memory_space<vmem_shared>>) dst(%dma_wait3A_348 : memref<48x128xf32, #tpu.memory_space<hbm>>)
        tpu.yield
      }) : () -> ()
    } else {
    }
    %add3A_314 = arith.constant 528 : i32
    %add3A_315 = arith.addi %mul3A_22, %add3A_314 : i32
    %eq3A_316 = arith.constant 0 : i32
    %eq3A_317 = arith.cmpi eq, %arg0, %eq3A_316 : i32
    %convert_element_type3A_318 = arith.extui %eq3A_317 : i1 to i32
    %cond3A_319 = arith.constant 0 : i32
    %cond3A_320 = arith.cmpi ne, %convert_element_type3A_318, %cond3A_319 : i32
    scf.if %cond3A_320 {
      "tpu.region"() ({
        %run_scoped3A = tpu.sem_alloc : memref<!tpu.dma_semaphore, #tpu.memory_space<semaphore_mem>>
        %dma_start3A_343 = arith.constant 0 : i32
        %dma_start3A_344 = tpu.memref_slice %arg5[%add3A_315, %dma_start3A_343] : memref<10000x128xf32, #tpu.memory_space<hbm>> -> memref<48x128xf32, #tpu.memory_space<hbm>>
        %dma_start3A_345 = arith.constant 0 : i32
        %dma_start3A_346 = tpu.memref_slice %arg22[%add3A_315, %dma_start3A_345] : memref<10008x128xf32, #tpu.memory_space<vmem_shared>> -> memref<48x128xf32, #tpu.memory_space<vmem_shared>>
        tpu.enqueue_dma source(%dma_start3A_346 : memref<48x128xf32, #tpu.memory_space<vmem_shared>>) target(%dma_start3A_344 : memref<48x128xf32, #tpu.memory_space<hbm>>) target_semaphore(%run_scoped3A : memref<!tpu.dma_semaphore, #tpu.memory_space<semaphore_mem>>)
        %dma_wait3A_347 = arith.constant 0 : i32
        %dma_wait3A_348 = tpu.memref_slice %arg5[%add3A_315, %dma_wait3A_347] : memref<10000x128xf32, #tpu.memory_space<hbm>> -> memref<48x128xf32, #tpu.memory_space<hbm>>
        %dma_wait3A_349 = arith.constant 0 : i32
        %dma_wait3A_350 = tpu.memref_slice %arg22[%add3A_315, %dma_wait3A_349] : memref<10008x128xf32, #tpu.memory_space<vmem_shared>> -> memref<48x128xf32, #tpu.memory_space<vmem_shared>>
        tpu.wait_dma2 semaphore(%run_scoped3A : memref<!tpu.dma_semaphore, #tpu.memory_space<semaphore_mem>>) src(%dma_wait3A_350 : memref<48x128xf32, #tpu.memory_space<vmem_shared>>) dst(%dma_wait3A_348 : memref<48x128xf32, #tpu.memory_space<hbm>>)
        tpu.yield
      }) : () -> ()
    } else {
    }
    %eq3A_321 = arith.constant 1 : i32
    %eq3A_322 = arith.cmpi eq, %arg0, %eq3A_321 : i32
    %convert_element_type3A_323 = arith.extui %eq3A_322 : i1 to i32
    %cond3A_324 = arith.constant 0 : i32
    %cond3A_325 = arith.cmpi ne, %convert_element_type3A_323, %cond3A_324 : i32
    scf.if %cond3A_325 {
      "tpu.region"() ({
        %run_scoped3A = tpu.sem_alloc : memref<!tpu.dma_semaphore, #tpu.memory_space<semaphore_mem>>
        %dma_start3A_343 = arith.constant 0 : i32
        %dma_start3A_344 = tpu.memref_slice %arg6[%add3A_315, %dma_start3A_343] : memref<10000x128xf32, #tpu.memory_space<hbm>> -> memref<48x128xf32, #tpu.memory_space<hbm>>
        %dma_start3A_345 = arith.constant 0 : i32
        %dma_start3A_346 = tpu.memref_slice %arg22[%add3A_315, %dma_start3A_345] : memref<10008x128xf32, #tpu.memory_space<vmem_shared>> -> memref<48x128xf32, #tpu.memory_space<vmem_shared>>
        tpu.enqueue_dma source(%dma_start3A_346 : memref<48x128xf32, #tpu.memory_space<vmem_shared>>) target(%dma_start3A_344 : memref<48x128xf32, #tpu.memory_space<hbm>>) target_semaphore(%run_scoped3A : memref<!tpu.dma_semaphore, #tpu.memory_space<semaphore_mem>>)
        %dma_wait3A_347 = arith.constant 0 : i32
        %dma_wait3A_348 = tpu.memref_slice %arg6[%add3A_315, %dma_wait3A_347] : memref<10000x128xf32, #tpu.memory_space<hbm>> -> memref<48x128xf32, #tpu.memory_space<hbm>>
        %dma_wait3A_349 = arith.constant 0 : i32
        %dma_wait3A_350 = tpu.memref_slice %arg22[%add3A_315, %dma_wait3A_349] : memref<10008x128xf32, #tpu.memory_space<vmem_shared>> -> memref<48x128xf32, #tpu.memory_space<vmem_shared>>
        tpu.wait_dma2 semaphore(%run_scoped3A : memref<!tpu.dma_semaphore, #tpu.memory_space<semaphore_mem>>) src(%dma_wait3A_350 : memref<48x128xf32, #tpu.memory_space<vmem_shared>>) dst(%dma_wait3A_348 : memref<48x128xf32, #tpu.memory_space<hbm>>)
        tpu.yield
      }) : () -> ()
    } else {
    }
    %add3A_326 = arith.constant 576 : i32
    %add3A_327 = arith.addi %mul3A_22, %add3A_326 : i32
    %eq3A_328 = arith.constant 0 : i32
    %eq3A_329 = arith.cmpi eq, %arg0, %eq3A_328 : i32
    %convert_element_type3A_330 = arith.extui %eq3A_329 : i1 to i32
    %cond3A_331 = arith.constant 0 : i32
    %cond3A_332 = arith.cmpi ne, %convert_element_type3A_330, %cond3A_331 : i32
    scf.if %cond3A_332 {
      "tpu.region"() ({
        %run_scoped3A = tpu.sem_alloc : memref<!tpu.dma_semaphore, #tpu.memory_space<semaphore_mem>>
        %dma_start3A_343 = arith.constant 0 : i32
        %dma_start3A_344 = tpu.memref_slice %arg5[%add3A_327, %dma_start3A_343] : memref<10000x128xf32, #tpu.memory_space<hbm>> -> memref<48x128xf32, #tpu.memory_space<hbm>>
        %dma_start3A_345 = arith.constant 0 : i32
        %dma_start3A_346 = tpu.memref_slice %arg22[%add3A_327, %dma_start3A_345] : memref<10008x128xf32, #tpu.memory_space<vmem_shared>> -> memref<48x128xf32, #tpu.memory_space<vmem_shared>>
        tpu.enqueue_dma source(%dma_start3A_346 : memref<48x128xf32, #tpu.memory_space<vmem_shared>>) target(%dma_start3A_344 : memref<48x128xf32, #tpu.memory_space<hbm>>) target_semaphore(%run_scoped3A : memref<!tpu.dma_semaphore, #tpu.memory_space<semaphore_mem>>)
        %dma_wait3A_347 = arith.constant 0 : i32
        %dma_wait3A_348 = tpu.memref_slice %arg5[%add3A_327, %dma_wait3A_347] : memref<10000x128xf32, #tpu.memory_space<hbm>> -> memref<48x128xf32, #tpu.memory_space<hbm>>
        %dma_wait3A_349 = arith.constant 0 : i32
        %dma_wait3A_350 = tpu.memref_slice %arg22[%add3A_327, %dma_wait3A_349] : memref<10008x128xf32, #tpu.memory_space<vmem_shared>> -> memref<48x128xf32, #tpu.memory_space<vmem_shared>>
        tpu.wait_dma2 semaphore(%run_scoped3A : memref<!tpu.dma_semaphore, #tpu.memory_space<semaphore_mem>>) src(%dma_wait3A_350 : memref<48x128xf32, #tpu.memory_space<vmem_shared>>) dst(%dma_wait3A_348 : memref<48x128xf32, #tpu.memory_space<hbm>>)
        tpu.yield
      }) : () -> ()
    } else {
    }
    %eq3A_333 = arith.constant 1 : i32
    %eq3A_334 = arith.cmpi eq, %arg0, %eq3A_333 : i32
    %convert_element_type3A_335 = arith.extui %eq3A_334 : i1 to i32
    %cond3A_336 = arith.constant 0 : i32
    %cond3A_337 = arith.cmpi ne, %convert_element_type3A_335, %cond3A_336 : i32
    scf.if %cond3A_337 {
      "tpu.region"() ({
        %run_scoped3A = tpu.sem_alloc : memref<!tpu.dma_semaphore, #tpu.memory_space<semaphore_mem>>
        %dma_start3A_343 = arith.constant 0 : i32
        %dma_start3A_344 = tpu.memref_slice %arg6[%add3A_327, %dma_start3A_343] : memref<10000x128xf32, #tpu.memory_space<hbm>> -> memref<48x128xf32, #tpu.memory_space<hbm>>
        %dma_start3A_345 = arith.constant 0 : i32
        %dma_start3A_346 = tpu.memref_slice %arg22[%add3A_327, %dma_start3A_345] : memref<10008x128xf32, #tpu.memory_space<vmem_shared>> -> memref<48x128xf32, #tpu.memory_space<vmem_shared>>
        tpu.enqueue_dma source(%dma_start3A_346 : memref<48x128xf32, #tpu.memory_space<vmem_shared>>) target(%dma_start3A_344 : memref<48x128xf32, #tpu.memory_space<hbm>>) target_semaphore(%run_scoped3A : memref<!tpu.dma_semaphore, #tpu.memory_space<semaphore_mem>>)
        %dma_wait3A_347 = arith.constant 0 : i32
        %dma_wait3A_348 = tpu.memref_slice %arg6[%add3A_327, %dma_wait3A_347] : memref<10000x128xf32, #tpu.memory_space<hbm>> -> memref<48x128xf32, #tpu.memory_space<hbm>>
        %dma_wait3A_349 = arith.constant 0 : i32
        %dma_wait3A_350 = tpu.memref_slice %arg22[%add3A_327, %dma_wait3A_349] : memref<10008x128xf32, #tpu.memory_space<vmem_shared>> -> memref<48x128xf32, #tpu.memory_space<vmem_shared>>
        tpu.wait_dma2 semaphore(%run_scoped3A : memref<!tpu.dma_semaphore, #tpu.memory_space<semaphore_mem>>) src(%dma_wait3A_350 : memref<48x128xf32, #tpu.memory_space<vmem_shared>>) dst(%dma_wait3A_348 : memref<48x128xf32, #tpu.memory_space<hbm>>)
        tpu.yield
      }) : () -> ()
    } else {
    }
    %eq3A_338 = arith.constant 0 : i32
    %eq3A_339 = arith.cmpi eq, %arg1, %eq3A_338 : i32
    %convert_element_type3A_340 = arith.extui %eq3A_339 : i1 to i32
    %cond3A_341 = arith.constant 0 : i32
    %cond3A_342 = arith.cmpi ne, %convert_element_type3A_340, %cond3A_341 : i32
    scf.if %cond3A_342 {
      %eq3A_343 = arith.constant 0 : i32
      %eq3A_344 = arith.cmpi eq, %arg0, %eq3A_343 : i32
      %convert_element_type3A_345 = arith.extui %eq3A_344 : i1 to i32
      %cond3A_346 = arith.constant 0 : i32
      %cond3A_347 = arith.cmpi ne, %convert_element_type3A_345, %cond3A_346 : i32
      scf.if %cond3A_347 {
        "tpu.region"() ({
          %run_scoped3A = tpu.sem_alloc : memref<!tpu.dma_semaphore, #tpu.memory_space<semaphore_mem>>
          %dma_start3A_353 = arith.constant 9984 : i32
          %dma_start3A_354 = arith.constant 0 : i32
          %dma_start3A_355 = tpu.memref_slice %arg5[%dma_start3A_353, %dma_start3A_354] : memref<10000x128xf32, #tpu.memory_space<hbm>> -> memref<16x128xf32, #tpu.memory_space<hbm>>
          %dma_start3A_356 = arith.constant 9984 : i32
          %dma_start3A_357 = arith.constant 0 : i32
          %dma_start3A_358 = tpu.memref_slice %arg22[%dma_start3A_356, %dma_start3A_357] : memref<10008x128xf32, #tpu.memory_space<vmem_shared>> -> memref<16x128xf32, #tpu.memory_space<vmem_shared>>
          tpu.enqueue_dma source(%dma_start3A_358 : memref<16x128xf32, #tpu.memory_space<vmem_shared>>) target(%dma_start3A_355 : memref<16x128xf32, #tpu.memory_space<hbm>>) target_semaphore(%run_scoped3A : memref<!tpu.dma_semaphore, #tpu.memory_space<semaphore_mem>>)
          %dma_wait3A_359 = arith.constant 9984 : i32
          %dma_wait3A_360 = arith.constant 0 : i32
          %dma_wait3A_361 = tpu.memref_slice %arg5[%dma_wait3A_359, %dma_wait3A_360] : memref<10000x128xf32, #tpu.memory_space<hbm>> -> memref<16x128xf32, #tpu.memory_space<hbm>>
          %dma_wait3A_362 = arith.constant 9984 : i32
          %dma_wait3A_363 = arith.constant 0 : i32
          %dma_wait3A_364 = tpu.memref_slice %arg22[%dma_wait3A_362, %dma_wait3A_363] : memref<10008x128xf32, #tpu.memory_space<vmem_shared>> -> memref<16x128xf32, #tpu.memory_space<vmem_shared>>
          tpu.wait_dma2 semaphore(%run_scoped3A : memref<!tpu.dma_semaphore, #tpu.memory_space<semaphore_mem>>) src(%dma_wait3A_364 : memref<16x128xf32, #tpu.memory_space<vmem_shared>>) dst(%dma_wait3A_361 : memref<16x128xf32, #tpu.memory_space<hbm>>)
          tpu.yield
        }) : () -> ()
      } else {
      }
      %eq3A_348 = arith.constant 1 : i32
      %eq3A_349 = arith.cmpi eq, %arg0, %eq3A_348 : i32
      %convert_element_type3A_350 = arith.extui %eq3A_349 : i1 to i32
      %cond3A_351 = arith.constant 0 : i32
      %cond3A_352 = arith.cmpi ne, %convert_element_type3A_350, %cond3A_351 : i32
      scf.if %cond3A_352 {
        "tpu.region"() ({
          %run_scoped3A = tpu.sem_alloc : memref<!tpu.dma_semaphore, #tpu.memory_space<semaphore_mem>>
          %dma_start3A_353 = arith.constant 9984 : i32
          %dma_start3A_354 = arith.constant 0 : i32
          %dma_start3A_355 = tpu.memref_slice %arg6[%dma_start3A_353, %dma_start3A_354] : memref<10000x128xf32, #tpu.memory_space<hbm>> -> memref<16x128xf32, #tpu.memory_space<hbm>>
          %dma_start3A_356 = arith.constant 9984 : i32
          %dma_start3A_357 = arith.constant 0 : i32
          %dma_start3A_358 = tpu.memref_slice %arg22[%dma_start3A_356, %dma_start3A_357] : memref<10008x128xf32, #tpu.memory_space<vmem_shared>> -> memref<16x128xf32, #tpu.memory_space<vmem_shared>>
          tpu.enqueue_dma source(%dma_start3A_358 : memref<16x128xf32, #tpu.memory_space<vmem_shared>>) target(%dma_start3A_355 : memref<16x128xf32, #tpu.memory_space<hbm>>) target_semaphore(%run_scoped3A : memref<!tpu.dma_semaphore, #tpu.memory_space<semaphore_mem>>)
          %dma_wait3A_359 = arith.constant 9984 : i32
          %dma_wait3A_360 = arith.constant 0 : i32
          %dma_wait3A_361 = tpu.memref_slice %arg6[%dma_wait3A_359, %dma_wait3A_360] : memref<10000x128xf32, #tpu.memory_space<hbm>> -> memref<16x128xf32, #tpu.memory_space<hbm>>
          %dma_wait3A_362 = arith.constant 9984 : i32
          %dma_wait3A_363 = arith.constant 0 : i32
          %dma_wait3A_364 = tpu.memref_slice %arg22[%dma_wait3A_362, %dma_wait3A_363] : memref<10008x128xf32, #tpu.memory_space<vmem_shared>> -> memref<16x128xf32, #tpu.memory_space<vmem_shared>>
          tpu.wait_dma2 semaphore(%run_scoped3A : memref<!tpu.dma_semaphore, #tpu.memory_space<semaphore_mem>>) src(%dma_wait3A_364 : memref<16x128xf32, #tpu.memory_space<vmem_shared>>) dst(%dma_wait3A_361 : memref<16x128xf32, #tpu.memory_space<hbm>>)
          tpu.yield
        }) : () -> ()
      } else {
      }
    } else {
    }
    return
  }
}

module attributes {stable_mosaic.version = 14 : i64} {
  func.func @_tc_body(%arg0: i32, %arg1: memref<1024x256xf32, #tpu.memory_space<vmem>>, %arg2: memref<1024x128xf32, #tpu.memory_space<vmem>>, %arg3: memref<1024x128xf32, #tpu.memory_space<vmem>>, %arg4: memref<1024xf32, #tpu.memory_space<vmem>>, %arg5: memref<256x256xf32, #tpu.memory_space<vmem>>, %arg6: memref<256x256xf32, #tpu.memory_space<vmem>>, %arg7: memref<1x256xf32, #tpu.memory_space<vmem>>, %arg8: memref<1024x256xf32, #tpu.memory_space<vmem>>) attributes {dimension_semantics = [#tpu.dimension_semantics<arbitrary>], iteration_bounds = array<i64: 10>, scalar_prefetch = 0 : i64, scratch_operands = 0 : i64, tpu.core_type = #tpu.core_type<tc>, window_params = [{transform_indices = @transform_0, window_bounds = array<i64: 1024, 256>}, {transform_indices = @transform_1, window_bounds = array<i64: 1024, 128>}, {transform_indices = @transform_2, window_bounds = array<i64: 1024, 128>}, {transform_indices = @transform_3, window_bounds = array<i64: 1024>}, {pipeline_mode = #tpu.pipeline_mode<synchronous>, transform_indices = @transform_4, window_bounds = array<i64: 256, 256>}, {pipeline_mode = #tpu.pipeline_mode<synchronous>, transform_indices = @transform_5, window_bounds = array<i64: 256, 256>}, {pipeline_mode = #tpu.pipeline_mode<synchronous>, transform_indices = @transform_6, window_bounds = array<i64: 1, 256>}, {transform_indices = @transform_7, window_bounds = array<i64: 1024, 256>}]} {
    %get3A = arith.constant 0 : index
    %get3A_0 = vector.load %arg4[%get3A] : memref<1024xf32, #tpu.memory_space<vmem>>, vector<1024xf32>
    %reshape3A = vector.shape_cast %get3A_0 : vector<1024xf32> to vector<1x1024xf32>
    %broadcast_in_dim3A = arith.constant 1.000000e+00 : f32
    %broadcast_in_dim3A_1 = vector.broadcast %broadcast_in_dim3A : f32 to vector<1x1xf32>
    %dot_general3A = arith.constant dense<0.000000e+00> : vector<1024x1xf32>
    %dot_general3A_2 = tpu.matmul %reshape3A, %broadcast_in_dim3A_1, %dot_general3A {dimension_numbers = #tpu.dot_dimension_numbers<[0], [0], [1], [1], [0, 1, 1, 1], [], []>, precision = #tpu.contract_precision<fp32>, transpose_lhs_hint = false} : vector<1x1024xf32>, vector<1x1xf32>, vector<1024x1xf32> -> vector<1024x1xf32>
    %max3A = arith.constant 1.000000e+00 : f32
    %max3A_3 = vector.broadcast %max3A : f32 to vector<1024x1xf32>
    %max3A_4 = arith.maximumf %dot_general3A_2, %max3A_3 : vector<1024x1xf32>
    %div3A = arith.constant 1.000000e+00 : f32
    %div3A_5 = vector.broadcast %div3A : f32 to vector<1024x1xf32>
    %div3A_6 = arith.divf %div3A_5, %max3A_4 : vector<1024x1xf32>
    %get3A_7 = arith.constant 0 : index
    %get3A_8 = arith.constant 0 : index
    %get3A_9 = vector.load %arg2[%get3A_7, %get3A_8] : memref<1024x128xf32, #tpu.memory_space<vmem>>, vector<1024x128xf32>
    %mul3A = vector.broadcast %div3A_6 : vector<1024x1xf32> to vector<1024x128xf32>
    %mul3A_10 = arith.mulf %get3A_9, %mul3A : vector<1024x128xf32>
    %get3A_11 = arith.constant 0 : index
    %get3A_12 = arith.constant 0 : index
    %get3A_13 = vector.load %arg3[%get3A_11, %get3A_12] : memref<1024x128xf32, #tpu.memory_space<vmem>>, vector<1024x128xf32>
    %mul3A_14 = vector.broadcast %div3A_6 : vector<1024x1xf32> to vector<1024x128xf32>
    %mul3A_15 = arith.mulf %get3A_13, %mul3A_14 : vector<1024x128xf32>
    %get3A_16 = arith.constant 0 : index
    %get3A_17 = arith.constant 0 : index
    %get3A_18 = vector.load %arg5[%get3A_16, %get3A_17] : memref<256x256xf32, #tpu.memory_space<vmem>>, vector<128x256xf32>
    %dot_general3A_19 = arith.constant dense<0.000000e+00> : vector<1024x256xf32>
    %dot_general3A_20 = tpu.matmul %mul3A_10, %get3A_18, %dot_general3A_19 {dimension_numbers = #tpu.dot_dimension_numbers<[1], [0], [0], [1], [0, 0, 1, 1], [], []>, precision = #tpu.contract_precision<fp32>, transpose_lhs_hint = false} : vector<1024x128xf32>, vector<128x256xf32>, vector<1024x256xf32> -> vector<1024x256xf32>
    %get3A_21 = arith.constant 128 : index
    %get3A_22 = arith.constant 0 : index
    %get3A_23 = vector.load %arg5[%get3A_21, %get3A_22] : memref<256x256xf32, #tpu.memory_space<vmem>>, vector<128x256xf32>
    %dot_general3A_24 = arith.constant dense<0.000000e+00> : vector<1024x256xf32>
    %dot_general3A_25 = tpu.matmul %mul3A_15, %get3A_23, %dot_general3A_24 {dimension_numbers = #tpu.dot_dimension_numbers<[1], [0], [0], [1], [0, 0, 1, 1], [], []>, precision = #tpu.contract_precision<fp32>, transpose_lhs_hint = false} : vector<1024x128xf32>, vector<128x256xf32>, vector<1024x256xf32> -> vector<1024x256xf32>
    %add3A = arith.addf %dot_general3A_20, %dot_general3A_25 : vector<1024x256xf32>
    %get3A_26 = arith.constant 0 : index
    %get3A_27 = arith.constant 0 : index
    %get3A_28 = vector.load %arg1[%get3A_26, %get3A_27] : memref<1024x256xf32, #tpu.memory_space<vmem>>, vector<1024x256xf32>
    %get3A_29 = arith.constant 0 : index
    %get3A_30 = arith.constant 0 : index
    %get3A_31 = vector.load %arg6[%get3A_29, %get3A_30] : memref<256x256xf32, #tpu.memory_space<vmem>>, vector<256x256xf32>
    %dot_general3A_32 = arith.constant dense<0.000000e+00> : vector<1024x256xf32>
    %dot_general3A_33 = tpu.matmul %get3A_28, %get3A_31, %dot_general3A_32 {dimension_numbers = #tpu.dot_dimension_numbers<[1], [0], [0], [1], [0, 0, 1, 1], [], []>, precision = #tpu.contract_precision<fp32>, transpose_lhs_hint = false} : vector<1024x256xf32>, vector<256x256xf32>, vector<1024x256xf32> -> vector<1024x256xf32>
    %add3A_34 = arith.addf %add3A, %dot_general3A_33 : vector<1024x256xf32>
    %get3A_35 = arith.constant 0 : index
    %get3A_36 = arith.constant 0 : index
    %get3A_37 = vector.load %arg7[%get3A_35, %get3A_36] : memref<1x256xf32, #tpu.memory_space<vmem>>, vector<1x256xf32>
    %add3A_38 = vector.broadcast %get3A_37 : vector<1x256xf32> to vector<1024x256xf32>
    %add3A_39 = arith.addf %add3A_34, %add3A_38 : vector<1024x256xf32>
    %swap3A = arith.constant 0 : index
    %swap3A_40 = arith.constant 0 : index
    %swap3A_41 = vector.load %arg8[%swap3A, %swap3A_40] : memref<1024x256xf32, #tpu.memory_space<vmem>>, vector<1024x256xf32>
    tpu.vector_store %arg8[%swap3A, %swap3A_40], %add3A_39 {strides = array<i32>} : memref<1024x256xf32, #tpu.memory_space<vmem>>, vector<1024x256xf32>,
    return
  }
  func.func @transform_0(%arg0: i32) -> (i32, i32) {
    %c0_i32 = arith.constant 0 : i32
    %c0_i32_0 = arith.constant 0 : i32
    return %arg0, %c0_i32 : i32, i32
  }
  func.func @transform_1(%arg0: i32) -> (i32, i32) {
    %c0_i32 = arith.constant 0 : i32
    %c0_i32_0 = arith.constant 0 : i32
    return %arg0, %c0_i32 : i32, i32
  }
  func.func @transform_2(%arg0: i32) -> (i32, i32) {
    %c0_i32 = arith.constant 0 : i32
    %c0_i32_0 = arith.constant 0 : i32
    return %arg0, %c0_i32 : i32, i32
  }
  func.func @transform_3(%arg0: i32) -> i32 {
    %c0_i32 = arith.constant 0 : i32
    return %arg0 : i32
  }
  func.func @transform_4(%arg0: i32) -> (i32, i32) {
    %c0_i32 = arith.constant 0 : i32
    %c0_i32_0 = arith.constant 0 : i32
    %c0_i32_1 = arith.constant 0 : i32
    return %c0_i32, %c0_i32_0 : i32, i32
  }
  func.func @transform_5(%arg0: i32) -> (i32, i32) {
    %c0_i32 = arith.constant 0 : i32
    %c0_i32_0 = arith.constant 0 : i32
    %c0_i32_1 = arith.constant 0 : i32
    return %c0_i32, %c0_i32_0 : i32, i32
  }
  func.func @transform_6(%arg0: i32) -> (i32, i32) {
    %c0_i32 = arith.constant 0 : i32
    %c0_i32_0 = arith.constant 0 : i32
    %c0_i32_1 = arith.constant 0 : i32
    return %c0_i32, %c0_i32_0 : i32, i32
  }
  func.func @transform_7(%arg0: i32) -> (i32, i32) {
    %c0_i32 = arith.constant 0 : i32
    %c0_i32_0 = arith.constant 0 : i32
    return %arg0, %c0_i32 : i32, i32
  }
}

</mosaic_0001>

<sc_bundles>
// kernel: kernel.4.cloned.1.call-start
scs
__scs_entry_jumppad:
0x0: {  	(pc) =	sbr.rel $0x88, $3  }
0x1: {  	(tag) =	ssettag $0x0;
	lr =	simm.s32 $0x1  }
0x2: {  	[smem:$0x3F9C] =	sst lr;
	_ =	strace $0xD0000000  }
0x3: {  	_ = 	snop  }
0x4: {  	_ = 	snop  }
0x5: {  	_ = 	snop  }
0x6: {  	_ = 	snop  }
0x7: {  	_ = 	snop  }
__scs_overlays_trampoline_lowered:
0x8: {  	[smem:$0x3FAB] =	sst s0  }
0x9: {  	[smem:$0x3FAC] =	sst s1  }
0xa: {  	[smem:$0x3FAD] =	sst s2  }
0xb: {  	[smem:$0x3FAE] =	sst s3  }
0xc: {  	[smem:$0x3FAF] =	sst s4  }
0xd: {  	[smem:$0x3FB0] =	sst s5  }
0xe: {  	[smem:$0x3FB1] =	sst s6  }
0xf: {  	[smem:$0x3FB2] =	sst s7  }
0x10: {  	[smem:$0x3FB3] =	sst s8  }
0x11: {  	[smem:$0x3FB4] =	sst s9;
	s0 =	simm.s32 @!p0 $0x0  }
0x12: {  	s1 =	sld [smem:$0x3F9A];
	s0 =	simm.s32 @p0 $0x1  }
0x13: {  	[smem:$0x3FB5] =	sst s0;
	s0 =	simm.s32 @!p1 $0x0  }
0x14: {  	s2 =	sld [smem:$0x3F99];
	s0 =	simm.s32 @p1 $0x1  }
0x15: {  	[smem:$0x3FB6] =	sst s0;
	s0 =	simm.s32 @!p2 $0x0  }
0x16: {  	s3 =	sld [smem:$0x3FDB];
	s0 =	simm.s32 @p2 $0x1  }
0x17: {  	s4 =	simm.s32 $0x1BF5;
	[smem:$0x3FB8] =	sst s0  }
0x18: {  	s0 =	sld [smem:$0x3F9B];
	_ =	swait.ge [sflag:s4], $0x0  }
0x19: {  	s7 =	sld [smem:$0x3F9C]  }
0x1a: {  	s8 =	sadd.s32 $0xFFFFE003, lr  }
0x1b: {  	s9 =	sadd.s32 $0xFFFFFEF7, lr;
	s5 =	simm.s32 $0xFFFFFFFF;
	p2 =	slt.u32 s8, $0xFFFFF086  }
0x1c: {  	p1 =	slt.u32 s9, $0xF7A;
	s5 =	simm.s32 @!p2 $0x0  }
0x1d: {  	s5 =	simm.s32 @p1 $0x1;
	p0 =	seq.s32 s7, s2  }
0x1e: {  	s7 =	smul.u32 @!p0 $0xF7A, s2;
	p2 =	seq.s32 @!p0 s5, $0x0  }
0x1f: {  	s9 =	smul.u32 $0xF7A, s1;
	s8 =	simm.s32 @!p0 $0x1BF5;
	p2 =	por !p2, p0  }
0x20: {  	[sflag:s8] =	ssyncset.s32 @!p0 $0xFFFFF086;
	s6 =	sadd.s32 @!p0 s3, s7;
	s7 =	simm.s32 @!p0 $0x108  }
0x21: {  	s3 =	sadd.s32 s3, s9;
	s6 =	sadd.s32 @!p0 $0x88, s6;
	s7 =	simm.s32 @p2 $0x1082  }
0x22: {  	[simem:s7], [sflag:s8] =	dma.local @!p0 [hbm:s6], $0xF7A  }
0x23: {  	s9 =	sor.u32 $0xD0000000, s2;
	s6 =	simm.s32 $0x108;
	_ =	swait.ge @!p0 [sflag:s8], $0x0  }
0x24: {  	s3 =	sadd.s32 $0x88, s3;
	s6 =	simm.s32 @!p1 $0x1082;
	[sflag:s4] =	ssyncset.s32 $0xFFFFF086  }
0x25: {  	[simem:s6], [sflag:s4] =	dma.local [hbm:s3], $0xF7A  }
0x26: {  	[smem:$0x3F9C] =	sst s1;
	(tag) =	ssettag s2;
	_ =	strace s9  }
0x27: {  	s1 =	sld [smem:$0x3FAC]  }
0x28: {  	s2 =	sld [smem:$0x3FAD]  }
0x29: {  	s4 =	sld [smem:$0x3FAF]  }
0x2a: {  	p0 =	seq.s32 s5, $0x0;
	s5 =	sld [smem:$0x3FB0]  }
0x2b: {  	s6 =	sld [smem:$0x3FB1]  }
0x2c: {  	s7 =	sld [smem:$0x3FB2]  }
0x2d: {  	s3 =	simm.s32 $0x108;
	s8 =	sld [smem:$0x3FB3]  }
0x2e: {  	s3 =	simm.s32 @!p0 $0x1082;
	s9 =	sld [smem:$0x3FB4]  }
0x2f: {  	lr =	sadd.s32 s0, s3;
	s0 =	sld [smem:$0x3FAB]  }
0x30: {  	s3 =	sld [smem:$0x3FAE]  }
0x31: {  	[smem:$0x3FB7] =	sst s10  }
0x32: {  	s10 =	sld [smem:$0x3FB5];
	_ =	sdelay $0x3  }
0x33: {  	p0 =	seq.s32 s10, $0x1;
	s10 =	sld [smem:$0x3FB7];
	_ =	sdelay $0x3  }
0x34: {  	[smem:$0x3FB7] =	sst s10  }
0x35: {  	s10 =	sld [smem:$0x3FB6];
	_ =	sdelay $0x3  }
0x36: {  	p1 =	seq.s32 s10, $0x1;
	s10 =	sld [smem:$0x3FB7];
	_ =	sdelay $0x3  }
0x37: {  	[smem:$0x3FB7] =	sst s10  }
0x38: {  	s10 =	sld [smem:$0x3FB8]  }
0x39: {  	_ = 	snop;
	(pc) =	sbr.ind lr, $3  }
0x3a: {  	_ = 	snop  }
0x3b: {  	_ = 	snop  }
0x3c: {  	p2 =	seq.s32 s10, $0x1;
	s10 =	sld [smem:$0x3FB7]  }
0x3d: {  	_ =	shalt  }
0x3e: {  	_ =	shalt  }
0x3f: {  	_ =	shalt  }
0x40: {  	_ =	shalt  }
0x41: {  	_ =	shalt  }
0x42: {  	_ =	shalt  }
0x43: {  	_ =	shalt  }
0x44: {  	_ =	shalt  }
0x45: {  	_ =	shalt  }
0x46: {  	_ =	shalt  }
0x47: {  	_ =	shalt  }
0x48: {  	_ =	shalt  }
0x49: {  	_ =	shalt  }
0x4a: {  	_ =	shalt  }
0x4b: {  	_ =	shalt  }
0x4c: {  	_ =	shalt  }
0x4d: {  	_ =	shalt  }
0x4e: {  	_ =	shalt  }
0x4f: {  	_ =	shalt  }
0x50: {  	_ =	shalt  }
0x51: {  	_ =	shalt  }
0x52: {  	_ =	shalt  }
0x53: {  	_ =	shalt  }
0x54: {  	_ =	shalt  }
0x55: {  	_ =	shalt  }
0x56: {  	_ =	shalt  }
0x57: {  	_ =	shalt  }
0x58: {  	_ =	shalt  }
0x59: {  	_ =	shalt  }
0x5a: {  	_ =	shalt  }
0x5b: {  	_ =	shalt  }
0x5c: {  	_ =	shalt  }
0x5d: {  	_ =	shalt  }
0x5e: {  	_ =	shalt  }
0x5f: {  	_ =	shalt  }
0x60: {  	_ =	shalt  }
0x61: {  	_ =	shalt  }
0x62: {  	_ =	shalt  }
0x63: {  	_ =	shalt  }
0x64: {  	_ =	shalt  }
0x65: {  	_ =	shalt  }
0x66: {  	_ =	shalt  }
0x67: {  	_ =	shalt  }
0x68: {  	_ =	shalt  }
0x69: {  	_ =	shalt  }
0x6a: {  	_ =	shalt  }
0x6b: {  	_ =	shalt  }
0x6c: {  	_ =	shalt  }
0x6d: {  	_ =	shalt  }
0x6e: {  	_ =	shalt  }
0x6f: {  	_ =	shalt  }
0x70: {  	_ =	shalt  }
0x71: {  	_ =	shalt  }
0x72: {  	_ =	shalt  }
0x73: {  	_ =	shalt  }
0x74: {  	_ =	shalt  }
0x75: {  	_ =	shalt  }
0x76: {  	_ =	shalt  }
0x77: {  	_ =	shalt  }
0x78: {  	_ =	shalt  }
0x79: {  	_ =	shalt  }
0x7a: {  	_ =	shalt  }
0x7b: {  	_ =	shalt  }
0x7c: {  	_ =	shalt  }
0x7d: {  	_ =	shalt  }
0x7e: {  	_ =	shalt  }
0x7f: {  	_ =	shalt  }
0x80: {  	_ =	shalt  }
0x81: {  	_ =	shalt  }
0x82: {  	_ =	shalt  }
0x83: {  	_ =	shalt  }
0x84: {  	_ =	shalt  }
0x85: {  	_ =	shalt  }
0x86: {  	_ =	shalt  }
0x87: {  	_ =	shalt  }
.Lfunc_end0:
.L_simem_size_0:
called_computation_lowered:
.L_overlay_start_0:
0x88: {  	s2 =	sld [smem:$0x3FD9]  }
0x89: {  	s3 =	sld [smem:$0x3FFE];
	_ =	sdelay $0x1  }
0x8a: {  	s1 =	srdreg.scid  }
0x8b: {  	s0 =	sand.u32 $0x1, s1  }
0x8c: {  	s17 =	sshll.u32 s0, $0xA;
	s2 =	sadd.s32 s3, s2  }
0x8d: {  	s2 =	sadd.s32 s2, s17  }
0x8e: {  	[smem:$0x3FC3] =	sst s2  }
0x8f: {  	_ = 	snop  }
0x90: {  	s2 =	sld [smem:$0x3FD0];
	(tm) =	ssettm $0x1  }
0x91: {  	s18 =	sld [smem:$0x3FFB];
	_ =	sdelay $0x3  }
0x92: {  	_ =	strace s18  }
0x93: {  	s3 =	sld [smem:$0x3FFC];
	_ =	sdelay $0x3  }
0x94: {  	_ =	strace s3  }
0x95: {  	s3 =	sld [smem:$0x3FFD];
	_ =	sdelay $0x3  }
0x96: {  	_ =	strace s3  }
0x97: {  	_ =	strace $0x8FFFFFFF  }
0x98: {  	s19 =	sld [smem:$0x3FDB];
	_ =	sdelay $0x1  }
0x99: {  	s4 =	simm.s32 $_scs_section_size  }
0x9a: {  	s5 =	simm.s32 $_size__tile_overlayer_lowered;
	s6 =	simm.s32 $_tile_overlayer_lowered  }
0x9b: {  	s22 =	simm.s32 $0x1BFF;
	s21 =	sshll.u32 s6, $0x1;
	s3 =	sadd.s32 s4, s19  }
0x9c: {  	s7 =	simm.s32 $0x0;
	s20 =	sshll.u32 s5, $0x1;
	s5 =	sadd.s32 s21, s3  }
0x9d: {  	[timem:s7], [sflag:s22] =	dma.local [hbm:s5], s20  }
0x9e: {  	_ =	swait.ge [sflag:s22], s20  }
0x9f: {  	s4 =	ssub.s32 $0x0, s20;
	[sflag:s22] =	ssyncset.done $0x0  }
0xa0: {  	[sflag:s22] =	ssyncadd.s32 s4;
	_ =	sdelay $0x1  }
0xa1: {  	s23 =	simm.s32 $0x1B8B  }
0xa2: {  	_ =	swait.ge [sflag:s23], $0x1  }
0xa3: {  	[sflag:s23] =	ssyncset.done $0x0  }
0xa4: {  	s25 =	simm.s32 $0x1B8E;
	s24 =	sld [smem:$0x3FFE];
	[sflag:s23] =	ssyncadd.s32 $0xFFFFFFFF  }
0xa5: {  	s26 =	simm.s32 $execute0_lowered;
	[smem:$0x3FD2] =	sst s25  }
0xa6: {  	s5 =	sshll.u32 s26, $0x1;
	_ =	strace $0x80000046;
	[dreg:$0x1] =	wrdreg $0xFFFFFFFF  }
0xa7: {  	s28 =	simm.s32 $_size_execute0_lowered;
	s3 =	sadd.s32 s3, s5;
	[dreg:$0x0] =	wrdreg $0x0  }
0xa8: {  	s5 =	sshll.u32 s28, $0x1;
	[dreg:$0x2] =	wrdreg s3  }
0xa9: {  	[dreg:$0x3] =	wrdreg s5  }
0xaa: {  	[dreg:$0x4] =	wrdreg $0xC0  }
0xab: {  	_ =	task [dreg:s7], $0x5FFFF  }
0xac: {  	[dreg:$0x1] =	wrdreg $0xFFFFFFFF  }
0xad: {  	[dreg:$0x0] =	wrdreg $0x60  }
0xae: {  	[dreg:$0x2] =	wrdreg s24  }
0xaf: {  	[dreg:$0x3] =	wrdreg s2  }
0xb0: {  	[dreg:$0x4] =	wrdreg $0xAB000  }
0xb1: {  	[dreg:$0x5] =	wrdreg $0x1E3C00  }
0xb2: {  	[dreg:$0x6] =	wrdreg $0x9  }
0xb3: {  	_ =	task.clear_ibuf [dreg:s7], $0x7FFFF;
	_ =	strace $0x90000046  }
0xb4: {  	s29 =	simm.s32 $0x9;
	_ =	strace $0x80000048  }
0xb5: {  	_ =	swait.ge [sflag:s29], $0x1  }
0xb6: {  	[sflag:s29] =	ssyncadd.s32 $0xFFFFFFFF  }
0xb7: {  	_ =	strace $0x90000048  }
0xb8: {  	_ =	sfence  }
0xb9: {  	s30 =	sld [smem:$0x0];
	_ =	sdelay $0x2  }
0xba: {  	s31 =	sshll.u32 s1, $0xD;
	s1 =	sshrl.u32 s1, $0x2  }
0xbb: {  	s3 =	sand.u32 $0x4000, s31;
	s1 =	sadd.s32 s1, s30  }
0xbc: {  	s0 =	sor.u32 s3, s0;
	s1 =	sshll.u32 s1, $0x11  }
0xbd: {  	s0 =	sor.u32 s1, s0  }
0xbe: {  	s0 =	sadd.s32 $0x8F2B, s0  }
0xbf: {  	[sflag:s0] =	ssyncadd.remote.s32 $0x1  }
0xc0: {  	_ =	sfence.sel $0xFFFF  }
0xc1: {  	[dreg:$0x0] =	wrdreg $0xFFFFFFFF;
	(pc) =	sbr.abs _section_cstart, $3  }
0xc2: {  	[dreg:$0x1] =	wrdreg $0xFFFFFFFF  }
0xc3: {  	_ =	task.clear_ibuf [dreg:s7], $0x2FFFF;
	_ =	strace $0x9FFFFFFF  }
0xc4: {  	(tm) =	ssettm $0x7FFFFFFF  }
0xc5: {  	_ =	shalt  }
tec
execute0_lowered:
.L_overlay_start_1:
0x0: {  	(tag) =	ssettag $0x1  }
0x1: {  	s0 =	rddreg [dreg:$0x0]  }
0x2: {  	s1 =	rddreg [dreg:$0x1]  }
0x3: {  	s2 =	rddreg [dreg:$0x2]  }
0x4: {  	s3 =	rddreg [dreg:$0x3]  }
0x5: {  	s24 =	simm.s32 $0x0;
	s22 =	stileid.u32;
	s7 =	srdreg.scid  }
0x6: {  	[smem:$0x7FF] =	sst s24;
	s4 =	sshll.u32 s22, $0xB;
	s5 =	smul.u32 $0x280, s22  }
0x7: {  	s6 =	sadd.s32 $0x12200, s0;
	s25 =	sadd.s32 $0x39400, s0;
	s8 =	smul.u32 $0x270, s22  }
0x8: {  	s7 =	sand.u32 $0x1, s7;
	s11 =	smul.u32 $0x4E000, s22;
	s26 =	sadd.s32 $0x60600, s0  }
0x9: {  	_ =	strace $0x80000047;
	s4 =	sadd.s32 s4, s0;
	s10 =	ssub.s32 $0x2, s7  }
0xa: {  	p0 =	seq.s32 s7, $0x0;
	p1 =	sne.s32 s7, $0x0;
	[dreg:$0x7] =	wrdreg s26  }
0xb: {  	[dreg:$0x6] =	wrdreg s25;
	s9 =	sshrl.u32 s5, $0x3;
	s13 =	sshrl.u32 s10, $0x1  }
0xc: {  	s14 =	sshrl.u32 s11, $0x2;
	s11 =	sadd.s32 $0x30, s8;
	s5 =	sadd.s32 s5, s3  }
0xd: {  	s9 =	sadd.s32 s9, s0;
	s0 =	ssub.s32 s10, s13;
	[dreg:$0x8] =	wrdreg s5  }
0xe: {  	s15 =	sadd.s32 s14, s2;
	s16 =	sshll.u32 s11, $0x7;
	s10 =	sadd.s32 $0x90, s8  }
0xf: {  	s14 =	sadd.s32 $0xC0, s8;
	[dreg:$0x9] =	wrdreg s15;
	s5 =	sadd.s32 s16, s2  }
0x10: {  	s13 =	sshll.u32 s10, $0x7;
	s18 =	sshll.u32 s14, $0x7;
	s15 =	sadd.s32 $0x120, s8  }
0x11: {  	s10 =	sshll.u32 s10, $0x4;
	s9 =	sadd.s32 $0x87800, s9;
	[dreg:$0xa] =	wrdreg s5  }
0x12: {  	s0 =	smax.u32 s0, $0x1;
	s5 =	sadd.s32 $0x60, s8;
	[dreg:$0x19] =	wrdreg s9  }
0x13: {  	s17 =	sadd.s32 s13, s2;
	s13 =	sadd.s32 $0xF0, s8;
	[smem:$0x7FB] =	sst s0  }
0x14: {  	s16 =	sshll.u32 s15, $0x7;
	s9 =	sadd.s32 s26, s10;
	[dreg:$0xc] =	wrdreg s17  }
0x15: {  	s10 =	sadd.s32 s25, s10;
	s0 =	smov.u32 s1;
	[smem:$0x7E7] =	sst s9  }
0x16: {  	s12 =	sshll.u32 s5, $0x7;
	s20 =	sadd.s32 s16, s2;
	[smem:$0x7E8] =	sst s10  }
0x17: {  	s19 =	sshll.u32 s13, $0x7;
	s0 =	smov.u32 @p0 s6;
	[dreg:$0xf] =	wrdreg s20  }
0x18: {  	s16 =	sadd.s32 $0x1B0, s8;
	s12 =	sadd.s32 s12, s2;
	[smem:$0x7FC] =	sst s0  }
0x19: {  	s7 =	sadd.s32 s19, s2;
	s19 =	sshll.u32 s16, $0x7;
	[dreg:$0xb] =	wrdreg s12  }
0x1a: {  	s12 =	sadd.s32 s18, s2;
	[dreg:$0xe] =	wrdreg s7;
	s7 =	sadd.s32 $0x150, s8  }
0x1b: {  	s23 =	sadd.s32 s19, s2;
	[dreg:$0xd] =	wrdreg s12;
	s12 =	sadd.s32 $0x180, s8  }
0x1c: {  	s17 =	sshll.u32 s7, $0x7;
	[dreg:$0x12] =	wrdreg s23;
	s7 =	sshll.u32 s7, $0x4  }
0x1d: {  	s18 =	sshll.u32 s12, $0x7;
	s17 =	sadd.s32 s17, s2;
	s9 =	sadd.s32 s26, s7  }
0x1e: {  	s10 =	sadd.s32 s25, s7;
	[dreg:$0x10] =	wrdreg s17;
	s21 =	sadd.s32 s18, s2  }
0x1f: {  	s17 =	sadd.s32 $0x1E0, s8;
	s18 =	sadd.s32 $0x210, s8;
	[smem:$0x7EF] =	sst s9  }
0x20: {  	s8 =	sadd.s32 $0x240, s8;
	[smem:$0x7F0] =	sst s10;
	s31 =	sshll.u32 s17, $0x7  }
0x21: {  	[dreg:$0x11] =	wrdreg s21;
	s20 =	sshll.u32 s18, $0x7;
	s19 =	sadd.s32 s31, s2  }
0x22: {  	s21 =	sshll.u32 s8, $0x7;
	s23 =	sadd.s32 s20, s2;
	[dreg:$0x13] =	wrdreg s19  }
0x23: {  	s31 =	sadd.s32 s21, s2;
	[dreg:$0x14] =	wrdreg s23  }
0x24: {  	s20 =	sadd.s32 $0x2210, s4;
	[dreg:$0x15] =	wrdreg s31  }
0x25: {  	s21 =	sadd.s32 $0x2220, s4;
	[dreg:$0x16] =	wrdreg s20;
	s31 =	smul.u32 $0x2700, s22  }
0x26: {  	s23 =	sadd.s32 $0x2200, s4;
	[dreg:$0x17] =	wrdreg s21;
	s4 =	sadd.s32 $0x2230, s4  }
0x27: {  	[dreg:$0x18] =	wrdreg s4;
	s19 =	sadd.s32 s26, s31  }
0x28: {  	s4 =	sshll.u32 s11, $0x4;
	s20 =	sadd.s32 s25, s31;
	[dreg:$0x1a] =	wrdreg s19  }
0x29: {  	s5 =	sshll.u32 s5, $0x4;
	s21 =	sadd.s32 s26, s4;
	[dreg:$0x1b] =	wrdreg s20  }
0x2a: {  	s11 =	sshll.u32 s14, $0x4;
	s4 =	sadd.s32 s25, s4;
	[dreg:$0x1c] =	wrdreg s21  }
0x2b: {  	s14 =	sshll.u32 s15, $0x4;
	s31 =	sadd.s32 s26, s5;
	[dreg:$0x1d] =	wrdreg s4  }
0x2c: {  	s15 =	sshll.u32 s16, $0x4;
	s5 =	sadd.s32 s25, s5;
	[dreg:$0x1e] =	wrdreg s31  }
0x2d: {  	s16 =	sshll.u32 s17, $0x4;
	s17 =	sadd.s32 s26, s11;
	[dreg:$0x1f] =	wrdreg s5  }
0x2e: {  	s13 =	sshll.u32 s13, $0x4;
	[smem:$0x7E9] =	sst s17;
	s19 =	sadd.s32 s25, s11  }
0x2f: {  	s28 =	simm.s32 $0x11;
	s20 =	sadd.s32 s26, s13;
	[smem:$0x7EA] =	sst s19  }
0x30: {  	s30 =	simm.s32 $0x50;
	s21 =	sadd.s32 s25, s13;
	[smem:$0x7EB] =	sst s20  }
0x31: {  	s29 =	simm.s32 $0x3000;
	s31 =	sadd.s32 s26, s14;
	[smem:$0x7EC] =	sst s21  }
0x32: {  	s12 =	sshll.u32 s12, $0x4;
	s5 =	sadd.s32 s25, s14;
	[smem:$0x7ED] =	sst s31  }
0x33: {  	p2 =	sne.s32 s22, $0x0;
	s11 =	sadd.s32 s26, s12;
	[smem:$0x7EE] =	sst s5  }
0x34: {  	p3 =	seq.s32 s22, $0x0;
	s12 =	sadd.s32 s25, s12;
	[smem:$0x7F1] =	sst s11  }
0x35: {  	s7 =	simm.s32 $0x40000;
	s13 =	sadd.s32 s26, s15;
	[smem:$0x7F2] =	sst s12  }
0x36: {  	s18 =	sshll.u32 s18, $0x4;
	s14 =	sadd.s32 s25, s15;
	[smem:$0x7F3] =	sst s13  }
0x37: {  	s8 =	sshll.u32 s8, $0x4;
	s15 =	sadd.s32 s26, s16;
	[smem:$0x7F4] =	sst s14  }
0x38: {  	s22 =	simm.s32 $0xE;
	s17 =	sadd.s32 s25, s16;
	[smem:$0x7F5] =	sst s15  }
0x39: {  	s16 =	simm.s32 $0xF;
	s4 =	simm.s32 $0x10;
	[smem:$0x7F6] =	sst s17  }
0x3a: {  	s19 =	sadd.s32 s26, s18;
	s20 =	sadd.s32 s25, s18;
	s21 =	sadd.s32 s26, s8  }
0x3b: {  	s26 =	sadd.s32 s25, s8;
	s31 =	sadd.s32 $0x138000, s2;
	[smem:$0x7F7] =	sst s19  }
.Ltmp0:
0x3c: {  	s5 =	simm.s32 $0x80;
	[smem:$0x7F8] =	sst s20;
	(pc) =	sbr.rel .LBB2_1-.Ltmp0, $4  }
0x3d: {  	s11 =	simm.s32 $0x100;
	s14 =	simm.s32 $0x5800;
	[smem:$0x7F9] =	sst s21  }
0x3e: {  	s17 =	simm.s32 $0x5;
	s25 =	simm.s32 $0x8000;
	[smem:$0x7FA] =	sst s26  }
0x3f: {  	s15 =	simm.s32 $0x7;
	s8 =	simm.s32 $0x4;
	[smem:$0x7FD] =	sst s31  }
0x40: {  	v0 =	vimm.f32 $0.0e+00;
	v1 =	vimm.f32 $1.000000000e+00;
	s21 =	simm.s32 $0x6;
	s20 =	simm.s32 $0x8;
	s19 =	simm.s32 $0x2  }
.LBB2_19:
0x41: {  	s31 =	sld [smem:$0x7FD];
	_ =	sdelay $0x2  }
0x42: {  	s0 =	sadd.s32 $0x27000, s9;
	s10 =	simm.s32 $0x1C11;
	s9 =	sshrl.u32 s31, $0x3  }
0x43: {  	[hbm:s0], [sflag:s10] =	dma.local [spmem:s9], $0x100  }
0x44: {  	_ =	swait.ge [sflag:s28], $0x100  }
0x45: {  	[sflag:s28] =	ssyncset.done $0x0  }
0x46: {  	[sflag:s28] =	ssyncadd.s32 $0xFFFFFF00  }
.LBB2_20:
0x47: {  	s0 =	sld [smem:$0x7FB];
	_ =	sdelay $0x1  }
0x48: {  	s24 =	sadd.s32 $0x1, s24  }
0x49: {  	p4 =	sne.s32 s24, s0  }
.Ltmp1:
0x4a: {  	_ = 	snop;
	(pc) =	sbr.rel @!p4 .LBB2_21-.Ltmp1, $1  }
0x4b: {  	_ =	sdelay $0x3  }
.LBB2_1:
0x4c: {  	[dreg:$0x5] =	wrdreg s24;
	s9 =	simm.s32 $0x70;
	s13 =	simm.s32 $0x3C0  }
.LBB2_2:
0x4d: {  	p4 =	sne.s32 s13, $0x5FC0;
	[tilespmem:s9+$0x800] =	vst v0  }
0x4e: {  	[tilespmem:s9+$0x790] =	vst v0  }
0x4f: {  	[tilespmem:s9+$0x7A0] =	vst v0  }
.Ltmp2:
0x50: {  	[tilespmem:s9+$0x7B0] =	vst v0;
	(pc) =	sbr.rel @p4 .LBB2_2-.Ltmp2, $4  }
0x51: {  	[tilespmem:s9+$0x7C0] =	vst v0  }
0x52: {  	[tilespmem:s9+$0x7D0] =	vst v0  }
0x53: {  	[tilespmem:s9+$0x7E0] =	vst v0  }
0x54: {  	[tilespmem:s9+$0x7F0] =	vst v0;
	s9 =	sshra.s32 s13, $0x2;
	s13 =	sadd.s32 $0x200, s13  }
0x55: {  	[tilespmem:s9+$0x800] =	vst v0  }
0x56: {  	[tilespmem:s9+$0x790] =	vst v0  }
0x57: {  	[tilespmem:s9+$0x7A0] =	vst v0  }
0x58: {  	[tilespmem:s9+$0x7B0] =	vst v0  }
0x59: {  	[tilespmem:s9+$0x7C0] =	vst v0  }
0x5a: {  	[tilespmem:s9+$0x7D0] =	vst v0  }
0x5b: {  	[tilespmem:s9+$0x7E0] =	vst v0  }
0x5c: {  	[tilespmem:s9+$0x7F0] =	vst v0  }
0x5d: {  	[tilespmem:$0xA800] =	vst v0  }
0x5e: {  	[tilespmem:$0xA810] =	vst v0  }
0x5f: {  	[tilespmem:$0xA820] =	vst v0  }
0x60: {  	[tilespmem:$0xA830] =	vst v0  }
0x61: {  	[tilespmem:$0xA840] =	vst v0  }
0x62: {  	[tilespmem:$0xA850] =	vst v0  }
0x63: {  	[tilespmem:$0xA860] =	vst v0  }
0x64: {  	[tilespmem:$0xA870] =	vst v0  }
0x65: {  	[tilespmem:$0xA880] =	vst v0  }
0x66: {  	[tilespmem:$0xA890] =	vst v0  }
0x67: {  	[tilespmem:$0xA8A0] =	vst v0  }
0x68: {  	[tilespmem:$0xA8B0] =	vst v0  }
0x69: {  	[tilespmem:$0xA8C0] =	vst v0  }
0x6a: {  	[tilespmem:$0xA8D0] =	vst v0  }
0x6b: {  	[tilespmem:$0xA8E0] =	vst v0  }
0x6c: {  	[tilespmem:$0xA8F0] =	vst v0  }
0x6d: {  	[tilespmem:$0xA900] =	vst v0  }
0x6e: {  	[tilespmem:$0xA910] =	vst v0  }
0x6f: {  	[tilespmem:$0xA920] =	vst v0  }
0x70: {  	[tilespmem:$0xA930] =	vst v0  }
0x71: {  	[tilespmem:$0xA940] =	vst v0  }
0x72: {  	[tilespmem:$0xA950] =	vst v0  }
0x73: {  	[tilespmem:$0xA960] =	vst v0  }
0x74: {  	[tilespmem:$0xA970] =	vst v0  }
0x75: {  	[tilespmem:$0xA980] =	vst v0  }
0x76: {  	[tilespmem:$0xA990] =	vst v0  }
0x77: {  	[tilespmem:$0xA9A0] =	vst v0  }
0x78: {  	[tilespmem:$0xA9B0] =	vst v0  }
0x79: {  	[tilespmem:$0xA9C0] =	vst v0  }
0x7a: {  	[tilespmem:$0xA9D0] =	vst v0  }
0x7b: {  	[tilespmem:$0xA9E0] =	vst v0  }
0x7c: {  	[tilespmem:$0xA9F0] =	vst v0  }
0x7d: {  	[tilespmem:$0xAA00] =	vst v0  }
0x7e: {  	[tilespmem:$0xAA10] =	vst v0  }
0x7f: {  	[tilespmem:$0xAA20] =	vst v0  }
0x80: {  	[tilespmem:$0xAA30] =	vst v0  }
0x81: {  	[tilespmem:$0xAA40] =	vst v0  }
0x82: {  	[tilespmem:$0xAA50] =	vst v0  }
0x83: {  	[tilespmem:$0xAA60] =	vst v0  }
0x84: {  	[tilespmem:$0xAA70] =	vst v0  }
0x85: {  	[tilespmem:$0xAA80] =	vst v1  }
0x86: {  	[tilespmem:$0xAA90] =	vst v1  }
0x87: {  	[tilespmem:$0xAAA0] =	vst v1  }
0x88: {  	[tilespmem:$0xAAB0] =	vst v1  }
0x89: {  	s0 =	rddreg [dreg:$0x8];
	s18 =	simm.s32 $0xA800;
	[tilespmem:$0xAAC0] =	vst v1  }
0x8a: {  	[spmem:s0] =	stream.linear.scatter [tilespmem:s18], [sflag:$0x11], $0x280, $0x38;
	[tilespmem:$0x1E640] =	vst v63  }
0x8b: {  	_ =	swait.ge [sflag:s28], $0x280  }
0x8c: {  	[sflag:s28] =	ssyncset.done $0x0  }
0x8d: {  	s10 =	simm.s32 $0x800;
	s24 =	rddreg [dreg:$0x9];
	[sflag:s28] =	ssyncadd.s32 $0xFFFFFD80  }
0x8e: {  	[spmem:s24] =	stream.linear.scatter [tilespmem:s10], [sflag:$0x11], $0x1800, $0x38;
	[tilespmem:$0x1E640] =	vst v63  }
0x8f: {  	_ =	swait.ge [sflag:s28], $0x1800  }
0x90: {  	[sflag:s28] =	ssyncset.done $0x0  }
0x91: {  	s26 =	rddreg [dreg:$0xa];
	[sflag:s28] =	ssyncadd.s32 $0xFFFFE800  }
0x92: {  	[spmem:s26] =	stream.linear.scatter [tilespmem:s10], [sflag:$0x11], $0x1800, $0x38;
	[tilespmem:$0x1E640] =	vst v63  }
0x93: {  	_ =	swait.ge [sflag:s28], $0x1800  }
0x94: {  	[sflag:s28] =	ssyncset.done $0x0  }
0x95: {  	s31 =	rddreg [dreg:$0xb];
	[sflag:s28] =	ssyncadd.s32 $0xFFFFE800  }
0x96: {  	[spmem:s31] =	stream.linear.scatter [tilespmem:s10], [sflag:$0x11], $0x1800, $0x38;
	[tilespmem:$0x1E640] =	vst v63  }
0x97: {  	_ =	swait.ge [sflag:s28], $0x1800  }
0x98: {  	[sflag:s28] =	ssyncset.done $0x0  }
0x99: {  	s9 =	rddreg [dreg:$0xc];
	[sflag:s28] =	ssyncadd.s32 $0xFFFFE800  }
0x9a: {  	[spmem:s9] =	stream.linear.scatter [tilespmem:s10], [sflag:$0x11], $0x1800, $0x38;
	[tilespmem:$0x1E640] =	vst v63  }
0x9b: {  	_ =	swait.ge [sflag:s28], $0x1800  }
0x9c: {  	[sflag:s28] =	ssyncset.done $0x0  }
0x9d: {  	s12 =	rddreg [dreg:$0xd];
	[sflag:s28] =	ssyncadd.s32 $0xFFFFE800  }
0x9e: {  	[spmem:s12] =	stream.linear.scatter [tilespmem:s10], [sflag:$0x11], $0x1800, $0x38;
	[tilespmem:$0x1E640] =	vst v63  }
0x9f: {  	_ =	swait.ge [sflag:s28], $0x1800  }
0xa0: {  	[sflag:s28] =	ssyncset.done $0x0  }
0xa1: {  	s13 =	rddreg [dreg:$0xe];
	[sflag:s28] =	ssyncadd.s32 $0xFFFFE800  }
0xa2: {  	[spmem:s13] =	stream.linear.scatter [tilespmem:s10], [sflag:$0x11], $0x1800, $0x38;
	[tilespmem:$0x1E640] =	vst v63  }
0xa3: {  	_ =	swait.ge [sflag:s28], $0x1800  }
0xa4: {  	[sflag:s28] =	ssyncset.done $0x0  }
0xa5: {  	s18 =	rddreg [dreg:$0xf];
	[sflag:s28] =	ssyncadd.s32 $0xFFFFE800  }
0xa6: {  	[spmem:s18] =	stream.linear.scatter [tilespmem:s10], [sflag:$0x11], $0x1800, $0x38;
	[tilespmem:$0x1E640] =	vst v63  }
0xa7: {  	_ =	swait.ge [sflag:s28], $0x1800  }
0xa8: {  	[sflag:s28] =	ssyncset.done $0x0  }
0xa9: {  	s24 =	rddreg [dreg:$0x10];
	[sflag:s28] =	ssyncadd.s32 $0xFFFFE800  }
0xaa: {  	[spmem:s24] =	stream.linear.scatter [tilespmem:s10], [sflag:$0x11], $0x1800, $0x38;
	[tilespmem:$0x1E640] =	vst v63  }
0xab: {  	_ =	swait.ge [sflag:s28], $0x1800  }
0xac: {  	[sflag:s28] =	ssyncset.done $0x0  }
0xad: {  	s26 =	rddreg [dreg:$0x11];
	[sflag:s28] =	ssyncadd.s32 $0xFFFFE800  }
0xae: {  	[spmem:s26] =	stream.linear.scatter [tilespmem:s10], [sflag:$0x11], $0x1800, $0x38;
	[tilespmem:$0x1E640] =	vst v63  }
0xaf: {  	_ =	swait.ge [sflag:s28], $0x1800  }
0xb0: {  	[sflag:s28] =	ssyncset.done $0x0  }
0xb1: {  	s31 =	rddreg [dreg:$0x12];
	[sflag:s28] =	ssyncadd.s32 $0xFFFFE800  }
0xb2: {  	[spmem:s31] =	stream.linear.scatter [tilespmem:s10], [sflag:$0x11], $0x1800, $0x38;
	[tilespmem:$0x1E640] =	vst v63  }
0xb3: {  	_ =	swait.ge [sflag:s28], $0x1800  }
0xb4: {  	[sflag:s28] =	ssyncset.done $0x0  }
0xb5: {  	s9 =	rddreg [dreg:$0x13];
	[sflag:s28] =	ssyncadd.s32 $0xFFFFE800  }
0xb6: {  	[spmem:s9] =	stream.linear.scatter [tilespmem:s10], [sflag:$0x11], $0x1800, $0x38;
	[tilespmem:$0x1E640] =	vst v63  }
0xb7: {  	_ =	swait.ge [sflag:s28], $0x1800  }
0xb8: {  	[sflag:s28] =	ssyncset.done $0x0  }
0xb9: {  	s12 =	rddreg [dreg:$0x14];
	[sflag:s28] =	ssyncadd.s32 $0xFFFFE800  }
0xba: {  	[spmem:s12] =	stream.linear.scatter [tilespmem:s10], [sflag:$0x11], $0x1800, $0x38;
	[tilespmem:$0x1E640] =	vst v63  }
0xbb: {  	_ =	swait.ge [sflag:s28], $0x1800  }
0xbc: {  	[sflag:s28] =	ssyncset.done $0x0  }
0xbd: {  	s13 =	rddreg [dreg:$0x15];
	[sflag:s28] =	ssyncadd.s32 $0xFFFFE800  }
0xbe: {  	[spmem:s13] =	stream.linear.scatter [tilespmem:s10], [sflag:$0x11], $0x1800, $0x38;
	[tilespmem:$0x1E640] =	vst v63  }
0xbf: {  	_ =	swait.ge [sflag:s28], $0x1800  }
0xc0: {  	s0 =	sld [smem:$0x7FD]  }
0xc1: {  	[sflag:s28] =	ssyncset.done $0x0  }
0xc2: {  	s9 =	simm.s32 @!p2 $0x800;
	[sflag:s28] =	ssyncadd.s32 $0xFFFFE800  }
0xc3: {  	[spmem:s0] =	stream.linear.scatter @!p2 [tilespmem:s9], [sflag:$0x11], $0xC00, $0x38;
	[tilespmem:$0x1E640] =	vst v63  }
0xc4: {  	s9 =	simm.s32 @!p2 $0x11  }
0xc5: {  	_ =	swait.ge @!p2 [sflag:s9], $0xC00  }
0xc6: {  	[sflag:s9] =	ssyncset.done @!p2 $0x0  }
0xc7: {  	[sflag:s9] =	ssyncadd.s32 @!p2 $0xFFFFF400  }
0xc8: {  	s24 =	simm.s32 $0x0;
	[bflag:$0x0] =	sbarrier.arrive $0xFFFF  }
0xc9: {  	[tilespmem:s24], [sflag:$0x9] =	stream.strided.gather [hbm4b:s23+s5], $0x100, s7, s5, $0x38;
	[tilespmem:$0x1E640] =	vst v63  }
0xca: {  	s18 =	rddreg [dreg:$0x16]  }
0xcb: {  	[tilespmem:s11], [sflag:$0xA] =	stream.strided.gather [hbm4b:s18+s5], $0x100, s7, s5, $0x38;
	[tilespmem:$0x1E640] =	vst v63  }
0xcc: {  	s9 =	simm.s32 $0x200;
	s26 =	rddreg [dreg:$0x17]  }
0xcd: {  	[tilespmem:s9], [sflag:$0xB] =	stream.strided.gather [hbm4b:s26+s5], $0x100, s7, s5, $0x38;
	[tilespmem:$0x1E640] =	vst v63  }
0xce: {  	s12 =	simm.s32 $0x300;
	s13 =	simm.s32 $0x9;
	s31 =	rddreg [dreg:$0x18]  }
0xcf: {  	[tilespmem:s12], [sflag:$0xC] =	stream.strided.gather [hbm4b:s31+s5], $0x100, s7, s5, $0x38;
	[tilespmem:$0x1E640] =	vst v63  }
0xd0: {  	_ =	swait.ge [sflag:s13], $0x100  }
0xd1: {  	s18 =	sld [smem:$0x7FC]  }
0xd2: {  	[sflag:s13] =	ssyncset.done $0x0  }
0xd3: {  	s26 =	simm.s32 $0xA;
	[sflag:s13] =	ssyncadd.s32 $0xFFFFFF00  }
0xd4: {  	[tilespmem:s10], [sflag:$0x1] =	stream.indirect.gather [hbm4b:s18+s30], $0x80, s24, s30, $0xb8;
	[tilespmem:$0x1E640] =	vst v63  }
0xd5: {  	_ =	swait.ge [sflag:s26], $0x100  }
0xd6: {  	[sflag:s26] =	ssyncset.done $0x0  }
0xd7: {  	s31 =	simm.s32 $0xB;
	[sflag:s26] =	ssyncadd.s32 $0xFFFFFF00  }
0xd8: {  	[tilespmem:s29], [sflag:$0x2] =	stream.indirect.gather [hbm4b:s18+s30], $0x80, s11, s30, $0xb8;
	[tilespmem:$0x1E640] =	vst v63  }
0xd9: {  	_ =	swait.ge [sflag:s31], $0x100  }
0xda: {  	[sflag:s31] =	ssyncset.done $0x0  }
0xdb: {  	[sflag:s31] =	ssyncadd.s32 $0xFFFFFF00  }
0xdc: {  	[tilespmem:s14], [sflag:$0x3] =	stream.indirect.gather [hbm4b:s18+s30], $0x80, s9, s30, $0xb8;
	[tilespmem:$0x1E640] =	vst v63  }
0xdd: {  	s12 =	simm.s32 $0x200;
	s18 =	simm.s32 $0x5800  }
.LBB2_4:
0xde: {  	s0 =	simm.s32 $0x1  }
0xdf: {  	_ =	swait.ge [sflag:s0], $0x2800  }
0xe0: {  	s9 =	simm.s32 @!p1 $0x50;
	[sflag:s0] =	ssyncset.done $0x0  }
0xe1: {  	s13 =	simm.s32 @!p1 $0x80;
	s26 =	simm.s32 @!p1 $0xAA80;
	[sflag:s0] =	ssyncadd.s32 $0xFFFFD800  }
0xe2: {  	[spmem:s3] =	stream.indirect.scatter.add.f32 @!p1 [tilespmem:s26], [sflag:$0x11], $0x1, s13, s9, $0xb8;
	[tilespmem:$0x1E640] =	vst v63  }
0xe3: {  	s9 =	simm.s32 @!p1 $0x11  }
0xe4: {  	_ =	swait.ge @!p1 [sflag:s9], $0x50  }
0xe5: {  	s11 =	simm.s32 $0x800;
	[sflag:s9] =	ssyncset.done @!p1 $0x0  }
0xe6: {  	p4 =	seq.s32 s24, $0x0;
	s26 =	sadd.s32 s24, s23;
	[sflag:s9] =	ssyncadd.s32 @!p1 $0xFFFFFFB0  }
0xe7: {  	[spmem:s2] =	stream.indirect.scatter.add.f32 [tilespmem:s11], [sflag:$0x5], $0x80, s5, s30, $0xb8;
	[tilespmem:$0x1E640] =	vst v63  }
0xe8: {  	s31 =	simm.s32 $0x400;
	s29 =	sadd.s32 $0x40, s26;
	s9 =	simm.s32 @!p4 $0x8  }
0xe9: {  	[tilespmem:s31], [sflag:$0xD] =	stream.strided.gather [hbm4b:s29+s5], $0x100, s7, s5, $0x38;
	[tilespmem:$0x1E640] =	vst v63  }
0xea: {  	_ =	swait.ge @!p4 [sflag:s9], $0x2800  }
0xeb: {  	[sflag:s9] =	ssyncset.done @!p4 $0x0  }
0xec: {  	[sflag:s9] =	ssyncadd.s32 @!p4 $0xFFFFD800;
	s9 =	simm.s32 $0xC  }
0xed: {  	_ =	swait.ge [sflag:s9], $0x100  }
0xee: {  	s13 =	simm.s32 @p0 $0x300;
	[sflag:s9] =	ssyncset.done $0x0  }
0xef: {  	s29 =	simm.s32 @p0 $0x8000;
	[sflag:s9] =	ssyncadd.s32 $0xFFFFFF00;
	s9 =	simm.s32 @p0 $0x50  }
0xf0: {  	[tilespmem:s29], [sflag:$0x4] =	stream.indirect.gather @p0 [hbm4b:s6+s9], $0x80, s13, s9, $0xb8;
	[tilespmem:$0x1E640] =	vst v63  }
0xf1: {  	s13 =	simm.s32 @p0 $0x2  }
0xf2: {  	_ =	swait.ge @p0 [sflag:s13], $0x2800  }
0xf3: {  	[sflag:s13] =	ssyncset.done @p0 $0x0  }
0xf4: {  	s29 =	simm.s32 @p0 $0xAA80;
	[sflag:s13] =	ssyncadd.s32 @p0 $0xFFFFD800;
	s13 =	simm.s32 @p0 $0x180  }
0xf5: {  	[spmem:s3] =	stream.indirect.scatter.add.f32 @p0 [tilespmem:s29], [sflag:$0x11], $0x1, s13, s9, $0xb8;
	[tilespmem:$0x1E640] =	vst v63  }
0xf6: {  	s13 =	simm.s32 @p0 $0x11  }
0xf7: {  	_ =	swait.ge @p0 [sflag:s13], $0x50  }
0xf8: {  	s10 =	simm.s32 @!p0 $0x8000;
	[sflag:s13] =	ssyncset.done @p0 $0x0  }
0xf9: {  	s0 =	simm.s32 @!p0 $0x300;
	s31 =	simm.s32 @!p0 $0x50;
	[sflag:s13] =	ssyncadd.s32 @p0 $0xFFFFFFB0  }
0xfa: {  	[tilespmem:s10], [sflag:$0x4] =	stream.indirect.gather @!p0 [hbm4b:s1+s31], $0x80, s0, s31, $0xb8;
	[tilespmem:$0x1E640] =	vst v63  }
0xfb: {  	s0 =	simm.s32 @!p0 $0x2  }
0xfc: {  	_ =	swait.ge @!p0 [sflag:s0], $0x2800  }
0xfd: {  	[sflag:s0] =	ssyncset.done @!p0 $0x0  }
0xfe: {  	s14 =	simm.s32 $0x3000;
	s10 =	simm.s32 $0x180;
	[sflag:s0] =	ssyncadd.s32 @!p0 $0xFFFFD800  }
0xff: {  	[spmem:s2] =	stream.indirect.scatter.add.f32 [tilespmem:s14], [sflag:$0x6], $0x80, s10, s30, $0xb8;
	[tilespmem:$0x1E640] =	vst v63  }
0x100: {  	s0 =	sadd.s32 $0x50, s26;
	s10 =	simm.s32 $0x500  }
0x101: {  	[tilespmem:s10], [sflag:$0xE] =	stream.strided.gather [hbm4b:s0+s5], $0x100, s7, s5, $0x38;
	[tilespmem:$0x1E640] =	vst v63  }
0x102: {  	_ =	swait.ge [sflag:s17], $0x2800  }
0x103: {  	[sflag:s17] =	ssyncset.done $0x0  }
0x104: {  	s10 =	simm.s32 $0xD;
	[sflag:s17] =	ssyncadd.s32 $0xFFFFD800  }
0x105: {  	_ =	swait.ge [sflag:s10], $0x100  }
0x106: {  	[sflag:s10] =	ssyncset.done $0x0  }
0x107: {  	s0 =	simm.s32 @p0 $0x400;
	[sflag:s10] =	ssyncadd.s32 $0xFFFFFF00;
	s10 =	simm.s32 @p0 $0x800  }
0x108: {  	[tilespmem:s10], [sflag:$0x1] =	stream.indirect.gather @p0 [hbm4b:s6+s9], $0x80, s0, s9, $0xb8;
	[tilespmem:$0x1E640] =	vst v63  }
0x109: {  	s0 =	simm.s32 @p0 $0x3  }
0x10a: {  	_ =	swait.ge @p0 [sflag:s0], $0x2800  }
0x10b: {  	[sflag:s0] =	ssyncset.done @p0 $0x0  }
0x10c: {  	[sflag:s0] =	ssyncadd.s32 @p0 $0xFFFFD800;
	s0 =	simm.s32 @p0 $0x280  }
0x10d: {  	[spmem:s3] =	stream.indirect.scatter.add.f32 @p0 [tilespmem:s29], [sflag:$0x11], $0x1, s0, s9, $0xb8;
	[tilespmem:$0x1E640] =	vst v63  }
0x10e: {  	_ =	swait.ge @p0 [sflag:s13], $0x50  }
0x10f: {  	[sflag:s13] =	ssyncset.done @p0 $0x0  }
0x110: {  	s10 =	simm.s32 @!p0 $0x800;
	s0 =	simm.s32 @!p0 $0x400;
	[sflag:s13] =	ssyncadd.s32 @p0 $0xFFFFFFB0  }
0x111: {  	[tilespmem:s10], [sflag:$0x1] =	stream.indirect.gather @!p0 [hbm4b:s1+s31], $0x80, s0, s31, $0xb8;
	[tilespmem:$0x1E640] =	vst v63  }
0x112: {  	s0 =	simm.s32 @!p0 $0x3  }
0x113: {  	_ =	swait.ge @!p0 [sflag:s0], $0x2800  }
0x114: {  	[sflag:s0] =	ssyncset.done @!p0 $0x0  }
0x115: {  	s10 =	simm.s32 $0x280;
	[sflag:s0] =	ssyncadd.s32 @!p0 $0xFFFFD800  }
0x116: {  	[spmem:s2] =	stream.indirect.scatter.add.f32 [tilespmem:s18], [sflag:$0x7], $0x80, s10, s30, $0xb8;
	[tilespmem:$0x1E640] =	vst v63  }
0x117: {  	s10 =	sadd.s32 $0x60, s26;
	s18 =	simm.s32 $0x600  }
0x118: {  	[tilespmem:s18], [sflag:$0xF] =	stream.strided.gather [hbm4b:s10+s5], $0x100, s7, s5, $0x38;
	[tilespmem:$0x1E640] =	vst v63  }
0x119: {  	_ =	swait.ge [sflag:s21], $0x2800  }
0x11a: {  	[sflag:s21] =	ssyncset.done $0x0  }
0x11b: {  	[sflag:s21] =	ssyncadd.s32 $0xFFFFD800  }
0x11c: {  	_ =	swait.ge [sflag:s22], $0x100  }
0x11d: {  	[sflag:s22] =	ssyncset.done $0x0  }
0x11e: {  	s0 =	simm.s32 @p0 $0x500;
	s10 =	simm.s32 @p0 $0x3000;
	[sflag:s22] =	ssyncadd.s32 $0xFFFFFF00  }
0x11f: {  	[tilespmem:s10], [sflag:$0x2] =	stream.indirect.gather @p0 [hbm4b:s6+s9], $0x80, s0, s9, $0xb8;
	[tilespmem:$0x1E640] =	vst v63  }
0x120: {  	s0 =	simm.s32 @p0 $0x4  }
0x121: {  	_ =	swait.ge @p0 [sflag:s0], $0x2800  }
0x122: {  	[sflag:s0] =	ssyncset.done @p0 $0x0  }
0x123: {  	[sflag:s0] =	ssyncadd.s32 @p0 $0xFFFFD800;
	s0 =	simm.s32 @p0 $0x380  }
0x124: {  	[spmem:s3] =	stream.indirect.scatter.add.f32 @p0 [tilespmem:s29], [sflag:$0x11], $0x1, s0, s9, $0xb8;
	[tilespmem:$0x1E640] =	vst v63  }
0x125: {  	_ =	swait.ge @p0 [sflag:s13], $0x50  }
0x126: {  	[sflag:s13] =	ssyncset.done @p0 $0x0  }
0x127: {  	s10 =	simm.s32 @!p0 $0x3000;
	s0 =	simm.s32 @!p0 $0x500;
	[sflag:s13] =	ssyncadd.s32 @p0 $0xFFFFFFB0  }
0x128: {  	[tilespmem:s10], [sflag:$0x2] =	stream.indirect.gather @!p0 [hbm4b:s1+s31], $0x80, s0, s31, $0xb8;
	[tilespmem:$0x1E640] =	vst v63  }
0x129: {  	s0 =	simm.s32 @!p0 $0x4  }
0x12a: {  	_ =	swait.ge @!p0 [sflag:s0], $0x2800  }
0x12b: {  	[sflag:s0] =	ssyncset.done @!p0 $0x0  }
0x12c: {  	s18 =	simm.s32 $0x380;
	[sflag:s0] =	ssyncadd.s32 @!p0 $0xFFFFD800  }
0x12d: {  	[spmem:s2] =	stream.indirect.scatter.add.f32 [tilespmem:s25], [sflag:$0x8], $0x80, s18, s30, $0xb8;
	[tilespmem:$0x1E640] =	vst v63  }
0x12e: {  	s10 =	sadd.s32 $0x70, s26;
	s18 =	simm.s32 $0x700  }
0x12f: {  	[tilespmem:s18], [sflag:$0x10] =	stream.strided.gather [hbm4b:s10+s5], $0x100, s7, s5, $0x38;
	[tilespmem:$0x1E640] =	vst v63  }
0x130: {  	_ =	swait.ge [sflag:s15], $0x2800  }
0x131: {  	[sflag:s15] =	ssyncset.done $0x0  }
0x132: {  	[sflag:s15] =	ssyncadd.s32 $0xFFFFD800  }
0x133: {  	_ =	swait.ge [sflag:s16], $0x100  }
0x134: {  	[sflag:s16] =	ssyncset.done $0x0  }
0x135: {  	s0 =	simm.s32 @p0 $0x600;
	s10 =	simm.s32 @p0 $0x5800;
	[sflag:s16] =	ssyncadd.s32 $0xFFFFFF00  }
0x136: {  	[tilespmem:s10], [sflag:$0x3] =	stream.indirect.gather @p0 [hbm4b:s6+s9], $0x80, s0, s9, $0xb8;
	[tilespmem:$0x1E640] =	vst v63  }
0x137: {  	s0 =	simm.s32 @p0 $0x1  }
0x138: {  	_ =	swait.ge @p0 [sflag:s0], $0x2800  }
0x139: {  	[sflag:s0] =	ssyncset.done @p0 $0x0  }
0x13a: {  	[sflag:s0] =	ssyncadd.s32 @p0 $0xFFFFD800;
	s0 =	simm.s32 @p0 $0x480  }
0x13b: {  	[spmem:s3] =	stream.indirect.scatter.add.f32 @p0 [tilespmem:s29], [sflag:$0x11], $0x1, s0, s9, $0xb8;
	[tilespmem:$0x1E640] =	vst v63  }
0x13c: {  	_ =	swait.ge @p0 [sflag:s13], $0x50  }
0x13d: {  	[sflag:s13] =	ssyncset.done @p0 $0x0  }
0x13e: {  	s0 =	simm.s32 @!p0 $0x600;
	s9 =	simm.s32 @!p0 $0x5800;
	[sflag:s13] =	ssyncadd.s32 @p0 $0xFFFFFFB0  }
0x13f: {  	[tilespmem:s9], [sflag:$0x3] =	stream.indirect.gather @!p0 [hbm4b:s1+s31], $0x80, s0, s31, $0xb8;
	[tilespmem:$0x1E640] =	vst v63  }
0x140: {  	s0 =	simm.s32 @!p0 $0x1  }
0x141: {  	p4 =	seq.s32 s24, $0x780;
	_ =	swait.ge @!p0 [sflag:s0], $0x2800  }
0x142: {  	s10 =	simm.s32 @!p4 $0x40000;
	[sflag:s0] =	ssyncset.done @!p0 $0x0  }
0x143: {  	s31 =	simm.s32 $0x480;
	[sflag:s0] =	ssyncadd.s32 @!p0 $0xFFFFD800;
	s0 =	sadd.s32 @!p4 s24, s23  }
0x144: {  	[spmem:s2] =	stream.indirect.scatter.add.f32 [tilespmem:s11], [sflag:$0x5], $0x80, s31, s30, $0xb8;
	[tilespmem:$0x1E640] =	vst v63  }
0x145: {  	s13 =	simm.s32 @!p4 $0x0;
	s9 =	simm.s32 @!p4 $0x80;
	s0 =	sadd.s32 @!p4 $0x80, s0  }
0x146: {  	[tilespmem:s13], [sflag:$0x9] =	stream.strided.gather @!p4 [hbm4b:s0+s9], $0x100, s10, s9, $0x38;
	[tilespmem:$0x1E640] =	vst v63  }
0x147: {  	_ =	swait.ge [sflag:s20], $0x2800  }
.Ltmp3:
0x148: {  	[sflag:s20] =	ssyncset.done $0x0;
	(pc) =	sbr.rel @p1 .LBB2_7-.Ltmp3, $4  }
0x149: {  	[sflag:s20] =	ssyncadd.s32 $0xFFFFD800  }
0x14a: {  	_ =	swait.ge [sflag:s4], $0x100  }
0x14b: {  	[sflag:s4] =	ssyncset.done $0x0  }
0x14c: {  	[sflag:s4] =	ssyncadd.s32 $0xFFFFFF00  }
0x14d: {  	[tilespmem:s25], [sflag:$0x4] =	stream.indirect.gather [hbm4b:s6+s30], $0x80, s18, s30, $0xb8;
	[tilespmem:$0x1E640] =	vst v63  }
0x14e: {  	_ =	swait.ge [sflag:s19], $0x2800  }
0x14f: {  	[sflag:s19] =	ssyncset.done $0x0  }
0x150: {  	s0 =	simm.s32 $0x580;
	s13 =	simm.s32 $0xAA80;
	[sflag:s19] =	ssyncadd.s32 $0xFFFFD800  }
0x151: {  	[spmem:s3] =	stream.indirect.scatter.add.f32 [tilespmem:s13], [sflag:$0x11], $0x1, s0, s30, $0xb8;
	[tilespmem:$0x1E640] =	vst v63  }
.Ltmp4:
0x152: {  	_ = 	snop;
	(pc) =	sbr.rel @!p4 .LBB2_8-.Ltmp4, $4  }
0x153: {  	_ =	swait.ge [sflag:s28], $0x50  }
0x154: {  	[sflag:s28] =	ssyncset.done $0x0  }
0x155: {  	s11 =	simm.s32 $0x100;
	s29 =	simm.s32 $0x3000;
	[sflag:s28] =	ssyncadd.s32 $0xFFFFFFB0  }
0x156: {  	[spmem:s2] =	stream.indirect.scatter.add.f32 [tilespmem:s14], [sflag:$0x6], $0x80, s0, s30, $0xb8;
	[tilespmem:$0x1E640] =	vst v63  }
0x157: {  	s0 =	simm.s32 $0x3  }
0x158: {  	_ =	swait.ge [sflag:s0], $0x2800  }
0x159: {  	[sflag:s0] =	ssyncset.done $0x0  }
0x15a: {  	s31 =	simm.s32 $0x680;
	[sflag:s0] =	ssyncadd.s32 $0xFFFFD800  }
0x15b: {  	[spmem:s3] =	stream.indirect.scatter.add.f32 [tilespmem:s13], [sflag:$0x11], $0x1, s31, s30, $0xb8;
	[tilespmem:$0x1E640] =	vst v63  }
.Ltmp5:
0x15c: {  	_ = 	snop;
	(pc) =	sbr.rel .LBB2_10-.Ltmp5, $4  }
0x15d: {  	_ =	swait.ge [sflag:s28], $0x50  }
0x15e: {  	[sflag:s28] =	ssyncset.done $0x0  }
0x15f: {  	s14 =	simm.s32 $0x5800;
	s0 =	simm.s32 $0x780;
	[sflag:s28] =	ssyncadd.s32 $0xFFFFFFB0  }
0x160: {  	[spmem:s2] =	stream.indirect.scatter.add.f32 [tilespmem:s14], [sflag:$0x7], $0x80, s31, s30, $0xb8;
	[tilespmem:$0x1E640] =	vst v63  }
.LBB2_7:
0x161: {  	[tilespmem:s25], [sflag:$0x4] =	stream.indirect.gather [hbm4b:s1+s30], $0x80, s18, s30, $0xb8;
	[tilespmem:$0x1E640] =	vst v63  }
.Ltmp6:
0x162: {  	_ = 	snop;
	(pc) =	sbr.rel @!p4 .LBB2_8-.Ltmp6, $4  }
0x163: {  	_ =	swait.ge [sflag:s19], $0x2800  }
0x164: {  	s0 =	simm.s32 $0x580;
	s11 =	simm.s32 $0x100;
	[sflag:s19] =	ssyncset.done $0x0  }
0x165: {  	s29 =	simm.s32 $0x3000;
	s13 =	simm.s32 $0xAA80;
	[sflag:s19] =	ssyncadd.s32 $0xFFFFD800  }
0x166: {  	[spmem:s2] =	stream.indirect.scatter.add.f32 [tilespmem:s14], [sflag:$0x6], $0x80, s0, s30, $0xb8;
	[tilespmem:$0x1E640] =	vst v63  }
.Ltmp7:
0x167: {  	s0 =	simm.s32 $0x3;
	(pc) =	sbr.rel .LBB2_13-.Ltmp7, $4  }
0x168: {  	_ =	swait.ge [sflag:s0], $0x2800  }
0x169: {  	s14 =	simm.s32 $0x5800;
	[sflag:s0] =	ssyncset.done $0x0  }
0x16a: {  	s31 =	simm.s32 $0x680;
	[sflag:s0] =	ssyncadd.s32 $0xFFFFD800;
	s0 =	simm.s32 $0x780  }
0x16b: {  	[spmem:s2] =	stream.indirect.scatter.add.f32 [tilespmem:s14], [sflag:$0x7], $0x80, s31, s30, $0xb8;
	[tilespmem:$0x1E640] =	vst v63  }
.LBB2_8:
0x16c: {  	s0 =	sadd.s32 $0x90, s26  }
0x16d: {  	[tilespmem:s11], [sflag:$0xA] =	stream.strided.gather [hbm4b:s0+s5], $0x100, s7, s5, $0x38;
	[tilespmem:$0x1E640] =	vst v63  }
0x16e: {  	_ =	swait.ge [sflag:s17], $0x2800  }
0x16f: {  	[sflag:s17] =	ssyncset.done $0x0  }
0x170: {  	s9 =	simm.s32 $0x9;
	[sflag:s17] =	ssyncadd.s32 $0xFFFFD800  }
0x171: {  	_ =	swait.ge [sflag:s9], $0x100  }
0x172: {  	s10 =	simm.s32 @p1 $0x800;
	[sflag:s9] =	ssyncset.done $0x0  }
0x173: {  	s0 =	simm.s32 @p1 $0x50;
	[sflag:s9] =	ssyncadd.s32 $0xFFFFFF00;
	s9 =	simm.s32 @p1 $0x0  }
0x174: {  	[tilespmem:s10], [sflag:$0x1] =	stream.indirect.gather @p1 [hbm4b:s1+s0], $0x80, s9, s0, $0xb8;
	[tilespmem:$0x1E640] =	vst v63  }
0x175: {  	s0 =	simm.s32 @p1 $0x3  }
0x176: {  	_ =	swait.ge @p1 [sflag:s0], $0x2800  }
0x177: {  	s9 =	simm.s32 @!p1 $0x0;
	[sflag:s0] =	ssyncset.done @p1 $0x0  }
0x178: {  	s10 =	simm.s32 @!p1 $0x800;
	[sflag:s0] =	ssyncadd.s32 @p1 $0xFFFFD800;
	s0 =	simm.s32 @!p1 $0x50  }
0x179: {  	[tilespmem:s10], [sflag:$0x1] =	stream.indirect.gather @!p1 [hbm4b:s6+s0], $0x80, s9, s0, $0xb8;
	[tilespmem:$0x1E640] =	vst v63  }
0x17a: {  	s9 =	simm.s32 @!p1 $0x3  }
0x17b: {  	_ =	swait.ge @!p1 [sflag:s9], $0x2800  }
0x17c: {  	[sflag:s9] =	ssyncset.done @!p1 $0x0  }
0x17d: {  	s10 =	simm.s32 @!p1 $0xAA80;
	[sflag:s9] =	ssyncadd.s32 @!p1 $0xFFFFD800;
	s9 =	simm.s32 @!p1 $0x680  }
0x17e: {  	[spmem:s3] =	stream.indirect.scatter.add.f32 @!p1 [tilespmem:s10], [sflag:$0x11], $0x1, s9, s0, $0xb8;
	[tilespmem:$0x1E640] =	vst v63  }
0x17f: {  	s0 =	simm.s32 @!p1 $0x11  }
0x180: {  	_ =	swait.ge @!p1 [sflag:s0], $0x50  }
0x181: {  	[sflag:s0] =	ssyncset.done @!p1 $0x0  }
0x182: {  	s14 =	simm.s32 $0x5800;
	s10 =	simm.s32 $0x680;
	[sflag:s0] =	ssyncadd.s32 @!p1 $0xFFFFFFB0  }
0x183: {  	[spmem:s2] =	stream.indirect.scatter.add.f32 [tilespmem:s14], [sflag:$0x7], $0x80, s10, s30, $0xb8;
	[tilespmem:$0x1E640] =	vst v63  }
0x184: {  	s18 =	sadd.s32 $0xA0, s26  }
0x185: {  	[tilespmem:s12], [sflag:$0xB] =	stream.strided.gather [hbm4b:s18+s5], $0x100, s7, s5, $0x38;
	[tilespmem:$0x1E640] =	vst v63  }
0x186: {  	_ =	swait.ge [sflag:s21], $0x2800  }
.Ltmp8:
0x187: {  	[sflag:s21] =	ssyncset.done $0x0;
	(pc) =	sbr.rel @p1 .LBB2_11-.Ltmp8, $4  }
0x188: {  	s31 =	simm.s32 $0xA;
	[sflag:s21] =	ssyncadd.s32 $0xFFFFD800  }
0x189: {  	_ =	swait.ge [sflag:s31], $0x100  }
0x18a: {  	[sflag:s31] =	ssyncset.done $0x0  }
0x18b: {  	[sflag:s31] =	ssyncadd.s32 $0xFFFFFF00  }
0x18c: {  	[tilespmem:s29], [sflag:$0x2] =	stream.indirect.gather [hbm4b:s6+s30], $0x80, s11, s30, $0xb8;
	[tilespmem:$0x1E640] =	vst v63  }
0x18d: {  	s0 =	simm.s32 $0x780  }
.LBB2_10:
0x18e: {  	_ =	swait.ge [sflag:s8], $0x2800  }
0x18f: {  	[sflag:s8] =	ssyncset.done $0x0  }
.Ltmp9:
0x190: {  	[sflag:s8] =	ssyncadd.s32 $0xFFFFD800;
	(pc) =	sbr.rel .LBB2_14-.Ltmp9, $4  }
0x191: {  	[spmem:s3] =	stream.indirect.scatter.add.f32 [tilespmem:s13], [sflag:$0x11], $0x1, s0, s30, $0xb8;
	[tilespmem:$0x1E640] =	vst v63  }
0x192: {  	_ =	swait.ge [sflag:s28], $0x50  }
0x193: {  	[sflag:s28] =	ssyncset.done $0x0  }
0x194: {  	[sflag:s28] =	ssyncadd.s32 $0xFFFFFFB0  }
.LBB2_11:
0x195: {  	[tilespmem:s29], [sflag:$0x2] =	stream.indirect.gather [hbm4b:s1+s30], $0x80, s11, s30, $0xb8;
	[tilespmem:$0x1E640] =	vst v63  }
0x196: {  	s0 =	simm.s32 $0x780  }
.LBB2_13:
0x197: {  	_ =	swait.ge [sflag:s8], $0x2800  }
0x198: {  	[sflag:s8] =	ssyncset.done $0x0  }
0x199: {  	[sflag:s8] =	ssyncadd.s32 $0xFFFFD800  }
.LBB2_14:
.Ltmp10:
0x19a: {  	(pc) =	sbr.rel @p4 .LBB2_16-.Ltmp10, $2  }
0x19b: {  	_ =	sdelay $0x2  }
0x19c: {  	[spmem:s2] =	stream.indirect.scatter.add.f32 [tilespmem:s25], [sflag:$0x8], $0x80, s0, s30, $0xb8;
	[tilespmem:$0x1E640] =	vst v63  }
0x19d: {  	s0 =	sadd.s32 $0xB0, s26;
	s9 =	simm.s32 $0x300  }
0x19e: {  	[tilespmem:s9], [sflag:$0xC] =	stream.strided.gather [hbm4b:s0+s5], $0x100, s7, s5, $0x38;
	[tilespmem:$0x1E640] =	vst v63  }
0x19f: {  	_ =	swait.ge [sflag:s15], $0x2800  }
0x1a0: {  	[sflag:s15] =	ssyncset.done $0x0  }
0x1a1: {  	s29 =	simm.s32 $0xB;
	[sflag:s15] =	ssyncadd.s32 $0xFFFFD800  }
.Ltmp11:
0x1a2: {  	_ =	swait.ge [sflag:s29], $0x100;
	(pc) =	sbr.rel .LBB2_4-.Ltmp11, $4  }
0x1a3: {  	s31 =	sld [smem:$0x7FC]  }
0x1a4: {  	[sflag:s29] =	ssyncset.done $0x0  }
0x1a5: {  	s24 =	sadd.s32 $0x80, s24;
	s18 =	simm.s32 $0x5800;
	[sflag:s29] =	ssyncadd.s32 $0xFFFFFF00  }
0x1a6: {  	[tilespmem:s14], [sflag:$0x3] =	stream.indirect.gather [hbm4b:s31+s30], $0x80, s12, s30, $0xb8;
	[tilespmem:$0x1E640] =	vst v63  }
.LBB2_16:
0x1a7: {  	_ =	swait.ge [sflag:s17], $0x2800  }
0x1a8: {  	[sflag:s17] =	ssyncset.done $0x0  }
0x1a9: {  	[sflag:s17] =	ssyncadd.s32 $0xFFFFD800  }
0x1aa: {  	_ =	swait.ge [sflag:s21], $0x2800  }
0x1ab: {  	[sflag:s21] =	ssyncset.done $0x0  }
0x1ac: {  	[sflag:s21] =	ssyncadd.s32 $0xFFFFD800  }
0x1ad: {  	_ =	swait.ge [sflag:s15], $0x2800  }
0x1ae: {  	[sflag:s15] =	ssyncset.done $0x0  }
0x1af: {  	[sflag:s15] =	ssyncadd.s32 $0xFFFFD800  }
.Ltmp12:
0x1b0: {  	_ =	swait.ge [sflag:s20], $0x2800;
	(pc) =	sbr.rel @p1 .LBB2_18-.Ltmp12, $4  }
0x1b1: {  	[sflag:s20] =	ssyncset.done $0x0  }
0x1b2: {  	s0 =	stileid.u32;
	[sflag:s20] =	ssyncadd.s32 $0xFFFFD800  }
0x1b3: {  	s0 =	sshll.u32 s0, $0x6;
	[bflag:$0x0] =	sbarrier.arrive $0xFFFF  }
0x1b4: {  	s24 =	sor.u32 $0x1C11, s0  }
0x1b5: {  	s0 =	rddreg [dreg:$0x8]  }
0x1b6: {  	s9 =	rddreg [dreg:$0x19];
	s0 =	sshrl.u32 s0, $0x3  }
0x1b7: {  	[hbm:s9], [sflag:s24] =	dma.local [spmem:s0], $0x50  }
0x1b8: {  	_ =	swait.ge [sflag:s28], $0x50  }
0x1b9: {  	[sflag:s28] =	ssyncset.done $0x0;
	s26 =	rddreg [dreg:$0x9]  }
0x1ba: {  	s31 =	rddreg [dreg:$0x1b];
	[sflag:s28] =	ssyncadd.s32 $0xFFFFFFB0;
	s0 =	sshrl.u32 s26, $0x3  }
0x1bb: {  	[hbm:s31], [sflag:s24] =	dma.local [spmem:s0], $0x300  }
0x1bc: {  	_ =	swait.ge [sflag:s28], $0x300  }
0x1bd: {  	[sflag:s28] =	ssyncset.done $0x0;
	s10 =	rddreg [dreg:$0xa]  }
0x1be: {  	s12 =	rddreg [dreg:$0x1d];
	[sflag:s28] =	ssyncadd.s32 $0xFFFFFD00;
	s0 =	sshrl.u32 s10, $0x3  }
0x1bf: {  	[hbm:s12], [sflag:s24] =	dma.local [spmem:s0], $0x300  }
0x1c0: {  	_ =	swait.ge [sflag:s28], $0x300  }
0x1c1: {  	[sflag:s28] =	ssyncset.done $0x0;
	s13 =	rddreg [dreg:$0xb]  }
0x1c2: {  	s18 =	rddreg [dreg:$0x1f];
	[sflag:s28] =	ssyncadd.s32 $0xFFFFFD00;
	s0 =	sshrl.u32 s13, $0x3  }
0x1c3: {  	[hbm:s18], [sflag:s24] =	dma.local [spmem:s0], $0x300  }
0x1c4: {  	_ =	swait.ge [sflag:s28], $0x300  }
0x1c5: {  	s31 =	sld [smem:$0x7E8]  }
0x1c6: {  	[sflag:s28] =	ssyncset.done $0x0;
	s26 =	rddreg [dreg:$0xc]  }
0x1c7: {  	[sflag:s28] =	ssyncadd.s32 $0xFFFFFD00;
	s0 =	sshrl.u32 s26, $0x3  }
0x1c8: {  	[hbm:s31], [sflag:s24] =	dma.local [spmem:s0], $0x300  }
0x1c9: {  	_ =	swait.ge [sflag:s28], $0x300  }
0x1ca: {  	s12 =	sld [smem:$0x7EA]  }
0x1cb: {  	[sflag:s28] =	ssyncset.done $0x0;
	s10 =	rddreg [dreg:$0xd]  }
0x1cc: {  	[sflag:s28] =	ssyncadd.s32 $0xFFFFFD00;
	s0 =	sshrl.u32 s10, $0x3  }
0x1cd: {  	[hbm:s12], [sflag:s24] =	dma.local [spmem:s0], $0x300  }
0x1ce: {  	_ =	swait.ge [sflag:s28], $0x300  }
0x1cf: {  	s18 =	sld [smem:$0x7EC]  }
0x1d0: {  	[sflag:s28] =	ssyncset.done $0x0;
	s13 =	rddreg [dreg:$0xe]  }
0x1d1: {  	[sflag:s28] =	ssyncadd.s32 $0xFFFFFD00;
	s0 =	sshrl.u32 s13, $0x3  }
0x1d2: {  	[hbm:s18], [sflag:s24] =	dma.local [spmem:s0], $0x300  }
0x1d3: {  	_ =	swait.ge [sflag:s28], $0x300  }
0x1d4: {  	s31 =	sld [smem:$0x7EE]  }
0x1d5: {  	[sflag:s28] =	ssyncset.done $0x0;
	s26 =	rddreg [dreg:$0xf]  }
0x1d6: {  	[sflag:s28] =	ssyncadd.s32 $0xFFFFFD00;
	s0 =	sshrl.u32 s26, $0x3  }
0x1d7: {  	[hbm:s31], [sflag:s24] =	dma.local [spmem:s0], $0x300  }
0x1d8: {  	_ =	swait.ge [sflag:s28], $0x300  }
0x1d9: {  	s12 =	sld [smem:$0x7F0]  }
0x1da: {  	[sflag:s28] =	ssyncset.done $0x0;
	s10 =	rddreg [dreg:$0x10]  }
0x1db: {  	[sflag:s28] =	ssyncadd.s32 $0xFFFFFD00;
	s0 =	sshrl.u32 s10, $0x3  }
0x1dc: {  	[hbm:s12], [sflag:s24] =	dma.local [spmem:s0], $0x300  }
0x1dd: {  	_ =	swait.ge [sflag:s28], $0x300  }
0x1de: {  	s18 =	sld [smem:$0x7F2]  }
0x1df: {  	[sflag:s28] =	ssyncset.done $0x0;
	s13 =	rddreg [dreg:$0x11]  }
0x1e0: {  	[sflag:s28] =	ssyncadd.s32 $0xFFFFFD00;
	s0 =	sshrl.u32 s13, $0x3  }
0x1e1: {  	[hbm:s18], [sflag:s24] =	dma.local [spmem:s0], $0x300  }
0x1e2: {  	_ =	swait.ge [sflag:s28], $0x300  }
0x1e3: {  	s31 =	sld [smem:$0x7F4]  }
0x1e4: {  	[sflag:s28] =	ssyncset.done $0x0;
	s26 =	rddreg [dreg:$0x12]  }
0x1e5: {  	[sflag:s28] =	ssyncadd.s32 $0xFFFFFD00;
	s0 =	sshrl.u32 s26, $0x3  }
0x1e6: {  	[hbm:s31], [sflag:s24] =	dma.local [spmem:s0], $0x300  }
0x1e7: {  	_ =	swait.ge [sflag:s28], $0x300  }
0x1e8: {  	s12 =	sld [smem:$0x7F6]  }
0x1e9: {  	[sflag:s28] =	ssyncset.done $0x0;
	s10 =	rddreg [dreg:$0x13]  }
0x1ea: {  	[sflag:s28] =	ssyncadd.s32 $0xFFFFFD00;
	s0 =	sshrl.u32 s10, $0x3  }
0x1eb: {  	[hbm:s12], [sflag:s24] =	dma.local [spmem:s0], $0x300  }
0x1ec: {  	_ =	swait.ge [sflag:s28], $0x300  }
0x1ed: {  	s18 =	sld [smem:$0x7F8]  }
0x1ee: {  	[sflag:s28] =	ssyncset.done $0x0;
	s13 =	rddreg [dreg:$0x14]  }
0x1ef: {  	[sflag:s28] =	ssyncadd.s32 $0xFFFFFD00;
	s0 =	sshrl.u32 s13, $0x3  }
0x1f0: {  	[hbm:s18], [sflag:s24] =	dma.local [spmem:s0], $0x300  }
0x1f1: {  	_ =	swait.ge [sflag:s28], $0x300  }
0x1f2: {  	s31 =	sld [smem:$0x7FA]  }
0x1f3: {  	[sflag:s28] =	ssyncset.done $0x0;
	s26 =	rddreg [dreg:$0x15]  }
0x1f4: {  	[sflag:s28] =	ssyncadd.s32 $0xFFFFFD00;
	s0 =	sshrl.u32 s26, $0x3  }
0x1f5: {  	[hbm:s31], [sflag:s24] =	dma.local [spmem:s0], $0x300  }
.Ltmp13:
0x1f6: {  	_ = 	snop;
	(pc) =	sbr.rel @!p3 .LBB2_20-.Ltmp13, $4  }
.Ltmp14:
0x1f7: {  	_ = 	snop;
	(pc) =	sbr.rel @p3 .LBB2_19-.Ltmp14, $4  }
0x1f8: {  	_ =	swait.ge [sflag:s28], $0x300  }
0x1f9: {  	[sflag:s28] =	ssyncset.done $0x0;
	s9 =	rddreg [dreg:$0x6]  }
0x1fa: {  	s24 =	rddreg [dreg:$0x5];
	[sflag:s28] =	ssyncadd.s32 $0xFFFFFD00  }
0x1fb: {  	_ = 	snop  }
.LBB2_18:
0x1fc: {  	s0 =	rddreg [dreg:$0x9]  }
0x1fd: {  	s9 =	rddreg [dreg:$0x1a];
	s0 =	sshrl.u32 s0, $0x3  }
0x1fe: {  	[hbm:s9], [sflag:s24] =	dma.local [spmem:s0], $0x300  }
0x1ff: {  	_ =	swait.ge [sflag:s28], $0x300  }
0x200: {  	[sflag:s28] =	ssyncset.done $0x0;
	s10 =	rddreg [dreg:$0xa]  }
0x201: {  	s12 =	rddreg [dreg:$0x1c];
	[sflag:s28] =	ssyncadd.s32 $0xFFFFFD00;
	s0 =	sshrl.u32 s10, $0x3  }
0x202: {  	[hbm:s12], [sflag:s24] =	dma.local [spmem:s0], $0x300  }
0x203: {  	_ =	swait.ge [sflag:s28], $0x300  }
0x204: {  	[sflag:s28] =	ssyncset.done $0x0;
	s13 =	rddreg [dreg:$0xb]  }
0x205: {  	s18 =	rddreg [dreg:$0x1e];
	[sflag:s28] =	ssyncadd.s32 $0xFFFFFD00;
	s0 =	sshrl.u32 s13, $0x3  }
0x206: {  	[hbm:s18], [sflag:s24] =	dma.local [spmem:s0], $0x300  }
0x207: {  	_ =	swait.ge [sflag:s28], $0x300  }
0x208: {  	s31 =	sld [smem:$0x7E7]  }
0x209: {  	[sflag:s28] =	ssyncset.done $0x0;
	s26 =	rddreg [dreg:$0xc]  }
0x20a: {  	[sflag:s28] =	ssyncadd.s32 $0xFFFFFD00;
	s0 =	sshrl.u32 s26, $0x3  }
0x20b: {  	[hbm:s31], [sflag:s24] =	dma.local [spmem:s0], $0x300  }
0x20c: {  	_ =	swait.ge [sflag:s28], $0x300  }
0x20d: {  	s12 =	sld [smem:$0x7E9]  }
0x20e: {  	[sflag:s28] =	ssyncset.done $0x0;
	s10 =	rddreg [dreg:$0xd]  }
0x20f: {  	[sflag:s28] =	ssyncadd.s32 $0xFFFFFD00;
	s0 =	sshrl.u32 s10, $0x3  }
0x210: {  	[hbm:s12], [sflag:s24] =	dma.local [spmem:s0], $0x300  }
0x211: {  	_ =	swait.ge [sflag:s28], $0x300  }
0x212: {  	s18 =	sld [smem:$0x7EB]  }
0x213: {  	[sflag:s28] =	ssyncset.done $0x0;
	s13 =	rddreg [dreg:$0xe]  }
0x214: {  	[sflag:s28] =	ssyncadd.s32 $0xFFFFFD00;
	s0 =	sshrl.u32 s13, $0x3  }
0x215: {  	[hbm:s18], [sflag:s24] =	dma.local [spmem:s0], $0x300  }
0x216: {  	_ =	swait.ge [sflag:s28], $0x300  }
0x217: {  	s31 =	sld [smem:$0x7ED]  }
0x218: {  	[sflag:s28] =	ssyncset.done $0x0;
	s26 =	rddreg [dreg:$0xf]  }
0x219: {  	[sflag:s28] =	ssyncadd.s32 $0xFFFFFD00;
	s0 =	sshrl.u32 s26, $0x3  }
0x21a: {  	[hbm:s31], [sflag:s24] =	dma.local [spmem:s0], $0x300  }
0x21b: {  	_ =	swait.ge [sflag:s28], $0x300  }
0x21c: {  	s12 =	sld [smem:$0x7EF]  }
0x21d: {  	[sflag:s28] =	ssyncset.done $0x0;
	s10 =	rddreg [dreg:$0x10]  }
0x21e: {  	[sflag:s28] =	ssyncadd.s32 $0xFFFFFD00;
	s0 =	sshrl.u32 s10, $0x3  }
0x21f: {  	[hbm:s12], [sflag:s24] =	dma.local [spmem:s0], $0x300  }
0x220: {  	_ =	swait.ge [sflag:s28], $0x300  }
0x221: {  	s18 =	sld [smem:$0x7F1]  }
0x222: {  	[sflag:s28] =	ssyncset.done $0x0;
	s13 =	rddreg [dreg:$0x11]  }
0x223: {  	[sflag:s28] =	ssyncadd.s32 $0xFFFFFD00;
	s0 =	sshrl.u32 s13, $0x3  }
0x224: {  	[hbm:s18], [sflag:s24] =	dma.local [spmem:s0], $0x300  }
0x225: {  	_ =	swait.ge [sflag:s28], $0x300  }
0x226: {  	s31 =	sld [smem:$0x7F3]  }
0x227: {  	[sflag:s28] =	ssyncset.done $0x0;
	s26 =	rddreg [dreg:$0x12]  }
0x228: {  	[sflag:s28] =	ssyncadd.s32 $0xFFFFFD00;
	s0 =	sshrl.u32 s26, $0x3  }
0x229: {  	[hbm:s31], [sflag:s24] =	dma.local [spmem:s0], $0x300  }
0x22a: {  	_ =	swait.ge [sflag:s28], $0x300  }
0x22b: {  	s12 =	sld [smem:$0x7F5]  }
0x22c: {  	[sflag:s28] =	ssyncset.done $0x0;
	s10 =	rddreg [dreg:$0x13]  }
0x22d: {  	[sflag:s28] =	ssyncadd.s32 $0xFFFFFD00;
	s0 =	sshrl.u32 s10, $0x3  }
0x22e: {  	[hbm:s12], [sflag:s24] =	dma.local [spmem:s0], $0x300  }
0x22f: {  	_ =	swait.ge [sflag:s28], $0x300  }
0x230: {  	s18 =	sld [smem:$0x7F7]  }
0x231: {  	[sflag:s28] =	ssyncset.done $0x0;
	s13 =	rddreg [dreg:$0x14]  }
0x232: {  	[sflag:s28] =	ssyncadd.s32 $0xFFFFFD00;
	s0 =	sshrl.u32 s13, $0x3  }
0x233: {  	[hbm:s18], [sflag:s24] =	dma.local [spmem:s0], $0x300  }
0x234: {  	_ =	swait.ge [sflag:s28], $0x300  }
0x235: {  	s31 =	sld [smem:$0x7F9]  }
0x236: {  	[sflag:s28] =	ssyncset.done $0x0;
	s26 =	rddreg [dreg:$0x15]  }
0x237: {  	[sflag:s28] =	ssyncadd.s32 $0xFFFFFD00;
	s0 =	sshrl.u32 s26, $0x3  }
0x238: {  	[hbm:s31], [sflag:s24] =	dma.local [spmem:s0], $0x300  }
.Ltmp15:
0x239: {  	_ = 	snop;
	(pc) =	sbr.rel @p2 .LBB2_20-.Ltmp15, $4  }
.Ltmp16:
0x23a: {  	_ = 	snop;
	(pc) =	sbr.rel @!p2 .LBB2_19-.Ltmp16, $4  }
0x23b: {  	_ =	swait.ge [sflag:s28], $0x300  }
0x23c: {  	[sflag:s28] =	ssyncset.done $0x0;
	s9 =	rddreg [dreg:$0x7]  }
0x23d: {  	s24 =	rddreg [dreg:$0x5];
	[sflag:s28] =	ssyncadd.s32 $0xFFFFFD00  }
0x23e: {  	_ = 	snop  }
.LBB2_21:
0x23f: {  	_ =	sfence.sel $0x180000  }
0x240: {  	[bflag:$0x0] =	sbarrier.arrive $0xFFFF  }
0x241: {  	_ =	strace $0x90000047  }
0x242: {  	[bflag:$0x2] =	sbarrier.arrive $0xFFFF  }
0x243: {  	s0 =	rddreg [dreg:$0x4]  }
0x244: {  	s0 =	sadd.s32 @!p2 $0x100000, s0  }
0x245: {  	[sflag:s0] =	ssyncadd.tile.s32 @!p2 $0x1;
	_ =	shalt  }
.Lfunc_end2:
_tile_overlayer_lowered:
.L_overlay_start_2:
0x246: {  	(tag) =	ssettag $0x2  }
0x247: {  	s0 =	rddreg [dreg:$0x0];
	s2 =	stileid.u32  }
0x248: {  	s1 =	rddreg [dreg:$0x1];
	p0 =	sne.s32 s2, $0x0  }
0x249: {  	s3 =	rddreg [dreg:$0x2];
	[bflag:$0x3] =	sbarrier.arrive $0xFFFF;
	s2 =	simm.s32 @!p0 $0x1C11  }
0x24a: {  	[timem:s3], [sflag:s2] =	dma.local @!p0 [hbm:s0], s1  }
0x24b: {  	s0 =	simm.s32 @!p0 $0x11  }
0x24c: {  	_ =	swait.ge @!p0 [sflag:s0], s1  }
0x24d: {  	s1 =	ssub.s32 @!p0 $0x0, s1;
	[sflag:s0] =	ssyncset.done @!p0 $0x0  }
0x24e: {  	[sflag:s0] =	ssyncadd.s32 @!p0 s1  }
0x24f: {  	[bflag:$0x3] =	sbarrier.arrive $0xFFFF  }
0x250: {  	_ =	shalt  }

</sc_bundles>
